<compile_context>
chip_gen: v7x
topology: tpu7x:2x2x1
jax: 0.10.2.dev20260603
libtpu: 0.0.44.dev20260713+nightly
codegen_flags: <defaults>
</compile_context>

<pallas_src>
import functools

import jax
import jax.numpy as jnp
from jax import lax
from jax.experimental import pallas as pl
from jax.experimental.pallas import tpu as pltpu
from jax.experimental.pallas import tpu_sc as plsc

NC = 2
NS = 16
NW = NC * NS
L = 16

B = 4
NV = 4096
FG = 8192
FP = 8192
EU = 3 * FP


def _edge_prep(pred_faces):
    f = pred_faces.astype(jnp.int32)
    u = jnp.concatenate([f[:, 0], f[:, 1], f[:, 2]], axis=0)
    v = jnp.concatenate([f[:, 1], f[:, 2], f[:, 0]], axis=0)
    key = jnp.minimum(u, v) * NV + jnp.maximum(u, v)
    skey = jnp.sort(key)
    first = jnp.concatenate(
        [jnp.ones((1,), dtype=bool), skey[1:] != skey[:-1]])
    ea = skey >> 12
    eb = skey & (NV - 1)
    return ea, eb, first.astype(jnp.float32), jnp.sum(first)



def _normals_sc(gv_flat, gf_flat):
    fpt = FG // NS
    mesh = plsc.VectorSubcoreMesh(core_axis_name="c", subcore_axis_name="s")

    @functools.partial(
        pl.kernel,
        out_type=jax.ShapeDtypeStruct((B * 3 * NV,), jnp.float32),
        mesh=mesh,
        compiler_params=pltpu.CompilerParams(needs_layout_passes=False),
        scratch_types=dict(
            f0=pltpu.VMEM((fpt,), jnp.int32),
            f1=pltpu.VMEM((fpt,), jnp.int32),
            f2=pltpu.VMEM((fpt,), jnp.int32),
            fnx=pltpu.VMEM((fpt,), jnp.float32),
            fny=pltpu.VMEM((fpt,), jnp.float32),
            fnz=pltpu.VMEM((fpt,), jnp.float32),
            vtx0=pltpu.VMEM((NV,), jnp.float32),
            vty0=pltpu.VMEM((NV,), jnp.float32),
            vtz0=pltpu.VMEM((NV,), jnp.float32),
            vtx1=pltpu.VMEM((NV,), jnp.float32),
            vty1=pltpu.VMEM((NV,), jnp.float32),
            vtz1=pltpu.VMEM((NV,), jnp.float32),
            zbuf=pltpu.VMEM((NV // NS,), jnp.float32),
            shx=pltpu.VMEM_SHARED((NV,), jnp.float32),
            shy=pltpu.VMEM_SHARED((NV,), jnp.float32),
            shz=pltpu.VMEM_SHARED((NV,), jnp.float32),
            sem=pltpu.SemaphoreType.DMA,
            sem2=pltpu.SemaphoreType.DMA,
        ),
    )
    def k(gv_hbm, gf_hbm, out_hbm, f0, f1, f2, fnx, fny, fnz,
          vtx0, vty0, vtz0, vtx1, vty1, vtz1, zbuf, shx, shy, shz,
          sem, sem2):
        core = lax.axis_index("c")
        sid = lax.axis_index("s")
        nsl = NV // NS
        vt = [(vtx0, vty0, vtz0), (vtx1, vty1, vtz1)]

        pltpu.sync_copy(gf_hbm.at[pl.ds(0 * FG + sid * fpt, fpt)], f0)
        pltpu.sync_copy(gf_hbm.at[pl.ds(1 * FG + sid * fpt, fpt)], f1)
        pltpu.sync_copy(gf_hbm.at[pl.ds(2 * FG + sid * fpt, fpt)], f2)

        for i in range(nsl // L):
            zbuf[pl.ds(i * L, L)] = jnp.zeros((L,), jnp.float32)

        def issue(lb):
            row = (core * 2 + lb) * 3
            return [pltpu.async_copy(gv_hbm.at[pl.ds((row + c) * NV, NV)],
                                     vt[lb][c], sem) for c in range(3)]

        descs = issue(0)
        for lb in range(2):
            b = core * 2 + lb
            row = b * 3
            pltpu.sync_copy(zbuf, shx.at[pl.ds(sid * nsl, nsl)])
            pltpu.sync_copy(zbuf, shy.at[pl.ds(sid * nsl, nsl)])
            pltpu.sync_copy(zbuf, shz.at[pl.ds(sid * nsl, nsl)])
            for d in descs:
                d.wait()
            if lb == 0:
                descs = issue(1)
            vtx, vty, vtz = vt[lb]
            plsc.subcore_barrier()

            def face_chunk(j, _):
                sl = pl.ds(j * L, L)
                a = f0[sl]
                bb = f1[sl]
                cc = f2[sl]
                v0x = plsc.load_gather(vtx, [a])
                v0y = plsc.load_gather(vty, [a])
                v0z = plsc.load_gather(vtz, [a])
                v1x = plsc.load_gather(vtx, [bb])
                v1y = plsc.load_gather(vty, [bb])
                v1z = plsc.load_gather(vtz, [bb])
                v2x = plsc.load_gather(vtx, [cc])
                v2y = plsc.load_gather(vty, [cc])
                v2z = plsc.load_gather(vtz, [cc])
                e1x, e1y, e1z = v1x - v0x, v1y - v0y, v1z - v0z
                e2x, e2y, e2z = v2x - v0x, v2y - v0y, v2z - v0z
                fnx[sl] = e1y * e2z - e1z * e2y
                fny[sl] = e1z * e2x - e1x * e2z
                fnz[sl] = e1x * e2y - e1y * e2x
                return 0

            lax.fori_loop(0, fpt // L, face_chunk, 0)

            adds = []
            for fidx in (f0, f1, f2):
                adds.append(pltpu.async_copy(fnx, shx.at[fidx], sem2,
                                             add=True))
                adds.append(pltpu.async_copy(fny, shy.at[fidx], sem2,
                                             add=True))
                adds.append(pltpu.async_copy(fnz, shz.at[fidx], sem2,
                                             add=True))
            for d in adds:
                d.wait()
            plsc.subcore_barrier()

            sl = pl.ds(sid * nsl, nsl)
            pltpu.sync_copy(shx.at[sl], fnx.at[pl.ds(0, nsl)])
            pltpu.sync_copy(shy.at[sl], fny.at[pl.ds(0, nsl)])
            pltpu.sync_copy(shz.at[sl], fnz.at[pl.ds(0, nsl)])

            def norm_chunk(j, _):
                cs = pl.ds(j * L, L)
                x = fnx[cs]
                y = fny[cs]
                z = fnz[cs]
                nn = x * x + y * y + z * z
                bits = plsc.bitcast(nn, jnp.int32)
                r = plsc.bitcast(0x5F3759DF - (bits >> 1), jnp.float32)
                for _i in range(3):
                    r = r * (1.5 - 0.5 * nn * r * r)
                r = jnp.where(nn > 1e-35, r, 0.0)
                fnx[cs] = x * r
                fny[cs] = y * r
                fnz[cs] = z * r
                return 0

            lax.fori_loop(0, nsl // L, norm_chunk, 0)
            pltpu.sync_copy(fnx.at[pl.ds(0, nsl)],
                            out_hbm.at[pl.ds((row + 0) * NV + sid * nsl, nsl)])
            pltpu.sync_copy(fny.at[pl.ds(0, nsl)],
                            out_hbm.at[pl.ds((row + 1) * NV + sid * nsl, nsl)])
            pltpu.sync_copy(fnz.at[pl.ds(0, nsl)],
                            out_hbm.at[pl.ds((row + 2) * NV + sid * nsl, nsl)])
            plsc.subcore_barrier()

    return k(gv_flat, gf_flat)



BP = 1024
NVC = 2048


def _chamfer_tc(pv, gvt):

    def body(pv_ref, gvt_ref, idx_ref):
        p = pv_ref[0]
        g = gvt_ref[0]
        g2 = jnp.sum(g * g, axis=0, keepdims=True)
        p2 = jnp.sum(p * p, axis=1, keepdims=True)
        bf = jnp.bfloat16
        f32 = jnp.float32
        rg = -2.0 * g
        rgh = rg.astype(bf)
        rgl = (rg - rgh.astype(f32)).astype(bf)
        g2h = g2.astype(bf)
        g2l = (g2 - g2h.astype(f32)).astype(bf)
        ph = p.astype(bf)
        pl_ = (p - ph.astype(f32)).astype(bf)
        p2h = p2.astype(bf)
        p2l = (p2 - p2h.astype(f32)).astype(bf)
        ones_c = jnp.ones((BP, 1), bf)
        zeros_c = jnp.zeros((BP, 3), bf)
        lhs16 = jnp.concatenate(
            [ph, ph, pl_, ones_c, ones_c, p2h, p2l, zeros_c], axis=1)
        ones_r = jnp.ones((1, NV), bf)
        zeros_r = jnp.zeros((3, NV), bf)
        rhs16 = jnp.concatenate(
            [rgh, rgl, rgh, g2h, g2l, ones_r, ones_r, zeros_r], axis=0)
        dn = (((1,), (0,)), ((), ()))
        ids = lax.broadcasted_iota(jnp.int32, (BP, NVC), 1)
        mks = []
        for h in range(NV // NVC):
            d = lax.dot_general(lhs16, rhs16[:, h * NVC:(h + 1) * NVC], dn,
                                preferred_element_type=jnp.float32)
            bits = lax.bitcast_convert_type(d, jnp.int32)
            key = lax.bitcast_convert_type((bits & ~(NVC - 1)) | ids, jnp.float32)
            mks.append(jnp.min(key, axis=1, keepdims=True))
        m = mks[0]
        for mk in mks[1:]:
            m = jnp.minimum(m, mk)
        amin = None
        for h, mk in enumerate(mks):
            lid = lax.bitcast_convert_type(mk, jnp.int32) & (NVC - 1)
            cand = jnp.where(mk <= m, lid + h * NVC, NV)
            amin = cand if amin is None else jnp.minimum(amin, cand)
        idx_ref[0, 0] = jnp.transpose(amin, (1, 0))

    return pl.pallas_call(
        body,
        grid=(B, NV // BP),
        in_specs=[
            pl.BlockSpec((1, BP, 3), lambda b, i: (b, i, 0)),
            pl.BlockSpec((1, 3, NV), lambda b, i: (b, 0, 0)),
        ],
        out_specs=pl.BlockSpec((1, 1, 1, BP), lambda b, i: (b, i, 0, 0)),
        out_shape=jax.ShapeDtypeStruct((B, NV // BP, 1, BP), jnp.int32),
    )(pv, gvt)



def _edge_loss_sc(ea, eb, ew, idx, pvt_flat, nhat_flat):
    epw = EU // NW
    psl = 3 * NV // NS
    isl = NV // NS
    mesh = plsc.VectorSubcoreMesh(core_axis_name="c", subcore_axis_name="s")

    @functools.partial(
        pl.kernel,
        out_type=jax.ShapeDtypeStruct((NW * L,), jnp.float32),
        mesh=mesh,
        compiler_params=pltpu.CompilerParams(needs_layout_passes=False),
        scratch_types=dict(
            eas=pltpu.VMEM((epw,), jnp.int32),
            ebs=pltpu.VMEM((epw,), jnp.int32),
            ews=pltpu.VMEM((epw,), jnp.float32),
            idxt=pltpu.VMEM((NV,), jnp.int32),
            px=pltpu.VMEM((NV,), jnp.float32),
            py=pltpu.VMEM((NV,), jnp.float32),
            pz=pltpu.VMEM((NV,), jnp.float32),
            nx=pltpu.VMEM((NV,), jnp.float32),
            ny=pltpu.VMEM((NV,), jnp.float32),
            nz=pltpu.VMEM((NV,), jnp.float32),
            accb=pltpu.VMEM((L,), jnp.float32),
            shp0=pltpu.VMEM_SHARED((3 * NV,), jnp.float32),
            shp1=pltpu.VMEM_SHARED((3 * NV,), jnp.float32),
            shn0=pltpu.VMEM_SHARED((3 * NV,), jnp.float32),
            shn1=pltpu.VMEM_SHARED((3 * NV,), jnp.float32),
            shi0=pltpu.VMEM_SHARED((NV,), jnp.int32),
            shi1=pltpu.VMEM_SHARED((NV,), jnp.int32),
            sem=pltpu.SemaphoreType.DMA,
        ),
    )
    def k(ea_hbm, eb_hbm, ew_hbm, idx_hbm, pv_hbm, nh_hbm, out_hbm,
          eas, ebs, ews, idxt, px, py, pz, nx, ny, nz, accb,
          shp0, shp1, shn0, shn1, shi0, shi1, sem):
        core = lax.axis_index("c")
        sid = lax.axis_index("s")
        wid = sid * NC + core
        base = wid * epw
        edescs = [
            pltpu.async_copy(ea_hbm.at[pl.ds(base, epw)], eas, sem),
            pltpu.async_copy(eb_hbm.at[pl.ds(base, epw)], ebs, sem),
            pltpu.async_copy(ew_hbm.at[pl.ds(base, epw)], ews, sem),
        ]
        shp = (shp0, shp1)
        shn = (shn0, shn1)
        shi = (shi0, shi1)

        def stripe(b):
            p = b % 2
            return [
                pltpu.async_copy(
                    pv_hbm.at[pl.ds(b * 3 * NV + sid * psl, psl)],
                    shp[p].at[pl.ds(sid * psl, psl)], sem),
                pltpu.async_copy(
                    nh_hbm.at[pl.ds(b * 3 * NV + sid * psl, psl)],
                    shn[p].at[pl.ds(sid * psl, psl)], sem),
                pltpu.async_copy(
                    idx_hbm.at[pl.ds(b * NV + sid * isl, isl)],
                    shi[p].at[pl.ds(sid * isl, isl)], sem),
            ]

        descs = stripe(0)
        for d in edescs:
            d.wait()

        acc = jnp.zeros((L,), jnp.float32)
        for b in range(B):
            p = b % 2
            for d in descs:
                d.wait()
            plsc.subcore_barrier()
            pltpu.sync_copy(shp[p].at[pl.ds(0 * NV, NV)], px)
            pltpu.sync_copy(shp[p].at[pl.ds(1 * NV, NV)], py)
            pltpu.sync_copy(shp[p].at[pl.ds(2 * NV, NV)], pz)
            pltpu.sync_copy(shn[p].at[pl.ds(0 * NV, NV)], nx)
            pltpu.sync_copy(shn[p].at[pl.ds(1 * NV, NV)], ny)
            pltpu.sync_copy(shn[p].at[pl.ds(2 * NV, NV)], nz)
            pltpu.sync_copy(shi[p], idxt)
            if b + 1 < B:
                descs = stripe(b + 1)

            def edge_chunk(j, acc):
                sl = pl.ds(j * L, L)
                a = eas[sl]
                bb = ebs[sl]
                w = ews[sl]
                ia = plsc.load_gather(idxt, [a])
                ib = plsc.load_gather(idxt, [bb])
                dx = plsc.load_gather(px, [a]) - plsc.load_gather(px, [bb])
                dy = plsc.load_gather(py, [a]) - plsc.load_gather(py, [bb])
                dz = plsc.load_gather(pz, [a]) - plsc.load_gather(pz, [bb])
                d1 = dx * plsc.load_gather(nx, [ia]) \
                    + dy * plsc.load_gather(ny, [ia]) \
                    + dz * plsc.load_gather(nz, [ia])
                d2 = dx * plsc.load_gather(nx, [ib]) \
                    + dy * plsc.load_gather(ny, [ib]) \
                    + dz * plsc.load_gather(nz, [ib])
                return acc + (jnp.abs(d1) + jnp.abs(d2)) * w

            acc = lax.fori_loop(0, epw // L, edge_chunk, acc)

        accb[...] = acc
        pltpu.sync_copy(accb, out_hbm.at[pl.ds(wid * L, L)])

    return k(ea, eb, ew, idx, pvt_flat, nhat_flat)




def kernel(pred_vertices, pred_faces, gt_vertices, gt_faces):
    pred_vertices = pred_vertices.astype(jnp.float32)
    gt_vertices = gt_vertices.astype(jnp.float32)

    ea, eb, ew, nuniq = _edge_prep(pred_faces)

    gv_flat = jnp.transpose(gt_vertices, (0, 2, 1)).reshape(-1)
    pvt = jnp.transpose(pred_vertices, (0, 2, 1))
    pvt_flat = pvt.reshape(-1)
    gf_flat = jnp.transpose(gt_faces.astype(jnp.int32), (1, 0)).reshape(-1)

    nhat_flat = _normals_sc(gv_flat, gf_flat)
    gvt = jnp.transpose(gt_vertices, (0, 2, 1))
    idx3 = _chamfer_tc(pred_vertices, gvt)
    partials = _edge_loss_sc(ea, eb, ew, idx3.reshape(-1),
                             pvt_flat, nhat_flat)

    denom = (B * 2 * nuniq).astype(jnp.float32)
    return jnp.sum(partials) / denom

# --- scband reference (transcript-rebuilt; emitter-appended) ---
"""Pipeline reference for scband-chamfer-normal-loss-13091060318819 (READ-ONLY COPY).

The authoritative reference and input builder live on the scoring server;
editing this copy changes nothing except your own understanding.
"""

import jax, jax.numpy as jnp
import numpy as np


def get_edges(faces):
    # faces: int[F, 3] -> unique undirected edges, then both directions
    e = jnp.concatenate([faces[:, 0:2], faces[:, 1:3], faces[:, jnp.array([2, 0])]], axis=0)
    e = jnp.sort(e, axis=1)
    key = e[:, 0] * (jnp.max(e) + 1) + e[:, 1]
    order = jnp.argsort(key)
    e = e[order]
    key = key[order]
    first = jnp.concatenate([jnp.ones((1,), dtype=bool), key[1:] != key[:-1]])
    e = jnp.concatenate([e, e[:, ::-1]], axis=0)
    mask = jnp.concatenate([first, first])
    return e, mask


def verts_normals(verts, faces):
    # verts: [N, 3], faces: [F, 3] -> un-normalized per-vertex normals via face-normal scatter-add
    v0 = verts[faces[:, 0]]
    v1 = verts[faces[:, 1]]
    v2 = verts[faces[:, 2]]
    fn = jnp.cross(v1 - v0, v2 - v0)
    n = jnp.zeros_like(verts)
    n = n.at[faces[:, 0]].add(fn)
    n = n.at[faces[:, 1]].add(fn)
    n = n.at[faces[:, 2]].add(fn)
    return n


def setup_inputs(seed: int = 0) -> dict:
    key = jax.random.key(seed)
    k1, k2, k3, k4 = jax.random.split(key, 4)
    B, Np, Ng, Fp, Fg = 4, 4096, 4096, 8192, 8192
    pred_vertices = jax.random.normal(k1, (B, Np, 3), dtype=jnp.float32)
    gt_vertices = jax.random.normal(k2, (B, Ng, 3), dtype=jnp.float32)
    pred_faces = jax.random.randint(k3, (Fp, 3), 0, Np).astype(jnp.int64)
    gt_faces = jax.random.randint(k4, (Fg, 3), 0, Ng).astype(jnp.int64)
    return {"pred_vertices": pred_vertices, "pred_faces": pred_faces, "gt_vertices": gt_vertices, "gt_faces": gt_faces}


def reference(pred_vertices, pred_faces, gt_vertices, gt_faces):
    B = pred_vertices.shape[0]
    edges, edge_mask = get_edges(pred_faces)
    pred_edges = pred_vertices[:, edges[:, 0], :] - pred_vertices[:, edges[:, 1], :]
    # chamfer nearest-neighbor indices: for each pred vertex, index of nearest gt vertex
    idx_list = []
    for b in range(B):
        d = jnp.sum((pred_vertices[b][:, None, :] - gt_vertices[b][None, :, :]) ** 2, axis=-1)
        idx_list.append(jnp.argmin(d, axis=-1))
    near_gt_indices = jnp.stack(idx_list)
    gt_normals = jax.vmap(lambda v: verts_normals(v, gt_faces))(gt_vertices)
    near_gt_normals = jnp.stack([gt_normals[b][near_gt_indices[b], :] for b in range(B)])
    norm = jnp.linalg.norm(near_gt_normals, axis=2, keepdims=True)
    near_gt_normals = near_gt_normals / jnp.clip(norm, 1e-12)
    near_gt_normals = near_gt_normals[:, edges[:, 0], :]
    vals = jnp.abs(jnp.sum(pred_edges * near_gt_normals, axis=2))
    normal_loss = jnp.sum(vals * edge_mask) / (B * jnp.sum(edge_mask))
    return normal_loss

if __name__ == "__main__":
    import jax
    _d = setup_inputs()
    print(jax.jit(kernel)(*tuple(_d.values())))

</pallas_src>

<mosaic_0001>
#map = affine_map<(d0, d1) -> (0)>
module attributes {stable_mosaic.version = 14 : i64} {
  func.func @k(%arg0: i32, %arg1: i32, %arg2: memref<49152xf32, #tpu.memory_space<hbm>>, %arg3: memref<24576xi32, #tpu.memory_space<hbm>>, %arg4: memref<49152xf32, #tpu.memory_space<hbm>>, %arg5: memref<512xi32, #tpu.memory_space<vmem>>, %arg6: memref<512xi32, #tpu.memory_space<vmem>>, %arg7: memref<512xi32, #tpu.memory_space<vmem>>, %arg8: memref<512xf32, #tpu.memory_space<vmem>>, %arg9: memref<512xf32, #tpu.memory_space<vmem>>, %arg10: memref<512xf32, #tpu.memory_space<vmem>>, %arg11: memref<!tpu.dma_semaphore, #tpu.memory_space<semaphore_mem>>, %arg12: memref<!tpu.dma_semaphore, #tpu.memory_space<semaphore_mem>>, %arg13: memref<4096xf32, #tpu.memory_space<vmem_shared>>, %arg14: memref<4096xf32, #tpu.memory_space<vmem_shared>>, %arg15: memref<4096xf32, #tpu.memory_space<vmem_shared>>, %arg16: memref<4096xf32, #tpu.memory_space<vmem>>, %arg17: memref<4096xf32, #tpu.memory_space<vmem>>, %arg18: memref<4096xf32, #tpu.memory_space<vmem>>, %arg19: memref<4096xf32, #tpu.memory_space<vmem>>, %arg20: memref<4096xf32, #tpu.memory_space<vmem>>, %arg21: memref<4096xf32, #tpu.memory_space<vmem>>, %arg22: memref<256xf32, #tpu.memory_space<vmem>>) attributes {dimension_semantics = [#tpu.dimension_semantics<core_parallel>, #tpu.dimension_semantics<subcore_parallel>], iteration_bounds = array<i64: 2, 16>, scalar_prefetch = 0 : i64, scratch_operands = 18 : i64, tpu.core_type = #tpu.core_type<sc_vector_subcore>, window_params = [{transform_indices = #map}, {transform_indices = #map}, {transform_indices = #map}]} {
    %mul3A = arith.constant 512 : i32
    %mul3A_0 = arith.muli %arg1, %mul3A : i32
    %add3A = arith.constant 0 : i32
    %add3A_1 = arith.addi %add3A, %mul3A_0 : i32
    "tpu.region"() ({
      %run_scoped3A = tpu.sem_alloc : memref<!tpu.dma_semaphore, #tpu.memory_space<semaphore_mem>>
      %dma_start3A_304 = tpu.memref_slice %arg3[%add3A_1] : memref<24576xi32, #tpu.memory_space<hbm>> -> memref<512xi32, #tpu.memory_space<hbm>>
      %dma_start3A_305 = tpu.memref_slice %arg3[%add3A_1] : memref<24576xi32, #tpu.memory_space<hbm>> -> memref<512xi32, #tpu.memory_space<hbm>>
      tpu.enqueue_dma source(%dma_start3A_305 : memref<512xi32, #tpu.memory_space<hbm>>) target(%arg5 : memref<512xi32, #tpu.memory_space<vmem>>) target_semaphore(%run_scoped3A : memref<!tpu.dma_semaphore, #tpu.memory_space<semaphore_mem>>)
      %dma_wait3A_306 = tpu.memref_slice %arg3[%add3A_1] : memref<24576xi32, #tpu.memory_space<hbm>> -> memref<512xi32, #tpu.memory_space<hbm>>
      %dma_wait3A_307 = tpu.memref_slice %arg3[%add3A_1] : memref<24576xi32, #tpu.memory_space<hbm>> -> memref<512xi32, #tpu.memory_space<hbm>>
      tpu.wait_dma2 semaphore(%run_scoped3A : memref<!tpu.dma_semaphore, #tpu.memory_space<semaphore_mem>>) src(%dma_wait3A_307 : memref<512xi32, #tpu.memory_space<hbm>>) dst(%arg5 : memref<512xi32, #tpu.memory_space<vmem>>)
      tpu.yield
    }) : () -> ()
    %mul3A_2 = arith.constant 512 : i32
    %mul3A_3 = arith.muli %arg1, %mul3A_2 : i32
    %add3A_4 = arith.constant 8192 : i32
    %add3A_5 = arith.addi %add3A_4, %mul3A_3 : i32
    "tpu.region"() ({
      %run_scoped3A = tpu.sem_alloc : memref<!tpu.dma_semaphore, #tpu.memory_space<semaphore_mem>>
      %dma_start3A_304 = tpu.memref_slice %arg3[%add3A_5] : memref<24576xi32, #tpu.memory_space<hbm>> -> memref<512xi32, #tpu.memory_space<hbm>>
      %dma_start3A_305 = tpu.memref_slice %arg3[%add3A_5] : memref<24576xi32, #tpu.memory_space<hbm>> -> memref<512xi32, #tpu.memory_space<hbm>>
      tpu.enqueue_dma source(%dma_start3A_305 : memref<512xi32, #tpu.memory_space<hbm>>) target(%arg6 : memref<512xi32, #tpu.memory_space<vmem>>) target_semaphore(%run_scoped3A : memref<!tpu.dma_semaphore, #tpu.memory_space<semaphore_mem>>)
      %dma_wait3A_306 = tpu.memref_slice %arg3[%add3A_5] : memref<24576xi32, #tpu.memory_space<hbm>> -> memref<512xi32, #tpu.memory_space<hbm>>
      %dma_wait3A_307 = tpu.memref_slice %arg3[%add3A_5] : memref<24576xi32, #tpu.memory_space<hbm>> -> memref<512xi32, #tpu.memory_space<hbm>>
      tpu.wait_dma2 semaphore(%run_scoped3A : memref<!tpu.dma_semaphore, #tpu.memory_space<semaphore_mem>>) src(%dma_wait3A_307 : memref<512xi32, #tpu.memory_space<hbm>>) dst(%arg6 : memref<512xi32, #tpu.memory_space<vmem>>)
      tpu.yield
    }) : () -> ()
    %mul3A_6 = arith.constant 512 : i32
    %mul3A_7 = arith.muli %arg1, %mul3A_6 : i32
    %add3A_8 = arith.constant 16384 : i32
    %add3A_9 = arith.addi %add3A_8, %mul3A_7 : i32
    "tpu.region"() ({
      %run_scoped3A = tpu.sem_alloc : memref<!tpu.dma_semaphore, #tpu.memory_space<semaphore_mem>>
      %dma_start3A_304 = tpu.memref_slice %arg3[%add3A_9] : memref<24576xi32, #tpu.memory_space<hbm>> -> memref<512xi32, #tpu.memory_space<hbm>>
      %dma_start3A_305 = tpu.memref_slice %arg3[%add3A_9] : memref<24576xi32, #tpu.memory_space<hbm>> -> memref<512xi32, #tpu.memory_space<hbm>>
      tpu.enqueue_dma source(%dma_start3A_305 : memref<512xi32, #tpu.memory_space<hbm>>) target(%arg7 : memref<512xi32, #tpu.memory_space<vmem>>) target_semaphore(%run_scoped3A : memref<!tpu.dma_semaphore, #tpu.memory_space<semaphore_mem>>)
      %dma_wait3A_306 = tpu.memref_slice %arg3[%add3A_9] : memref<24576xi32, #tpu.memory_space<hbm>> -> memref<512xi32, #tpu.memory_space<hbm>>
      %dma_wait3A_307 = tpu.memref_slice %arg3[%add3A_9] : memref<24576xi32, #tpu.memory_space<hbm>> -> memref<512xi32, #tpu.memory_space<hbm>>
      tpu.wait_dma2 semaphore(%run_scoped3A : memref<!tpu.dma_semaphore, #tpu.memory_space<semaphore_mem>>) src(%dma_wait3A_307 : memref<512xi32, #tpu.memory_space<hbm>>) dst(%arg7 : memref<512xi32, #tpu.memory_space<vmem>>)
      tpu.yield
    }) : () -> ()
    %broadcast_in_dim3A = arith.constant 0.000000e+00 : f32
    %broadcast_in_dim3A_10 = vector.broadcast %broadcast_in_dim3A : f32 to vector<16xf32>
    %swap3A = arith.constant 0 : index
    %swap3A_11 = tpu.vector_load %arg22[%swap3A] {strides = array<i32>} : memref<256xf32, #tpu.memory_space<vmem>>, vector<16xf32>,
    tpu.vector_store %arg22[%swap3A], %broadcast_in_dim3A_10 {strides = array<i32>} : memref<256xf32, #tpu.memory_space<vmem>>, vector<16xf32>,
    %broadcast_in_dim3A_12 = arith.constant 0.000000e+00 : f32
    %broadcast_in_dim3A_13 = vector.broadcast %broadcast_in_dim3A_12 : f32 to vector<16xf32>
    %swap3A_14 = arith.constant 16 : index
    %swap3A_15 = tpu.vector_load %arg22[%swap3A_14] {strides = array<i32>} : memref<256xf32, #tpu.memory_space<vmem>>, vector<16xf32>,
    tpu.vector_store %arg22[%swap3A_14], %broadcast_in_dim3A_13 {strides = array<i32>} : memref<256xf32, #tpu.memory_space<vmem>>, vector<16xf32>,
    %broadcast_in_dim3A_16 = arith.constant 0.000000e+00 : f32
    %broadcast_in_dim3A_17 = vector.broadcast %broadcast_in_dim3A_16 : f32 to vector<16xf32>
    %swap3A_18 = arith.constant 32 : index
    %swap3A_19 = tpu.vector_load %arg22[%swap3A_18] {strides = array<i32>} : memref<256xf32, #tpu.memory_space<vmem>>, vector<16xf32>,
    tpu.vector_store %arg22[%swap3A_18], %broadcast_in_dim3A_17 {strides = array<i32>} : memref<256xf32, #tpu.memory_space<vmem>>, vector<16xf32>,
    %broadcast_in_dim3A_20 = arith.constant 0.000000e+00 : f32
    %broadcast_in_dim3A_21 = vector.broadcast %broadcast_in_dim3A_20 : f32 to vector<16xf32>
    %swap3A_22 = arith.constant 48 : index
    %swap3A_23 = tpu.vector_load %arg22[%swap3A_22] {strides = array<i32>} : memref<256xf32, #tpu.memory_space<vmem>>, vector<16xf32>,
    tpu.vector_store %arg22[%swap3A_22], %broadcast_in_dim3A_21 {strides = array<i32>} : memref<256xf32, #tpu.memory_space<vmem>>, vector<16xf32>,
    %broadcast_in_dim3A_24 = arith.constant 0.000000e+00 : f32
    %broadcast_in_dim3A_25 = vector.broadcast %broadcast_in_dim3A_24 : f32 to vector<16xf32>
    %swap3A_26 = arith.constant 64 : index
    %swap3A_27 = tpu.vector_load %arg22[%swap3A_26] {strides = array<i32>} : memref<256xf32, #tpu.memory_space<vmem>>, vector<16xf32>,
    tpu.vector_store %arg22[%swap3A_26], %broadcast_in_dim3A_25 {strides = array<i32>} : memref<256xf32, #tpu.memory_space<vmem>>, vector<16xf32>,
    %broadcast_in_dim3A_28 = arith.constant 0.000000e+00 : f32
    %broadcast_in_dim3A_29 = vector.broadcast %broadcast_in_dim3A_28 : f32 to vector<16xf32>
    %swap3A_30 = arith.constant 80 : index
    %swap3A_31 = tpu.vector_load %arg22[%swap3A_30] {strides = array<i32>} : memref<256xf32, #tpu.memory_space<vmem>>, vector<16xf32>,
    tpu.vector_store %arg22[%swap3A_30], %broadcast_in_dim3A_29 {strides = array<i32>} : memref<256xf32, #tpu.memory_space<vmem>>, vector<16xf32>,
    %broadcast_in_dim3A_32 = arith.constant 0.000000e+00 : f32
    %broadcast_in_dim3A_33 = vector.broadcast %broadcast_in_dim3A_32 : f32 to vector<16xf32>
    %swap3A_34 = arith.constant 96 : index
    %swap3A_35 = tpu.vector_load %arg22[%swap3A_34] {strides = array<i32>} : memref<256xf32, #tpu.memory_space<vmem>>, vector<16xf32>,
    tpu.vector_store %arg22[%swap3A_34], %broadcast_in_dim3A_33 {strides = array<i32>} : memref<256xf32, #tpu.memory_space<vmem>>, vector<16xf32>,
    %broadcast_in_dim3A_36 = arith.constant 0.000000e+00 : f32
    %broadcast_in_dim3A_37 = vector.broadcast %broadcast_in_dim3A_36 : f32 to vector<16xf32>
    %swap3A_38 = arith.constant 112 : index
    %swap3A_39 = tpu.vector_load %arg22[%swap3A_38] {strides = array<i32>} : memref<256xf32, #tpu.memory_space<vmem>>, vector<16xf32>,
    tpu.vector_store %arg22[%swap3A_38], %broadcast_in_dim3A_37 {strides = array<i32>} : memref<256xf32, #tpu.memory_space<vmem>>, vector<16xf32>,
    %broadcast_in_dim3A_40 = arith.constant 0.000000e+00 : f32
    %broadcast_in_dim3A_41 = vector.broadcast %broadcast_in_dim3A_40 : f32 to vector<16xf32>
    %swap3A_42 = arith.constant 128 : index
    %swap3A_43 = tpu.vector_load %arg22[%swap3A_42] {strides = array<i32>} : memref<256xf32, #tpu.memory_space<vmem>>, vector<16xf32>,
    tpu.vector_store %arg22[%swap3A_42], %broadcast_in_dim3A_41 {strides = array<i32>} : memref<256xf32, #tpu.memory_space<vmem>>, vector<16xf32>,
    %broadcast_in_dim3A_44 = arith.constant 0.000000e+00 : f32
    %broadcast_in_dim3A_45 = vector.broadcast %broadcast_in_dim3A_44 : f32 to vector<16xf32>
    %swap3A_46 = arith.constant 144 : index
    %swap3A_47 = tpu.vector_load %arg22[%swap3A_46] {strides = array<i32>} : memref<256xf32, #tpu.memory_space<vmem>>, vector<16xf32>,
    tpu.vector_store %arg22[%swap3A_46], %broadcast_in_dim3A_45 {strides = array<i32>} : memref<256xf32, #tpu.memory_space<vmem>>, vector<16xf32>,
    %broadcast_in_dim3A_48 = arith.constant 0.000000e+00 : f32
    %broadcast_in_dim3A_49 = vector.broadcast %broadcast_in_dim3A_48 : f32 to vector<16xf32>
    %swap3A_50 = arith.constant 160 : index
    %swap3A_51 = tpu.vector_load %arg22[%swap3A_50] {strides = array<i32>} : memref<256xf32, #tpu.memory_space<vmem>>, vector<16xf32>,
    tpu.vector_store %arg22[%swap3A_50], %broadcast_in_dim3A_49 {strides = array<i32>} : memref<256xf32, #tpu.memory_space<vmem>>, vector<16xf32>,
    %broadcast_in_dim3A_52 = arith.constant 0.000000e+00 : f32
    %broadcast_in_dim3A_53 = vector.broadcast %broadcast_in_dim3A_52 : f32 to vector<16xf32>
    %swap3A_54 = arith.constant 176 : index
    %swap3A_55 = tpu.vector_load %arg22[%swap3A_54] {strides = array<i32>} : memref<256xf32, #tpu.memory_space<vmem>>, vector<16xf32>,
    tpu.vector_store %arg22[%swap3A_54], %broadcast_in_dim3A_53 {strides = array<i32>} : memref<256xf32, #tpu.memory_space<vmem>>, vector<16xf32>,
    %broadcast_in_dim3A_56 = arith.constant 0.000000e+00 : f32
    %broadcast_in_dim3A_57 = vector.broadcast %broadcast_in_dim3A_56 : f32 to vector<16xf32>
    %swap3A_58 = arith.constant 192 : index
    %swap3A_59 = tpu.vector_load %arg22[%swap3A_58] {strides = array<i32>} : memref<256xf32, #tpu.memory_space<vmem>>, vector<16xf32>,
    tpu.vector_store %arg22[%swap3A_58], %broadcast_in_dim3A_57 {strides = array<i32>} : memref<256xf32, #tpu.memory_space<vmem>>, vector<16xf32>,
    %broadcast_in_dim3A_60 = arith.constant 0.000000e+00 : f32
    %broadcast_in_dim3A_61 = vector.broadcast %broadcast_in_dim3A_60 : f32 to vector<16xf32>
    %swap3A_62 = arith.constant 208 : index
    %swap3A_63 = tpu.vector_load %arg22[%swap3A_62] {strides = array<i32>} : memref<256xf32, #tpu.memory_space<vmem>>, vector<16xf32>,
    tpu.vector_store %arg22[%swap3A_62], %broadcast_in_dim3A_61 {strides = array<i32>} : memref<256xf32, #tpu.memory_space<vmem>>, vector<16xf32>,
    %broadcast_in_dim3A_64 = arith.constant 0.000000e+00 : f32
    %broadcast_in_dim3A_65 = vector.broadcast %broadcast_in_dim3A_64 : f32 to vector<16xf32>
    %swap3A_66 = arith.constant 224 : index
    %swap3A_67 = tpu.vector_load %arg22[%swap3A_66] {strides = array<i32>} : memref<256xf32, #tpu.memory_space<vmem>>, vector<16xf32>,
    tpu.vector_store %arg22[%swap3A_66], %broadcast_in_dim3A_65 {strides = array<i32>} : memref<256xf32, #tpu.memory_space<vmem>>, vector<16xf32>,
    %broadcast_in_dim3A_68 = arith.constant 0.000000e+00 : f32
    %broadcast_in_dim3A_69 = vector.broadcast %broadcast_in_dim3A_68 : f32 to vector<16xf32>
    %swap3A_70 = arith.constant 240 : index
    %swap3A_71 = tpu.vector_load %arg22[%swap3A_70] {strides = array<i32>} : memref<256xf32, #tpu.memory_space<vmem>>, vector<16xf32>,
    tpu.vector_store %arg22[%swap3A_70], %broadcast_in_dim3A_69 {strides = array<i32>} : memref<256xf32, #tpu.memory_space<vmem>>, vector<16xf32>,
    %mul3A_72 = arith.constant 2 : i32
    %mul3A_73 = arith.muli %arg0, %mul3A_72 : i32
    %add3A_74 = arith.constant 0 : i32
    %add3A_75 = arith.addi %mul3A_73, %add3A_74 : i32
    %mul3A_76 = arith.constant 3 : i32
    %mul3A_77 = arith.muli %add3A_75, %mul3A_76 : i32
    %add3A_78 = arith.constant 0 : i32
    %add3A_79 = arith.addi %mul3A_77, %add3A_78 : i32
    %mul3A_80 = arith.constant 4096 : i32
    %mul3A_81 = arith.muli %add3A_79, %mul3A_80 : i32
    %dma_start3A = tpu.memref_slice %arg2[%mul3A_81] : memref<49152xf32, #tpu.memory_space<hbm>> -> memref<4096xf32, #tpu.memory_space<hbm>>
    %dma_start3A_82 = tpu.memref_slice %arg2[%mul3A_81] : memref<49152xf32, #tpu.memory_space<hbm>> -> memref<4096xf32, #tpu.memory_space<hbm>>
    tpu.enqueue_dma source(%dma_start3A_82 : memref<4096xf32, #tpu.memory_space<hbm>>) target(%arg16 : memref<4096xf32, #tpu.memory_space<vmem>>) target_semaphore(%arg11 : memref<!tpu.dma_semaphore, #tpu.memory_space<semaphore_mem>>)
    %add3A_83 = arith.constant 1 : i32
    %add3A_84 = arith.addi %mul3A_77, %add3A_83 : i32
    %mul3A_85 = arith.constant 4096 : i32
    %mul3A_86 = arith.muli %add3A_84, %mul3A_85 : i32
    %dma_start3A_87 = tpu.memref_slice %arg2[%mul3A_86] : memref<49152xf32, #tpu.memory_space<hbm>> -> memref<4096xf32, #tpu.memory_space<hbm>>
    %dma_start3A_88 = tpu.memref_slice %arg2[%mul3A_86] : memref<49152xf32, #tpu.memory_space<hbm>> -> memref<4096xf32, #tpu.memory_space<hbm>>
    tpu.enqueue_dma source(%dma_start3A_88 : memref<4096xf32, #tpu.memory_space<hbm>>) target(%arg18 : memref<4096xf32, #tpu.memory_space<vmem>>) target_semaphore(%arg11 : memref<!tpu.dma_semaphore, #tpu.memory_space<semaphore_mem>>)
    %add3A_89 = arith.constant 2 : i32
    %add3A_90 = arith.addi %mul3A_77, %add3A_89 : i32
    %mul3A_91 = arith.constant 4096 : i32
    %mul3A_92 = arith.muli %add3A_90, %mul3A_91 : i32
    %dma_start3A_93 = tpu.memref_slice %arg2[%mul3A_92] : memref<49152xf32, #tpu.memory_space<hbm>> -> memref<4096xf32, #tpu.memory_space<hbm>>
    %dma_start3A_94 = tpu.memref_slice %arg2[%mul3A_92] : memref<49152xf32, #tpu.memory_space<hbm>> -> memref<4096xf32, #tpu.memory_space<hbm>>
    tpu.enqueue_dma source(%dma_start3A_94 : memref<4096xf32, #tpu.memory_space<hbm>>) target(%arg20 : memref<4096xf32, #tpu.memory_space<vmem>>) target_semaphore(%arg11 : memref<!tpu.dma_semaphore, #tpu.memory_space<semaphore_mem>>)
    %mul3A_95 = arith.constant 2 : i32
    %mul3A_96 = arith.muli %arg0, %mul3A_95 : i32
    %add3A_97 = arith.constant 0 : i32
    %add3A_98 = arith.addi %mul3A_96, %add3A_97 : i32
    %mul3A_99 = arith.constant 3 : i32
    %mul3A_100 = arith.muli %add3A_98, %mul3A_99 : i32
    %mul3A_101 = arith.constant 256 : i32
    %mul3A_102 = arith.muli %arg1, %mul3A_101 : i32
    "tpu.region"() ({
      %run_scoped3A = tpu.sem_alloc : memref<!tpu.dma_semaphore, #tpu.memory_space<semaphore_mem>>
      %dma_start3A_304 = tpu.memref_slice %arg13[%mul3A_102] : memref<4096xf32, #tpu.memory_space<vmem_shared>> -> memref<256xf32, #tpu.memory_space<vmem_shared>>
      %dma_start3A_305 = tpu.memref_slice %arg13[%mul3A_102] : memref<4096xf32, #tpu.memory_space<vmem_shared>> -> memref<256xf32, #tpu.memory_space<vmem_shared>>
      tpu.enqueue_dma source(%arg22 : memref<256xf32, #tpu.memory_space<vmem>>) target(%dma_start3A_305 : memref<256xf32, #tpu.memory_space<vmem_shared>>) target_semaphore(%run_scoped3A : memref<!tpu.dma_semaphore, #tpu.memory_space<semaphore_mem>>)
      %dma_wait3A_306 = tpu.memref_slice %arg13[%mul3A_102] : memref<4096xf32, #tpu.memory_space<vmem_shared>> -> memref<256xf32, #tpu.memory_space<vmem_shared>>
      %dma_wait3A_307 = tpu.memref_slice %arg13[%mul3A_102] : memref<4096xf32, #tpu.memory_space<vmem_shared>> -> memref<256xf32, #tpu.memory_space<vmem_shared>>
      tpu.wait_dma2 semaphore(%run_scoped3A : memref<!tpu.dma_semaphore, #tpu.memory_space<semaphore_mem>>) src(%arg22 : memref<256xf32, #tpu.memory_space<vmem>>) dst(%dma_wait3A_307 : memref<256xf32, #tpu.memory_space<vmem_shared>>)
      tpu.yield
    }) : () -> ()
    %mul3A_103 = arith.constant 256 : i32
    %mul3A_104 = arith.muli %arg1, %mul3A_103 : i32
    "tpu.region"() ({
      %run_scoped3A = tpu.sem_alloc : memref<!tpu.dma_semaphore, #tpu.memory_space<semaphore_mem>>
      %dma_start3A_304 = tpu.memref_slice %arg14[%mul3A_104] : memref<4096xf32, #tpu.memory_space<vmem_shared>> -> memref<256xf32, #tpu.memory_space<vmem_shared>>
      %dma_start3A_305 = tpu.memref_slice %arg14[%mul3A_104] : memref<4096xf32, #tpu.memory_space<vmem_shared>> -> memref<256xf32, #tpu.memory_space<vmem_shared>>
      tpu.enqueue_dma source(%arg22 : memref<256xf32, #tpu.memory_space<vmem>>) target(%dma_start3A_305 : memref<256xf32, #tpu.memory_space<vmem_shared>>) target_semaphore(%run_scoped3A : memref<!tpu.dma_semaphore, #tpu.memory_space<semaphore_mem>>)
      %dma_wait3A_306 = tpu.memref_slice %arg14[%mul3A_104] : memref<4096xf32, #tpu.memory_space<vmem_shared>> -> memref<256xf32, #tpu.memory_space<vmem_shared>>
      %dma_wait3A_307 = tpu.memref_slice %arg14[%mul3A_104] : memref<4096xf32, #tpu.memory_space<vmem_shared>> -> memref<256xf32, #tpu.memory_space<vmem_shared>>
      tpu.wait_dma2 semaphore(%run_scoped3A : memref<!tpu.dma_semaphore, #tpu.memory_space<semaphore_mem>>) src(%arg22 : memref<256xf32, #tpu.memory_space<vmem>>) dst(%dma_wait3A_307 : memref<256xf32, #tpu.memory_space<vmem_shared>>)
      tpu.yield
    }) : () -> ()
    %mul3A_105 = arith.constant 256 : i32
    %mul3A_106 = arith.muli %arg1, %mul3A_105 : i32
    "tpu.region"() ({
      %run_scoped3A = tpu.sem_alloc : memref<!tpu.dma_semaphore, #tpu.memory_space<semaphore_mem>>
      %dma_start3A_304 = tpu.memref_slice %arg15[%mul3A_106] : memref<4096xf32, #tpu.memory_space<vmem_shared>> -> memref<256xf32, #tpu.memory_space<vmem_shared>>
      %dma_start3A_305 = tpu.memref_slice %arg15[%mul3A_106] : memref<4096xf32, #tpu.memory_space<vmem_shared>> -> memref<256xf32, #tpu.memory_space<vmem_shared>>
      tpu.enqueue_dma source(%arg22 : memref<256xf32, #tpu.memory_space<vmem>>) target(%dma_start3A_305 : memref<256xf32, #tpu.memory_space<vmem_shared>>) target_semaphore(%run_scoped3A : memref<!tpu.dma_semaphore, #tpu.memory_space<semaphore_mem>>)
      %dma_wait3A_306 = tpu.memref_slice %arg15[%mul3A_106] : memref<4096xf32, #tpu.memory_space<vmem_shared>> -> memref<256xf32, #tpu.memory_space<vmem_shared>>
      %dma_wait3A_307 = tpu.memref_slice %arg15[%mul3A_106] : memref<4096xf32, #tpu.memory_space<vmem_shared>> -> memref<256xf32, #tpu.memory_space<vmem_shared>>
      tpu.wait_dma2 semaphore(%run_scoped3A : memref<!tpu.dma_semaphore, #tpu.memory_space<semaphore_mem>>) src(%arg22 : memref<256xf32, #tpu.memory_space<vmem>>) dst(%dma_wait3A_307 : memref<256xf32, #tpu.memory_space<vmem_shared>>)
      tpu.yield
    }) : () -> ()
    %dma_wait3A = tpu.memref_slice %arg2[%mul3A_81] : memref<49152xf32, #tpu.memory_space<hbm>> -> memref<4096xf32, #tpu.memory_space<hbm>>
    %dma_wait3A_107 = tpu.memref_slice %arg2[%mul3A_81] : memref<49152xf32, #tpu.memory_space<hbm>> -> memref<4096xf32, #tpu.memory_space<hbm>>
    tpu.wait_dma2 semaphore(%arg11 : memref<!tpu.dma_semaphore, #tpu.memory_space<semaphore_mem>>) src(%dma_wait3A_107 : memref<4096xf32, #tpu.memory_space<hbm>>) dst(%arg16 : memref<4096xf32, #tpu.memory_space<vmem>>)
    %dma_wait3A_108 = tpu.memref_slice %arg2[%mul3A_86] : memref<49152xf32, #tpu.memory_space<hbm>> -> memref<4096xf32, #tpu.memory_space<hbm>>
    %dma_wait3A_109 = tpu.memref_slice %arg2[%mul3A_86] : memref<49152xf32, #tpu.memory_space<hbm>> -> memref<4096xf32, #tpu.memory_space<hbm>>
    tpu.wait_dma2 semaphore(%arg11 : memref<!tpu.dma_semaphore, #tpu.memory_space<semaphore_mem>>) src(%dma_wait3A_109 : memref<4096xf32, #tpu.memory_space<hbm>>) dst(%arg18 : memref<4096xf32, #tpu.memory_space<vmem>>)
    %dma_wait3A_110 = tpu.memref_slice %arg2[%mul3A_92] : memref<49152xf32, #tpu.memory_space<hbm>> -> memref<4096xf32, #tpu.memory_space<hbm>>
    %dma_wait3A_111 = tpu.memref_slice %arg2[%mul3A_92] : memref<49152xf32, #tpu.memory_space<hbm>> -> memref<4096xf32, #tpu.memory_space<hbm>>
    tpu.wait_dma2 semaphore(%arg11 : memref<!tpu.dma_semaphore, #tpu.memory_space<semaphore_mem>>) src(%dma_wait3A_111 : memref<4096xf32, #tpu.memory_space<hbm>>) dst(%arg20 : memref<4096xf32, #tpu.memory_space<vmem>>)
    %mul3A_112 = arith.constant 2 : i32
    %mul3A_113 = arith.muli %arg0, %mul3A_112 : i32
    %add3A_114 = arith.constant 1 : i32
    %add3A_115 = arith.addi %mul3A_113, %add3A_114 : i32
    %mul3A_116 = arith.constant 3 : i32
    %mul3A_117 = arith.muli %add3A_115, %mul3A_116 : i32
    %add3A_118 = arith.constant 0 : i32
    %add3A_119 = arith.addi %mul3A_117, %add3A_118 : i32
    %mul3A_120 = arith.constant 4096 : i32
    %mul3A_121 = arith.muli %add3A_119, %mul3A_120 : i32
    %dma_start3A_122 = tpu.memref_slice %arg2[%mul3A_121] : memref<49152xf32, #tpu.memory_space<hbm>> -> memref<4096xf32, #tpu.memory_space<hbm>>
    %dma_start3A_123 = tpu.memref_slice %arg2[%mul3A_121] : memref<49152xf32, #tpu.memory_space<hbm>> -> memref<4096xf32, #tpu.memory_space<hbm>>
    tpu.enqueue_dma source(%dma_start3A_123 : memref<4096xf32, #tpu.memory_space<hbm>>) target(%arg17 : memref<4096xf32, #tpu.memory_space<vmem>>) target_semaphore(%arg11 : memref<!tpu.dma_semaphore, #tpu.memory_space<semaphore_mem>>)
    %add3A_124 = arith.constant 1 : i32
    %add3A_125 = arith.addi %mul3A_117, %add3A_124 : i32
    %mul3A_126 = arith.constant 4096 : i32
    %mul3A_127 = arith.muli %add3A_125, %mul3A_126 : i32
    %dma_start3A_128 = tpu.memref_slice %arg2[%mul3A_127] : memref<49152xf32, #tpu.memory_space<hbm>> -> memref<4096xf32, #tpu.memory_space<hbm>>
    %dma_start3A_129 = tpu.memref_slice %arg2[%mul3A_127] : memref<49152xf32, #tpu.memory_space<hbm>> -> memref<4096xf32, #tpu.memory_space<hbm>>
    tpu.enqueue_dma source(%dma_start3A_129 : memref<4096xf32, #tpu.memory_space<hbm>>) target(%arg19 : memref<4096xf32, #tpu.memory_space<vmem>>) target_semaphore(%arg11 : memref<!tpu.dma_semaphore, #tpu.memory_space<semaphore_mem>>)
    %add3A_130 = arith.constant 2 : i32
    %add3A_131 = arith.addi %mul3A_117, %add3A_130 : i32
    %mul3A_132 = arith.constant 4096 : i32
    %mul3A_133 = arith.muli %add3A_131, %mul3A_132 : i32
    %dma_start3A_134 = tpu.memref_slice %arg2[%mul3A_133] : memref<49152xf32, #tpu.memory_space<hbm>> -> memref<4096xf32, #tpu.memory_space<hbm>>
    %dma_start3A_135 = tpu.memref_slice %arg2[%mul3A_133] : memref<49152xf32, #tpu.memory_space<hbm>> -> memref<4096xf32, #tpu.memory_space<hbm>>
    tpu.enqueue_dma source(%dma_start3A_135 : memref<4096xf32, #tpu.memory_space<hbm>>) target(%arg21 : memref<4096xf32, #tpu.memory_space<vmem>>) target_semaphore(%arg11 : memref<!tpu.dma_semaphore, #tpu.memory_space<semaphore_mem>>)
    %barrier3A = arith.constant 0 : index
    tpu.barrier barrier_id(%barrier3A)
    %scan3A = arith.constant 0 : i32
    %scan3A_136 = arith.constant 0 : i32
    %scan3A_137 = arith.constant 32 : i32
    %scan3A_138 = arith.addi %scan3A_136, %scan3A_137 : i32
    %scan3A_139 = arith.constant 1 : i32
    %scan3A_140 = scf.for %scan3A_304 = %scan3A_136 to %scan3A_138 step %scan3A_139 iter_args(%scan3A_305 = %scan3A) -> (i32)  : i32 {
      %mul3A_306 = arith.constant 16 : i32
      %mul3A_307 = arith.muli %scan3A_304, %mul3A_306 : i32
      %get3A = arith.index_cast %mul3A_307 : i32 to index
      %get3A_308 = tpu.vector_load %arg5[%get3A] {strides = array<i32>} : memref<512xi32, #tpu.memory_space<vmem>>, vector<16xi32>,
      %get3A_309 = arith.index_cast %mul3A_307 : i32 to index
      %get3A_310 = tpu.vector_load %arg6[%get3A_309] {strides = array<i32>} : memref<512xi32, #tpu.memory_space<vmem>>, vector<16xi32>,
      %get3A_311 = arith.index_cast %mul3A_307 : i32 to index
      %get3A_312 = tpu.vector_load %arg7[%get3A_311] {strides = array<i32>} : memref<512xi32, #tpu.memory_space<vmem>>, vector<16xi32>,
      %gather3A = tpu.vector_load_idx %arg16[%get3A_308] : memref<4096xf32, #tpu.memory_space<vmem>>[vector<16xi32>], vector<16xf32>,
      %gather3A_313 = tpu.vector_load_idx %arg18[%get3A_308] : memref<4096xf32, #tpu.memory_space<vmem>>[vector<16xi32>], vector<16xf32>,
      %gather3A_314 = tpu.vector_load_idx %arg20[%get3A_308] : memref<4096xf32, #tpu.memory_space<vmem>>[vector<16xi32>], vector<16xf32>,
      %gather3A_315 = tpu.vector_load_idx %arg16[%get3A_310] : memref<4096xf32, #tpu.memory_space<vmem>>[vector<16xi32>], vector<16xf32>,
      %gather3A_316 = tpu.vector_load_idx %arg18[%get3A_310] : memref<4096xf32, #tpu.memory_space<vmem>>[vector<16xi32>], vector<16xf32>,
      %gather3A_317 = tpu.vector_load_idx %arg20[%get3A_310] : memref<4096xf32, #tpu.memory_space<vmem>>[vector<16xi32>], vector<16xf32>,
      %gather3A_318 = tpu.vector_load_idx %arg16[%get3A_312] : memref<4096xf32, #tpu.memory_space<vmem>>[vector<16xi32>], vector<16xf32>,
      %gather3A_319 = tpu.vector_load_idx %arg18[%get3A_312] : memref<4096xf32, #tpu.memory_space<vmem>>[vector<16xi32>], vector<16xf32>,
      %gather3A_320 = tpu.vector_load_idx %arg20[%get3A_312] : memref<4096xf32, #tpu.memory_space<vmem>>[vector<16xi32>], vector<16xf32>,
      %sub3A = arith.subf %gather3A_315, %gather3A : vector<16xf32>
      %sub3A_321 = arith.subf %gather3A_316, %gather3A_313 : vector<16xf32>
      %sub3A_322 = arith.subf %gather3A_317, %gather3A_314 : vector<16xf32>
      %sub3A_323 = arith.subf %gather3A_318, %gather3A : vector<16xf32>
      %sub3A_324 = arith.subf %gather3A_319, %gather3A_313 : vector<16xf32>
      %sub3A_325 = arith.subf %gather3A_320, %gather3A_314 : vector<16xf32>
      %mul3A_326 = arith.mulf %sub3A_321, %sub3A_325 : vector<16xf32>
      %mul3A_327 = arith.mulf %sub3A_322, %sub3A_324 : vector<16xf32>
      %sub3A_328 = arith.subf %mul3A_326, %mul3A_327 : vector<16xf32>
      %swap3A_329 = arith.index_cast %mul3A_307 : i32 to index
      %swap3A_330 = tpu.vector_load %arg8[%swap3A_329] {strides = array<i32>} : memref<512xf32, #tpu.memory_space<vmem>>, vector<16xf32>,
      tpu.vector_store %arg8[%swap3A_329], %sub3A_328 {strides = array<i32>} : memref<512xf32, #tpu.memory_space<vmem>>, vector<16xf32>,
      %mul3A_331 = arith.mulf %sub3A_322, %sub3A_323 : vector<16xf32>
      %mul3A_332 = arith.mulf %sub3A, %sub3A_325 : vector<16xf32>
      %sub3A_333 = arith.subf %mul3A_331, %mul3A_332 : vector<16xf32>
      %swap3A_334 = arith.index_cast %mul3A_307 : i32 to index
      %swap3A_335 = tpu.vector_load %arg9[%swap3A_334] {strides = array<i32>} : memref<512xf32, #tpu.memory_space<vmem>>, vector<16xf32>,
      tpu.vector_store %arg9[%swap3A_334], %sub3A_333 {strides = array<i32>} : memref<512xf32, #tpu.memory_space<vmem>>, vector<16xf32>,
      %mul3A_336 = arith.mulf %sub3A, %sub3A_324 : vector<16xf32>
      %mul3A_337 = arith.mulf %sub3A_321, %sub3A_323 : vector<16xf32>
      %sub3A_338 = arith.subf %mul3A_336, %mul3A_337 : vector<16xf32>
      %swap3A_339 = arith.index_cast %mul3A_307 : i32 to index
      %swap3A_340 = tpu.vector_load %arg10[%swap3A_339] {strides = array<i32>} : memref<512xf32, #tpu.memory_space<vmem>>, vector<16xf32>,
      tpu.vector_store %arg10[%swap3A_339], %sub3A_338 {strides = array<i32>} : memref<512xf32, #tpu.memory_space<vmem>>, vector<16xf32>,
      %scan3A_341 = arith.constant 0 : i32
      scf.yield %scan3A_341 : i32
    }
    %scan3A_141 = arith.constant 32 : i32
    %dma_start3A_142 = arith.constant 0 : i32
    %dma_start3A_143 = tpu.memref_slice %arg13[%dma_start3A_142] : memref<4096xf32, #tpu.memory_space<vmem_shared>> -> memref<4096xf32, #tpu.memory_space<vmem_shared>>
    tpu.enqueue_indirect_dma source(%arg8 : memref<512xf32, #tpu.memory_space<vmem>>) target(%dma_start3A_143 : memref<4096xf32, #tpu.memory_space<vmem_shared>>) offsets(%arg5 : memref<512xi32, #tpu.memory_space<vmem>>) semaphore(%arg12 : memref<!tpu.dma_semaphore, #tpu.memory_space<semaphore_mem>>) {add = true}
    %dma_start3A_144 = arith.constant 0 : i32
    %dma_start3A_145 = tpu.memref_slice %arg14[%dma_start3A_144] : memref<4096xf32, #tpu.memory_space<vmem_shared>> -> memref<4096xf32, #tpu.memory_space<vmem_shared>>
    tpu.enqueue_indirect_dma source(%arg9 : memref<512xf32, #tpu.memory_space<vmem>>) target(%dma_start3A_145 : memref<4096xf32, #tpu.memory_space<vmem_shared>>) offsets(%arg5 : memref<512xi32, #tpu.memory_space<vmem>>) semaphore(%arg12 : memref<!tpu.dma_semaphore, #tpu.memory_space<semaphore_mem>>) {add = true}
    %dma_start3A_146 = arith.constant 0 : i32
    %dma_start3A_147 = tpu.memref_slice %arg15[%dma_start3A_146] : memref<4096xf32, #tpu.memory_space<vmem_shared>> -> memref<4096xf32, #tpu.memory_space<vmem_shared>>
    tpu.enqueue_indirect_dma source(%arg10 : memref<512xf32, #tpu.memory_space<vmem>>) target(%dma_start3A_147 : memref<4096xf32, #tpu.memory_space<vmem_shared>>) offsets(%arg5 : memref<512xi32, #tpu.memory_space<vmem>>) semaphore(%arg12 : memref<!tpu.dma_semaphore, #tpu.memory_space<semaphore_mem>>) {add = true}
    %dma_start3A_148 = arith.constant 0 : i32
    %dma_start3A_149 = tpu.memref_slice %arg13[%dma_start3A_148] : memref<4096xf32, #tpu.memory_space<vmem_shared>> -> memref<4096xf32, #tpu.memory_space<vmem_shared>>
    tpu.enqueue_indirect_dma source(%arg8 : memref<512xf32, #tpu.memory_space<vmem>>) target(%dma_start3A_149 : memref<4096xf32, #tpu.memory_space<vmem_shared>>) offsets(%arg6 : memref<512xi32, #tpu.memory_space<vmem>>) semaphore(%arg12 : memref<!tpu.dma_semaphore, #tpu.memory_space<semaphore_mem>>) {add = true}
    %dma_start3A_150 = arith.constant 0 : i32
    %dma_start3A_151 = tpu.memref_slice %arg14[%dma_start3A_150] : memref<4096xf32, #tpu.memory_space<vmem_shared>> -> memref<4096xf32, #tpu.memory_space<vmem_shared>>
    tpu.enqueue_indirect_dma source(%arg9 : memref<512xf32, #tpu.memory_space<vmem>>) target(%dma_start3A_151 : memref<4096xf32, #tpu.memory_space<vmem_shared>>) offsets(%arg6 : memref<512xi32, #tpu.memory_space<vmem>>) semaphore(%arg12 : memref<!tpu.dma_semaphore, #tpu.memory_space<semaphore_mem>>) {add = true}
    %dma_start3A_152 = arith.constant 0 : i32
    %dma_start3A_153 = tpu.memref_slice %arg15[%dma_start3A_152] : memref<4096xf32, #tpu.memory_space<vmem_shared>> -> memref<4096xf32, #tpu.memory_space<vmem_shared>>
    tpu.enqueue_indirect_dma source(%arg10 : memref<512xf32, #tpu.memory_space<vmem>>) target(%dma_start3A_153 : memref<4096xf32, #tpu.memory_space<vmem_shared>>) offsets(%arg6 : memref<512xi32, #tpu.memory_space<vmem>>) semaphore(%arg12 : memref<!tpu.dma_semaphore, #tpu.memory_space<semaphore_mem>>) {add = true}
    %dma_start3A_154 = arith.constant 0 : i32
    %dma_start3A_155 = tpu.memref_slice %arg13[%dma_start3A_154] : memref<4096xf32, #tpu.memory_space<vmem_shared>> -> memref<4096xf32, #tpu.memory_space<vmem_shared>>
    tpu.enqueue_indirect_dma source(%arg8 : memref<512xf32, #tpu.memory_space<vmem>>) target(%dma_start3A_155 : memref<4096xf32, #tpu.memory_space<vmem_shared>>) offsets(%arg7 : memref<512xi32, #tpu.memory_space<vmem>>) semaphore(%arg12 : memref<!tpu.dma_semaphore, #tpu.memory_space<semaphore_mem>>) {add = true}
    %dma_start3A_156 = arith.constant 0 : i32
    %dma_start3A_157 = tpu.memref_slice %arg14[%dma_start3A_156] : memref<4096xf32, #tpu.memory_space<vmem_shared>> -> memref<4096xf32, #tpu.memory_space<vmem_shared>>
    tpu.enqueue_indirect_dma source(%arg9 : memref<512xf32, #tpu.memory_space<vmem>>) target(%dma_start3A_157 : memref<4096xf32, #tpu.memory_space<vmem_shared>>) offsets(%arg7 : memref<512xi32, #tpu.memory_space<vmem>>) semaphore(%arg12 : memref<!tpu.dma_semaphore, #tpu.memory_space<semaphore_mem>>) {add = true}
    %dma_start3A_158 = arith.constant 0 : i32
    %dma_start3A_159 = tpu.memref_slice %arg15[%dma_start3A_158] : memref<4096xf32, #tpu.memory_space<vmem_shared>> -> memref<4096xf32, #tpu.memory_space<vmem_shared>>
    tpu.enqueue_indirect_dma source(%arg10 : memref<512xf32, #tpu.memory_space<vmem>>) target(%dma_start3A_159 : memref<4096xf32, #tpu.memory_space<vmem_shared>>) offsets(%arg7 : memref<512xi32, #tpu.memory_space<vmem>>) semaphore(%arg12 : memref<!tpu.dma_semaphore, #tpu.memory_space<semaphore_mem>>) {add = true}
    %dma_wait3A_160 = arith.constant 0 : i32
    %dma_wait3A_161 = tpu.memref_slice %arg13[%dma_wait3A_160] : memref<4096xf32, #tpu.memory_space<vmem_shared>> -> memref<4096xf32, #tpu.memory_space<vmem_shared>>
    tpu.wait_indirect_dma semaphore(%arg12 : memref<!tpu.dma_semaphore, #tpu.memory_space<semaphore_mem>>) src(%arg8 : memref<512xf32, #tpu.memory_space<vmem>>) dst(%dma_wait3A_161 : memref<4096xf32, #tpu.memory_space<vmem_shared>>)
    %dma_wait3A_162 = arith.constant 0 : i32
    %dma_wait3A_163 = tpu.memref_slice %arg14[%dma_wait3A_162] : memref<4096xf32, #tpu.memory_space<vmem_shared>> -> memref<4096xf32, #tpu.memory_space<vmem_shared>>
    tpu.wait_indirect_dma semaphore(%arg12 : memref<!tpu.dma_semaphore, #tpu.memory_space<semaphore_mem>>) src(%arg9 : memref<512xf32, #tpu.memory_space<vmem>>) dst(%dma_wait3A_163 : memref<4096xf32, #tpu.memory_space<vmem_shared>>)
    %dma_wait3A_164 = arith.constant 0 : i32
    %dma_wait3A_165 = tpu.memref_slice %arg15[%dma_wait3A_164] : memref<4096xf32, #tpu.memory_space<vmem_shared>> -> memref<4096xf32, #tpu.memory_space<vmem_shared>>
    tpu.wait_indirect_dma semaphore(%arg12 : memref<!tpu.dma_semaphore, #tpu.memory_space<semaphore_mem>>) src(%arg10 : memref<512xf32, #tpu.memory_space<vmem>>) dst(%dma_wait3A_165 : memref<4096xf32, #tpu.memory_space<vmem_shared>>)
    %dma_wait3A_166 = arith.constant 0 : i32
    %dma_wait3A_167 = tpu.memref_slice %arg13[%dma_wait3A_166] : memref<4096xf32, #tpu.memory_space<vmem_shared>> -> memref<4096xf32, #tpu.memory_space<vmem_shared>>
    tpu.wait_indirect_dma semaphore(%arg12 : memref<!tpu.dma_semaphore, #tpu.memory_space<semaphore_mem>>) src(%arg8 : memref<512xf32, #tpu.memory_space<vmem>>) dst(%dma_wait3A_167 : memref<4096xf32, #tpu.memory_space<vmem_shared>>)
    %dma_wait3A_168 = arith.constant 0 : i32
    %dma_wait3A_169 = tpu.memref_slice %arg14[%dma_wait3A_168] : memref<4096xf32, #tpu.memory_space<vmem_shared>> -> memref<4096xf32, #tpu.memory_space<vmem_shared>>
    tpu.wait_indirect_dma semaphore(%arg12 : memref<!tpu.dma_semaphore, #tpu.memory_space<semaphore_mem>>) src(%arg9 : memref<512xf32, #tpu.memory_space<vmem>>) dst(%dma_wait3A_169 : memref<4096xf32, #tpu.memory_space<vmem_shared>>)
    %dma_wait3A_170 = arith.constant 0 : i32
    %dma_wait3A_171 = tpu.memref_slice %arg15[%dma_wait3A_170] : memref<4096xf32, #tpu.memory_space<vmem_shared>> -> memref<4096xf32, #tpu.memory_space<vmem_shared>>
    tpu.wait_indirect_dma semaphore(%arg12 : memref<!tpu.dma_semaphore, #tpu.memory_space<semaphore_mem>>) src(%arg10 : memref<512xf32, #tpu.memory_space<vmem>>) dst(%dma_wait3A_171 : memref<4096xf32, #tpu.memory_space<vmem_shared>>)
    %dma_wait3A_172 = arith.constant 0 : i32
    %dma_wait3A_173 = tpu.memref_slice %arg13[%dma_wait3A_172] : memref<4096xf32, #tpu.memory_space<vmem_shared>> -> memref<4096xf32, #tpu.memory_space<vmem_shared>>
    tpu.wait_indirect_dma semaphore(%arg12 : memref<!tpu.dma_semaphore, #tpu.memory_space<semaphore_mem>>) src(%arg8 : memref<512xf32, #tpu.memory_space<vmem>>) dst(%dma_wait3A_173 : memref<4096xf32, #tpu.memory_space<vmem_shared>>)
    %dma_wait3A_174 = arith.constant 0 : i32
    %dma_wait3A_175 = tpu.memref_slice %arg14[%dma_wait3A_174] : memref<4096xf32, #tpu.memory_space<vmem_shared>> -> memref<4096xf32, #tpu.memory_space<vmem_shared>>
    tpu.wait_indirect_dma semaphore(%arg12 : memref<!tpu.dma_semaphore, #tpu.memory_space<semaphore_mem>>) src(%arg9 : memref<512xf32, #tpu.memory_space<vmem>>) dst(%dma_wait3A_175 : memref<4096xf32, #tpu.memory_space<vmem_shared>>)
    %dma_wait3A_176 = arith.constant 0 : i32
    %dma_wait3A_177 = tpu.memref_slice %arg15[%dma_wait3A_176] : memref<4096xf32, #tpu.memory_space<vmem_shared>> -> memref<4096xf32, #tpu.memory_space<vmem_shared>>
    tpu.wait_indirect_dma semaphore(%arg12 : memref<!tpu.dma_semaphore, #tpu.memory_space<semaphore_mem>>) src(%arg10 : memref<512xf32, #tpu.memory_space<vmem>>) dst(%dma_wait3A_177 : memref<4096xf32, #tpu.memory_space<vmem_shared>>)
    %barrier3A_178 = arith.constant 0 : index
    tpu.barrier barrier_id(%barrier3A_178)
    %mul3A_179 = arith.constant 256 : i32
    %mul3A_180 = arith.muli %arg1, %mul3A_179 : i32
    "tpu.region"() ({
      %run_scoped3A = tpu.sem_alloc : memref<!tpu.dma_semaphore, #tpu.memory_space<semaphore_mem>>
      %dma_start3A_304 = arith.constant 0 : i32
      %dma_start3A_305 = tpu.memref_slice %arg8[%dma_start3A_304] : memref<512xf32, #tpu.memory_space<vmem>> -> memref<256xf32, #tpu.memory_space<vmem>>
      %dma_start3A_306 = tpu.memref_slice %arg13[%mul3A_180] : memref<4096xf32, #tpu.memory_space<vmem_shared>> -> memref<256xf32, #tpu.memory_space<vmem_shared>>
      %dma_start3A_307 = arith.constant 0 : i32
      %dma_start3A_308 = tpu.memref_slice %arg8[%dma_start3A_307] : memref<512xf32, #tpu.memory_space<vmem>> -> memref<256xf32, #tpu.memory_space<vmem>>
      %dma_start3A_309 = tpu.memref_slice %arg13[%mul3A_180] : memref<4096xf32, #tpu.memory_space<vmem_shared>> -> memref<256xf32, #tpu.memory_space<vmem_shared>>
      tpu.enqueue_dma source(%dma_start3A_309 : memref<256xf32, #tpu.memory_space<vmem_shared>>) target(%dma_start3A_308 : memref<256xf32, #tpu.memory_space<vmem>>) target_semaphore(%run_scoped3A : memref<!tpu.dma_semaphore, #tpu.memory_space<semaphore_mem>>)
      %dma_wait3A_310 = arith.constant 0 : i32
      %dma_wait3A_311 = tpu.memref_slice %arg8[%dma_wait3A_310] : memref<512xf32, #tpu.memory_space<vmem>> -> memref<256xf32, #tpu.memory_space<vmem>>
      %dma_wait3A_312 = tpu.memref_slice %arg13[%mul3A_180] : memref<4096xf32, #tpu.memory_space<vmem_shared>> -> memref<256xf32, #tpu.memory_space<vmem_shared>>
      %dma_wait3A_313 = arith.constant 0 : i32
      %dma_wait3A_314 = tpu.memref_slice %arg8[%dma_wait3A_313] : memref<512xf32, #tpu.memory_space<vmem>> -> memref<256xf32, #tpu.memory_space<vmem>>
      %dma_wait3A_315 = tpu.memref_slice %arg13[%mul3A_180] : memref<4096xf32, #tpu.memory_space<vmem_shared>> -> memref<256xf32, #tpu.memory_space<vmem_shared>>
      tpu.wait_dma2 semaphore(%run_scoped3A : memref<!tpu.dma_semaphore, #tpu.memory_space<semaphore_mem>>) src(%dma_wait3A_315 : memref<256xf32, #tpu.memory_space<vmem_shared>>) dst(%dma_wait3A_314 : memref<256xf32, #tpu.memory_space<vmem>>)
      tpu.yield
    }) : () -> ()
    "tpu.region"() ({
      %run_scoped3A = tpu.sem_alloc : memref<!tpu.dma_semaphore, #tpu.memory_space<semaphore_mem>>
      %dma_start3A_304 = arith.constant 0 : i32
      %dma_start3A_305 = tpu.memref_slice %arg9[%dma_start3A_304] : memref<512xf32, #tpu.memory_space<vmem>> -> memref<256xf32, #tpu.memory_space<vmem>>
      %dma_start3A_306 = tpu.memref_slice %arg14[%mul3A_180] : memref<4096xf32, #tpu.memory_space<vmem_shared>> -> memref<256xf32, #tpu.memory_space<vmem_shared>>
      %dma_start3A_307 = arith.constant 0 : i32
      %dma_start3A_308 = tpu.memref_slice %arg9[%dma_start3A_307] : memref<512xf32, #tpu.memory_space<vmem>> -> memref<256xf32, #tpu.memory_space<vmem>>
      %dma_start3A_309 = tpu.memref_slice %arg14[%mul3A_180] : memref<4096xf32, #tpu.memory_space<vmem_shared>> -> memref<256xf32, #tpu.memory_space<vmem_shared>>
      tpu.enqueue_dma source(%dma_start3A_309 : memref<256xf32, #tpu.memory_space<vmem_shared>>) target(%dma_start3A_308 : memref<256xf32, #tpu.memory_space<vmem>>) target_semaphore(%run_scoped3A : memref<!tpu.dma_semaphore, #tpu.memory_space<semaphore_mem>>)
      %dma_wait3A_310 = arith.constant 0 : i32
      %dma_wait3A_311 = tpu.memref_slice %arg9[%dma_wait3A_310] : memref<512xf32, #tpu.memory_space<vmem>> -> memref<256xf32, #tpu.memory_space<vmem>>
      %dma_wait3A_312 = tpu.memref_slice %arg14[%mul3A_180] : memref<4096xf32, #tpu.memory_space<vmem_shared>> -> memref<256xf32, #tpu.memory_space<vmem_shared>>
      %dma_wait3A_313 = arith.constant 0 : i32
      %dma_wait3A_314 = tpu.memref_slice %arg9[%dma_wait3A_313] : memref<512xf32, #tpu.memory_space<vmem>> -> memref<256xf32, #tpu.memory_space<vmem>>
      %dma_wait3A_315 = tpu.memref_slice %arg14[%mul3A_180] : memref<4096xf32, #tpu.memory_space<vmem_shared>> -> memref<256xf32, #tpu.memory_space<vmem_shared>>
      tpu.wait_dma2 semaphore(%run_scoped3A : memref<!tpu.dma_semaphore, #tpu.memory_space<semaphore_mem>>) src(%dma_wait3A_315 : memref<256xf32, #tpu.memory_space<vmem_shared>>) dst(%dma_wait3A_314 : memref<256xf32, #tpu.memory_space<vmem>>)
      tpu.yield
    }) : () -> ()
    "tpu.region"() ({
      %run_scoped3A = tpu.sem_alloc : memref<!tpu.dma_semaphore, #tpu.memory_space<semaphore_mem>>
      %dma_start3A_304 = arith.constant 0 : i32
      %dma_start3A_305 = tpu.memref_slice %arg10[%dma_start3A_304] : memref<512xf32, #tpu.memory_space<vmem>> -> memref<256xf32, #tpu.memory_space<vmem>>
      %dma_start3A_306 = tpu.memref_slice %arg15[%mul3A_180] : memref<4096xf32, #tpu.memory_space<vmem_shared>> -> memref<256xf32, #tpu.memory_space<vmem_shared>>
      %dma_start3A_307 = arith.constant 0 : i32
      %dma_start3A_308 = tpu.memref_slice %arg10[%dma_start3A_307] : memref<512xf32, #tpu.memory_space<vmem>> -> memref<256xf32, #tpu.memory_space<vmem>>
      %dma_start3A_309 = tpu.memref_slice %arg15[%mul3A_180] : memref<4096xf32, #tpu.memory_space<vmem_shared>> -> memref<256xf32, #tpu.memory_space<vmem_shared>>
      tpu.enqueue_dma source(%dma_start3A_309 : memref<256xf32, #tpu.memory_space<vmem_shared>>) target(%dma_start3A_308 : memref<256xf32, #tpu.memory_space<vmem>>) target_semaphore(%run_scoped3A : memref<!tpu.dma_semaphore, #tpu.memory_space<semaphore_mem>>)
      %dma_wait3A_310 = arith.constant 0 : i32
      %dma_wait3A_311 = tpu.memref_slice %arg10[%dma_wait3A_310] : memref<512xf32, #tpu.memory_space<vmem>> -> memref<256xf32, #tpu.memory_space<vmem>>
      %dma_wait3A_312 = tpu.memref_slice %arg15[%mul3A_180] : memref<4096xf32, #tpu.memory_space<vmem_shared>> -> memref<256xf32, #tpu.memory_space<vmem_shared>>
      %dma_wait3A_313 = arith.constant 0 : i32
      %dma_wait3A_314 = tpu.memref_slice %arg10[%dma_wait3A_313] : memref<512xf32, #tpu.memory_space<vmem>> -> memref<256xf32, #tpu.memory_space<vmem>>
      %dma_wait3A_315 = tpu.memref_slice %arg15[%mul3A_180] : memref<4096xf32, #tpu.memory_space<vmem_shared>> -> memref<256xf32, #tpu.memory_space<vmem_shared>>
      tpu.wait_dma2 semaphore(%run_scoped3A : memref<!tpu.dma_semaphore, #tpu.memory_space<semaphore_mem>>) src(%dma_wait3A_315 : memref<256xf32, #tpu.memory_space<vmem_shared>>) dst(%dma_wait3A_314 : memref<256xf32, #tpu.memory_space<vmem>>)
      tpu.yield
    }) : () -> ()
    %scan3A_181 = arith.constant 0 : i32
    %scan3A_182 = arith.constant 0 : i32
    %scan3A_183 = arith.constant 16 : i32
    %scan3A_184 = arith.addi %scan3A_182, %scan3A_183 : i32
    %scan3A_185 = arith.constant 1 : i32
    %scan3A_186 = scf.for %scan3A_304 = %scan3A_182 to %scan3A_184 step %scan3A_185 iter_args(%scan3A_305 = %scan3A_181) -> (i32)  : i32 {
      %mul3A_306 = arith.constant 16 : i32
      %mul3A_307 = arith.muli %scan3A_304, %mul3A_306 : i32
      %get3A = arith.index_cast %mul3A_307 : i32 to index
      %get3A_308 = tpu.vector_load %arg8[%get3A] {strides = array<i32>} : memref<512xf32, #tpu.memory_space<vmem>>, vector<16xf32>,
      %get3A_309 = arith.index_cast %mul3A_307 : i32 to index
      %get3A_310 = tpu.vector_load %arg9[%get3A_309] {strides = array<i32>} : memref<512xf32, #tpu.memory_space<vmem>>, vector<16xf32>,
      %get3A_311 = arith.index_cast %mul3A_307 : i32 to index
      %get3A_312 = tpu.vector_load %arg10[%get3A_311] {strides = array<i32>} : memref<512xf32, #tpu.memory_space<vmem>>, vector<16xf32>,
      %mul3A_313 = arith.mulf %get3A_308, %get3A_308 : vector<16xf32>
      %mul3A_314 = arith.mulf %get3A_310, %get3A_310 : vector<16xf32>
      %add3A_315 = arith.addf %mul3A_313, %mul3A_314 : vector<16xf32>
      %mul3A_316 = arith.mulf %get3A_312, %get3A_312 : vector<16xf32>
      %add3A_317 = arith.addf %add3A_315, %mul3A_316 : vector<16xf32>
      %bitcast3A = vector.bitcast %add3A_317 : vector<16xf32> to vector<16xi32>
      %shift_right_arithmetic3A = arith.constant 1 : i32
      %shift_right_arithmetic3A_318 = vector.broadcast %shift_right_arithmetic3A : i32 to vector<16xi32>
      %shift_right_arithmetic3A_319 = arith.shrsi %bitcast3A, %shift_right_arithmetic3A_318 : vector<16xi32>
      %sub3A = arith.constant 1597463007 : i32
      %sub3A_320 = vector.broadcast %sub3A : i32 to vector<16xi32>
      %sub3A_321 = arith.subi %sub3A_320, %shift_right_arithmetic3A_319 : vector<16xi32>
      %bitcast3A_322 = vector.bitcast %sub3A_321 : vector<16xi32> to vector<16xf32>
      %mul3A_323 = arith.constant 5.000000e-01 : f32
      %mul3A_324 = vector.broadcast %mul3A_323 : f32 to vector<16xf32>
      %mul3A_325 = arith.mulf %mul3A_324, %add3A_317 : vector<16xf32>
      %mul3A_326 = arith.mulf %mul3A_325, %bitcast3A_322 : vector<16xf32>
      %mul3A_327 = arith.mulf %mul3A_326, %bitcast3A_322 : vector<16xf32>
      %sub3A_328 = arith.constant 1.500000e+00 : f32
      %sub3A_329 = vector.broadcast %sub3A_328 : f32 to vector<16xf32>
      %sub3A_330 = arith.subf %sub3A_329, %mul3A_327 : vector<16xf32>
      %mul3A_331 = arith.mulf %bitcast3A_322, %sub3A_330 : vector<16xf32>
      %mul3A_332 = arith.constant 5.000000e-01 : f32
      %mul3A_333 = vector.broadcast %mul3A_332 : f32 to vector<16xf32>
      %mul3A_334 = arith.mulf %mul3A_333, %add3A_317 : vector<16xf32>
      %mul3A_335 = arith.mulf %mul3A_334, %mul3A_331 : vector<16xf32>
      %mul3A_336 = arith.mulf %mul3A_335, %mul3A_331 : vector<16xf32>
      %sub3A_337 = arith.constant 1.500000e+00 : f32
      %sub3A_338 = vector.broadcast %sub3A_337 : f32 to vector<16xf32>
      %sub3A_339 = arith.subf %sub3A_338, %mul3A_336 : vector<16xf32>
      %mul3A_340 = arith.mulf %mul3A_331, %sub3A_339 : vector<16xf32>
      %mul3A_341 = arith.constant 5.000000e-01 : f32
      %mul3A_342 = vector.broadcast %mul3A_341 : f32 to vector<16xf32>
      %mul3A_343 = arith.mulf %mul3A_342, %add3A_317 : vector<16xf32>
      %mul3A_344 = arith.mulf %mul3A_343, %mul3A_340 : vector<16xf32>
      %mul3A_345 = arith.mulf %mul3A_344, %mul3A_340 : vector<16xf32>
      %sub3A_346 = arith.constant 1.500000e+00 : f32
      %sub3A_347 = vector.broadcast %sub3A_346 : f32 to vector<16xf32>
      %sub3A_348 = arith.subf %sub3A_347, %mul3A_345 : vector<16xf32>
      %mul3A_349 = arith.mulf %mul3A_340, %sub3A_348 : vector<16xf32>
      %gt3A = arith.constant 1.000000e-35 : f32
      %gt3A_350 = vector.broadcast %gt3A : f32 to vector<16xf32>
      %gt3A_351 = arith.cmpf ogt, %add3A_317, %gt3A_350 : vector<16xf32>
      %jit3A = arith.constant 0.000000e+00 : f32
      %broadcast_in_dim3A_352 = vector.broadcast %jit3A : f32 to vector<16xf32>
      %select_n3A = arith.select %gt3A_351, %mul3A_349, %broadcast_in_dim3A_352 : vector<16xi1>, vector<16xf32>
      %mul3A_353 = arith.mulf %get3A_308, %select_n3A : vector<16xf32>
      %swap3A_354 = arith.index_cast %mul3A_307 : i32 to index
      %swap3A_355 = tpu.vector_load %arg8[%swap3A_354] {strides = array<i32>} : memref<512xf32, #tpu.memory_space<vmem>>, vector<16xf32>,
      tpu.vector_store %arg8[%swap3A_354], %mul3A_353 {strides = array<i32>} : memref<512xf32, #tpu.memory_space<vmem>>, vector<16xf32>,
      %mul3A_356 = arith.mulf %get3A_310, %select_n3A : vector<16xf32>
      %swap3A_357 = arith.index_cast %mul3A_307 : i32 to index
      %swap3A_358 = tpu.vector_load %arg9[%swap3A_357] {strides = array<i32>} : memref<512xf32, #tpu.memory_space<vmem>>, vector<16xf32>,
      tpu.vector_store %arg9[%swap3A_357], %mul3A_356 {strides = array<i32>} : memref<512xf32, #tpu.memory_space<vmem>>, vector<16xf32>,
      %mul3A_359 = arith.mulf %get3A_312, %select_n3A : vector<16xf32>
      %swap3A_360 = arith.index_cast %mul3A_307 : i32 to index
      %swap3A_361 = tpu.vector_load %arg10[%swap3A_360] {strides = array<i32>} : memref<512xf32, #tpu.memory_space<vmem>>, vector<16xf32>,
      tpu.vector_store %arg10[%swap3A_360], %mul3A_359 {strides = array<i32>} : memref<512xf32, #tpu.memory_space<vmem>>, vector<16xf32>,
      %scan3A_362 = arith.constant 0 : i32
      scf.yield %scan3A_362 : i32
    }
    %scan3A_187 = arith.constant 16 : i32
    %add3A_188 = arith.constant 0 : i32
    %add3A_189 = arith.addi %mul3A_100, %add3A_188 : i32
    %mul3A_190 = arith.constant 4096 : i32
    %mul3A_191 = arith.muli %add3A_189, %mul3A_190 : i32
    %mul3A_192 = arith.constant 256 : i32
    %mul3A_193 = arith.muli %arg1, %mul3A_192 : i32
    %add3A_194 = arith.addi %mul3A_191, %mul3A_193 : i32
    "tpu.region"() ({
      %run_scoped3A = tpu.sem_alloc : memref<!tpu.dma_semaphore, #tpu.memory_space<semaphore_mem>>
      %dma_start3A_304 = arith.constant 0 : i32
      %dma_start3A_305 = tpu.memref_slice %arg8[%dma_start3A_304] : memref<512xf32, #tpu.memory_space<vmem>> -> memref<256xf32, #tpu.memory_space<vmem>>
      %dma_start3A_306 = tpu.memref_slice %arg4[%add3A_194] : memref<49152xf32, #tpu.memory_space<hbm>> -> memref<256xf32, #tpu.memory_space<hbm>>
      %dma_start3A_307 = tpu.memref_slice %arg4[%add3A_194] : memref<49152xf32, #tpu.memory_space<hbm>> -> memref<256xf32, #tpu.memory_space<hbm>>
      %dma_start3A_308 = arith.constant 0 : i32
      %dma_start3A_309 = tpu.memref_slice %arg8[%dma_start3A_308] : memref<512xf32, #tpu.memory_space<vmem>> -> memref<256xf32, #tpu.memory_space<vmem>>
      tpu.enqueue_dma source(%dma_start3A_309 : memref<256xf32, #tpu.memory_space<vmem>>) target(%dma_start3A_307 : memref<256xf32, #tpu.memory_space<hbm>>) target_semaphore(%run_scoped3A : memref<!tpu.dma_semaphore, #tpu.memory_space<semaphore_mem>>)
      %dma_wait3A_310 = arith.constant 0 : i32
      %dma_wait3A_311 = tpu.memref_slice %arg8[%dma_wait3A_310] : memref<512xf32, #tpu.memory_space<vmem>> -> memref<256xf32, #tpu.memory_space<vmem>>
      %dma_wait3A_312 = tpu.memref_slice %arg4[%add3A_194] : memref<49152xf32, #tpu.memory_space<hbm>> -> memref<256xf32, #tpu.memory_space<hbm>>
      %dma_wait3A_313 = tpu.memref_slice %arg4[%add3A_194] : memref<49152xf32, #tpu.memory_space<hbm>> -> memref<256xf32, #tpu.memory_space<hbm>>
      %dma_wait3A_314 = arith.constant 0 : i32
      %dma_wait3A_315 = tpu.memref_slice %arg8[%dma_wait3A_314] : memref<512xf32, #tpu.memory_space<vmem>> -> memref<256xf32, #tpu.memory_space<vmem>>
      tpu.wait_dma2 semaphore(%run_scoped3A : memref<!tpu.dma_semaphore, #tpu.memory_space<semaphore_mem>>) src(%dma_wait3A_315 : memref<256xf32, #tpu.memory_space<vmem>>) dst(%dma_wait3A_313 : memref<256xf32, #tpu.memory_space<hbm>>)
      tpu.yield
    }) : () -> ()
    %add3A_195 = arith.constant 1 : i32
    %add3A_196 = arith.addi %mul3A_100, %add3A_195 : i32
    %mul3A_197 = arith.constant 4096 : i32
    %mul3A_198 = arith.muli %add3A_196, %mul3A_197 : i32
    %mul3A_199 = arith.constant 256 : i32
    %mul3A_200 = arith.muli %arg1, %mul3A_199 : i32
    %add3A_201 = arith.addi %mul3A_198, %mul3A_200 : i32
    "tpu.region"() ({
      %run_scoped3A = tpu.sem_alloc : memref<!tpu.dma_semaphore, #tpu.memory_space<semaphore_mem>>
      %dma_start3A_304 = arith.constant 0 : i32
      %dma_start3A_305 = tpu.memref_slice %arg9[%dma_start3A_304] : memref<512xf32, #tpu.memory_space<vmem>> -> memref<256xf32, #tpu.memory_space<vmem>>
      %dma_start3A_306 = tpu.memref_slice %arg4[%add3A_201] : memref<49152xf32, #tpu.memory_space<hbm>> -> memref<256xf32, #tpu.memory_space<hbm>>
      %dma_start3A_307 = tpu.memref_slice %arg4[%add3A_201] : memref<49152xf32, #tpu.memory_space<hbm>> -> memref<256xf32, #tpu.memory_space<hbm>>
      %dma_start3A_308 = arith.constant 0 : i32
      %dma_start3A_309 = tpu.memref_slice %arg9[%dma_start3A_308] : memref<512xf32, #tpu.memory_space<vmem>> -> memref<256xf32, #tpu.memory_space<vmem>>
      tpu.enqueue_dma source(%dma_start3A_309 : memref<256xf32, #tpu.memory_space<vmem>>) target(%dma_start3A_307 : memref<256xf32, #tpu.memory_space<hbm>>) target_semaphore(%run_scoped3A : memref<!tpu.dma_semaphore, #tpu.memory_space<semaphore_mem>>)
      %dma_wait3A_310 = arith.constant 0 : i32
      %dma_wait3A_311 = tpu.memref_slice %arg9[%dma_wait3A_310] : memref<512xf32, #tpu.memory_space<vmem>> -> memref<256xf32, #tpu.memory_space<vmem>>
      %dma_wait3A_312 = tpu.memref_slice %arg4[%add3A_201] : memref<49152xf32, #tpu.memory_space<hbm>> -> memref<256xf32, #tpu.memory_space<hbm>>
      %dma_wait3A_313 = tpu.memref_slice %arg4[%add3A_201] : memref<49152xf32, #tpu.memory_space<hbm>> -> memref<256xf32, #tpu.memory_space<hbm>>
      %dma_wait3A_314 = arith.constant 0 : i32
      %dma_wait3A_315 = tpu.memref_slice %arg9[%dma_wait3A_314] : memref<512xf32, #tpu.memory_space<vmem>> -> memref<256xf32, #tpu.memory_space<vmem>>
      tpu.wait_dma2 semaphore(%run_scoped3A : memref<!tpu.dma_semaphore, #tpu.memory_space<semaphore_mem>>) src(%dma_wait3A_315 : memref<256xf32, #tpu.memory_space<vmem>>) dst(%dma_wait3A_313 : memref<256xf32, #tpu.memory_space<hbm>>)
      tpu.yield
    }) : () -> ()
    %add3A_202 = arith.constant 2 : i32
    %add3A_203 = arith.addi %mul3A_100, %add3A_202 : i32
    %mul3A_204 = arith.constant 4096 : i32
    %mul3A_205 = arith.muli %add3A_203, %mul3A_204 : i32
    %mul3A_206 = arith.constant 256 : i32
    %mul3A_207 = arith.muli %arg1, %mul3A_206 : i32
    %add3A_208 = arith.addi %mul3A_205, %mul3A_207 : i32
    "tpu.region"() ({
      %run_scoped3A = tpu.sem_alloc : memref<!tpu.dma_semaphore, #tpu.memory_space<semaphore_mem>>
      %dma_start3A_304 = arith.constant 0 : i32
      %dma_start3A_305 = tpu.memref_slice %arg10[%dma_start3A_304] : memref<512xf32, #tpu.memory_space<vmem>> -> memref<256xf32, #tpu.memory_space<vmem>>
      %dma_start3A_306 = tpu.memref_slice %arg4[%add3A_208] : memref<49152xf32, #tpu.memory_space<hbm>> -> memref<256xf32, #tpu.memory_space<hbm>>
      %dma_start3A_307 = tpu.memref_slice %arg4[%add3A_208] : memref<49152xf32, #tpu.memory_space<hbm>> -> memref<256xf32, #tpu.memory_space<hbm>>
      %dma_start3A_308 = arith.constant 0 : i32
      %dma_start3A_309 = tpu.memref_slice %arg10[%dma_start3A_308] : memref<512xf32, #tpu.memory_space<vmem>> -> memref<256xf32, #tpu.memory_space<vmem>>
      tpu.enqueue_dma source(%dma_start3A_309 : memref<256xf32, #tpu.memory_space<vmem>>) target(%dma_start3A_307 : memref<256xf32, #tpu.memory_space<hbm>>) target_semaphore(%run_scoped3A : memref<!tpu.dma_semaphore, #tpu.memory_space<semaphore_mem>>)
      %dma_wait3A_310 = arith.constant 0 : i32
      %dma_wait3A_311 = tpu.memref_slice %arg10[%dma_wait3A_310] : memref<512xf32, #tpu.memory_space<vmem>> -> memref<256xf32, #tpu.memory_space<vmem>>
      %dma_wait3A_312 = tpu.memref_slice %arg4[%add3A_208] : memref<49152xf32, #tpu.memory_space<hbm>> -> memref<256xf32, #tpu.memory_space<hbm>>
      %dma_wait3A_313 = tpu.memref_slice %arg4[%add3A_208] : memref<49152xf32, #tpu.memory_space<hbm>> -> memref<256xf32, #tpu.memory_space<hbm>>
      %dma_wait3A_314 = arith.constant 0 : i32
      %dma_wait3A_315 = tpu.memref_slice %arg10[%dma_wait3A_314] : memref<512xf32, #tpu.memory_space<vmem>> -> memref<256xf32, #tpu.memory_space<vmem>>
      tpu.wait_dma2 semaphore(%run_scoped3A : memref<!tpu.dma_semaphore, #tpu.memory_space<semaphore_mem>>) src(%dma_wait3A_315 : memref<256xf32, #tpu.memory_space<vmem>>) dst(%dma_wait3A_313 : memref<256xf32, #tpu.memory_space<hbm>>)
      tpu.yield
    }) : () -> ()
    %barrier3A_209 = arith.constant 0 : index
    tpu.barrier barrier_id(%barrier3A_209)
    %mul3A_210 = arith.constant 2 : i32
    %mul3A_211 = arith.muli %arg0, %mul3A_210 : i32
    %add3A_212 = arith.constant 1 : i32
    %add3A_213 = arith.addi %mul3A_211, %add3A_212 : i32
    %mul3A_214 = arith.constant 3 : i32
    %mul3A_215 = arith.muli %add3A_213, %mul3A_214 : i32
    %mul3A_216 = arith.constant 256 : i32
    %mul3A_217 = arith.muli %arg1, %mul3A_216 : i32
    "tpu.region"() ({
      %run_scoped3A = tpu.sem_alloc : memref<!tpu.dma_semaphore, #tpu.memory_space<semaphore_mem>>
      %dma_start3A_304 = tpu.memref_slice %arg13[%mul3A_217] : memref<4096xf32, #tpu.memory_space<vmem_shared>> -> memref<256xf32, #tpu.memory_space<vmem_shared>>
      %dma_start3A_305 = tpu.memref_slice %arg13[%mul3A_217] : memref<4096xf32, #tpu.memory_space<vmem_shared>> -> memref<256xf32, #tpu.memory_space<vmem_shared>>
      tpu.enqueue_dma source(%arg22 : memref<256xf32, #tpu.memory_space<vmem>>) target(%dma_start3A_305 : memref<256xf32, #tpu.memory_space<vmem_shared>>) target_semaphore(%run_scoped3A : memref<!tpu.dma_semaphore, #tpu.memory_space<semaphore_mem>>)
      %dma_wait3A_306 = tpu.memref_slice %arg13[%mul3A_217] : memref<4096xf32, #tpu.memory_space<vmem_shared>> -> memref<256xf32, #tpu.memory_space<vmem_shared>>
      %dma_wait3A_307 = tpu.memref_slice %arg13[%mul3A_217] : memref<4096xf32, #tpu.memory_space<vmem_shared>> -> memref<256xf32, #tpu.memory_space<vmem_shared>>
      tpu.wait_dma2 semaphore(%run_scoped3A : memref<!tpu.dma_semaphore, #tpu.memory_space<semaphore_mem>>) src(%arg22 : memref<256xf32, #tpu.memory_space<vmem>>) dst(%dma_wait3A_307 : memref<256xf32, #tpu.memory_space<vmem_shared>>)
      tpu.yield
    }) : () -> ()
    %mul3A_218 = arith.constant 256 : i32
    %mul3A_219 = arith.muli %arg1, %mul3A_218 : i32
    "tpu.region"() ({
      %run_scoped3A = tpu.sem_alloc : memref<!tpu.dma_semaphore, #tpu.memory_space<semaphore_mem>>
      %dma_start3A_304 = tpu.memref_slice %arg14[%mul3A_219] : memref<4096xf32, #tpu.memory_space<vmem_shared>> -> memref<256xf32, #tpu.memory_space<vmem_shared>>
      %dma_start3A_305 = tpu.memref_slice %arg14[%mul3A_219] : memref<4096xf32, #tpu.memory_space<vmem_shared>> -> memref<256xf32, #tpu.memory_space<vmem_shared>>
      tpu.enqueue_dma source(%arg22 : memref<256xf32, #tpu.memory_space<vmem>>) target(%dma_start3A_305 : memref<256xf32, #tpu.memory_space<vmem_shared>>) target_semaphore(%run_scoped3A : memref<!tpu.dma_semaphore, #tpu.memory_space<semaphore_mem>>)
      %dma_wait3A_306 = tpu.memref_slice %arg14[%mul3A_219] : memref<4096xf32, #tpu.memory_space<vmem_shared>> -> memref<256xf32, #tpu.memory_space<vmem_shared>>
      %dma_wait3A_307 = tpu.memref_slice %arg14[%mul3A_219] : memref<4096xf32, #tpu.memory_space<vmem_shared>> -> memref<256xf32, #tpu.memory_space<vmem_shared>>
      tpu.wait_dma2 semaphore(%run_scoped3A : memref<!tpu.dma_semaphore, #tpu.memory_space<semaphore_mem>>) src(%arg22 : memref<256xf32, #tpu.memory_space<vmem>>) dst(%dma_wait3A_307 : memref<256xf32, #tpu.memory_space<vmem_shared>>)
      tpu.yield
    }) : () -> ()
    %mul3A_220 = arith.constant 256 : i32
    %mul3A_221 = arith.muli %arg1, %mul3A_220 : i32
    "tpu.region"() ({
      %run_scoped3A = tpu.sem_alloc : memref<!tpu.dma_semaphore, #tpu.memory_space<semaphore_mem>>
      %dma_start3A_304 = tpu.memref_slice %arg15[%mul3A_221] : memref<4096xf32, #tpu.memory_space<vmem_shared>> -> memref<256xf32, #tpu.memory_space<vmem_shared>>
      %dma_start3A_305 = tpu.memref_slice %arg15[%mul3A_221] : memref<4096xf32, #tpu.memory_space<vmem_shared>> -> memref<256xf32, #tpu.memory_space<vmem_shared>>
      tpu.enqueue_dma source(%arg22 : memref<256xf32, #tpu.memory_space<vmem>>) target(%dma_start3A_305 : memref<256xf32, #tpu.memory_space<vmem_shared>>) target_semaphore(%run_scoped3A : memref<!tpu.dma_semaphore, #tpu.memory_space<semaphore_mem>>)
      %dma_wait3A_306 = tpu.memref_slice %arg15[%mul3A_221] : memref<4096xf32, #tpu.memory_space<vmem_shared>> -> memref<256xf32, #tpu.memory_space<vmem_shared>>
      %dma_wait3A_307 = tpu.memref_slice %arg15[%mul3A_221] : memref<4096xf32, #tpu.memory_space<vmem_shared>> -> memref<256xf32, #tpu.memory_space<vmem_shared>>
      tpu.wait_dma2 semaphore(%run_scoped3A : memref<!tpu.dma_semaphore, #tpu.memory_space<semaphore_mem>>) src(%arg22 : memref<256xf32, #tpu.memory_space<vmem>>) dst(%dma_wait3A_307 : memref<256xf32, #tpu.memory_space<vmem_shared>>)
      tpu.yield
    }) : () -> ()
    %dma_wait3A_222 = tpu.memref_slice %arg2[%mul3A_121] : memref<49152xf32, #tpu.memory_space<hbm>> -> memref<4096xf32, #tpu.memory_space<hbm>>
    %dma_wait3A_223 = tpu.memref_slice %arg2[%mul3A_121] : memref<49152xf32, #tpu.memory_space<hbm>> -> memref<4096xf32, #tpu.memory_space<hbm>>
    tpu.wait_dma2 semaphore(%arg11 : memref<!tpu.dma_semaphore, #tpu.memory_space<semaphore_mem>>) src(%dma_wait3A_223 : memref<4096xf32, #tpu.memory_space<hbm>>) dst(%arg17 : memref<4096xf32, #tpu.memory_space<vmem>>)
    %dma_wait3A_224 = tpu.memref_slice %arg2[%mul3A_127] : memref<49152xf32, #tpu.memory_space<hbm>> -> memref<4096xf32, #tpu.memory_space<hbm>>
    %dma_wait3A_225 = tpu.memref_slice %arg2[%mul3A_127] : memref<49152xf32, #tpu.memory_space<hbm>> -> memref<4096xf32, #tpu.memory_space<hbm>>
    tpu.wait_dma2 semaphore(%arg11 : memref<!tpu.dma_semaphore, #tpu.memory_space<semaphore_mem>>) src(%dma_wait3A_225 : memref<4096xf32, #tpu.memory_space<hbm>>) dst(%arg19 : memref<4096xf32, #tpu.memory_space<vmem>>)
    %dma_wait3A_226 = tpu.memref_slice %arg2[%mul3A_133] : memref<49152xf32, #tpu.memory_space<hbm>> -> memref<4096xf32, #tpu.memory_space<hbm>>
    %dma_wait3A_227 = tpu.memref_slice %arg2[%mul3A_133] : memref<49152xf32, #tpu.memory_space<hbm>> -> memref<4096xf32, #tpu.memory_space<hbm>>
    tpu.wait_dma2 semaphore(%arg11 : memref<!tpu.dma_semaphore, #tpu.memory_space<semaphore_mem>>) src(%dma_wait3A_227 : memref<4096xf32, #tpu.memory_space<hbm>>) dst(%arg21 : memref<4096xf32, #tpu.memory_space<vmem>>)
    %barrier3A_228 = arith.constant 0 : index
    tpu.barrier barrier_id(%barrier3A_228)
    %scan3A_229 = arith.constant 0 : i32
    %scan3A_230 = arith.constant 0 : i32
    %scan3A_231 = arith.constant 32 : i32
    %scan3A_232 = arith.addi %scan3A_230, %scan3A_231 : i32
    %scan3A_233 = arith.constant 1 : i32
    %scan3A_234 = scf.for %scan3A_304 = %scan3A_230 to %scan3A_232 step %scan3A_233 iter_args(%scan3A_305 = %scan3A_229) -> (i32)  : i32 {
      %mul3A_306 = arith.constant 16 : i32
      %mul3A_307 = arith.muli %scan3A_304, %mul3A_306 : i32
      %get3A = arith.index_cast %mul3A_307 : i32 to index
      %get3A_308 = tpu.vector_load %arg5[%get3A] {strides = array<i32>} : memref<512xi32, #tpu.memory_space<vmem>>, vector<16xi32>,
      %get3A_309 = arith.index_cast %mul3A_307 : i32 to index
      %get3A_310 = tpu.vector_load %arg6[%get3A_309] {strides = array<i32>} : memref<512xi32, #tpu.memory_space<vmem>>, vector<16xi32>,
      %get3A_311 = arith.index_cast %mul3A_307 : i32 to index
      %get3A_312 = tpu.vector_load %arg7[%get3A_311] {strides = array<i32>} : memref<512xi32, #tpu.memory_space<vmem>>, vector<16xi32>,
      %gather3A = tpu.vector_load_idx %arg17[%get3A_308] : memref<4096xf32, #tpu.memory_space<vmem>>[vector<16xi32>], vector<16xf32>,
      %gather3A_313 = tpu.vector_load_idx %arg19[%get3A_308] : memref<4096xf32, #tpu.memory_space<vmem>>[vector<16xi32>], vector<16xf32>,
      %gather3A_314 = tpu.vector_load_idx %arg21[%get3A_308] : memref<4096xf32, #tpu.memory_space<vmem>>[vector<16xi32>], vector<16xf32>,
      %gather3A_315 = tpu.vector_load_idx %arg17[%get3A_310] : memref<4096xf32, #tpu.memory_space<vmem>>[vector<16xi32>], vector<16xf32>,
      %gather3A_316 = tpu.vector_load_idx %arg19[%get3A_310] : memref<4096xf32, #tpu.memory_space<vmem>>[vector<16xi32>], vector<16xf32>,
      %gather3A_317 = tpu.vector_load_idx %arg21[%get3A_310] : memref<4096xf32, #tpu.memory_space<vmem>>[vector<16xi32>], vector<16xf32>,
      %gather3A_318 = tpu.vector_load_idx %arg17[%get3A_312] : memref<4096xf32, #tpu.memory_space<vmem>>[vector<16xi32>], vector<16xf32>,
      %gather3A_319 = tpu.vector_load_idx %arg19[%get3A_312] : memref<4096xf32, #tpu.memory_space<vmem>>[vector<16xi32>], vector<16xf32>,
      %gather3A_320 = tpu.vector_load_idx %arg21[%get3A_312] : memref<4096xf32, #tpu.memory_space<vmem>>[vector<16xi32>], vector<16xf32>,
      %sub3A = arith.subf %gather3A_315, %gather3A : vector<16xf32>
      %sub3A_321 = arith.subf %gather3A_316, %gather3A_313 : vector<16xf32>
      %sub3A_322 = arith.subf %gather3A_317, %gather3A_314 : vector<16xf32>
      %sub3A_323 = arith.subf %gather3A_318, %gather3A : vector<16xf32>
      %sub3A_324 = arith.subf %gather3A_319, %gather3A_313 : vector<16xf32>
      %sub3A_325 = arith.subf %gather3A_320, %gather3A_314 : vector<16xf32>
      %mul3A_326 = arith.mulf %sub3A_321, %sub3A_325 : vector<16xf32>
      %mul3A_327 = arith.mulf %sub3A_322, %sub3A_324 : vector<16xf32>
      %sub3A_328 = arith.subf %mul3A_326, %mul3A_327 : vector<16xf32>
      %swap3A_329 = arith.index_cast %mul3A_307 : i32 to index
      %swap3A_330 = tpu.vector_load %arg8[%swap3A_329] {strides = array<i32>} : memref<512xf32, #tpu.memory_space<vmem>>, vector<16xf32>,
      tpu.vector_store %arg8[%swap3A_329], %sub3A_328 {strides = array<i32>} : memref<512xf32, #tpu.memory_space<vmem>>, vector<16xf32>,
      %mul3A_331 = arith.mulf %sub3A_322, %sub3A_323 : vector<16xf32>
      %mul3A_332 = arith.mulf %sub3A, %sub3A_325 : vector<16xf32>
      %sub3A_333 = arith.subf %mul3A_331, %mul3A_332 : vector<16xf32>
      %swap3A_334 = arith.index_cast %mul3A_307 : i32 to index
      %swap3A_335 = tpu.vector_load %arg9[%swap3A_334] {strides = array<i32>} : memref<512xf32, #tpu.memory_space<vmem>>, vector<16xf32>,
      tpu.vector_store %arg9[%swap3A_334], %sub3A_333 {strides = array<i32>} : memref<512xf32, #tpu.memory_space<vmem>>, vector<16xf32>,
      %mul3A_336 = arith.mulf %sub3A, %sub3A_324 : vector<16xf32>
      %mul3A_337 = arith.mulf %sub3A_321, %sub3A_323 : vector<16xf32>
      %sub3A_338 = arith.subf %mul3A_336, %mul3A_337 : vector<16xf32>
      %swap3A_339 = arith.index_cast %mul3A_307 : i32 to index
      %swap3A_340 = tpu.vector_load %arg10[%swap3A_339] {strides = array<i32>} : memref<512xf32, #tpu.memory_space<vmem>>, vector<16xf32>,
      tpu.vector_store %arg10[%swap3A_339], %sub3A_338 {strides = array<i32>} : memref<512xf32, #tpu.memory_space<vmem>>, vector<16xf32>,
      %scan3A_341 = arith.constant 0 : i32
      scf.yield %scan3A_341 : i32
    }
    %scan3A_235 = arith.constant 32 : i32
    %dma_start3A_236 = arith.constant 0 : i32
    %dma_start3A_237 = tpu.memref_slice %arg13[%dma_start3A_236] : memref<4096xf32, #tpu.memory_space<vmem_shared>> -> memref<4096xf32, #tpu.memory_space<vmem_shared>>
    tpu.enqueue_indirect_dma source(%arg8 : memref<512xf32, #tpu.memory_space<vmem>>) target(%dma_start3A_237 : memref<4096xf32, #tpu.memory_space<vmem_shared>>) offsets(%arg5 : memref<512xi32, #tpu.memory_space<vmem>>) semaphore(%arg12 : memref<!tpu.dma_semaphore, #tpu.memory_space<semaphore_mem>>) {add = true}
    %dma_start3A_238 = arith.constant 0 : i32
    %dma_start3A_239 = tpu.memref_slice %arg14[%dma_start3A_238] : memref<4096xf32, #tpu.memory_space<vmem_shared>> -> memref<4096xf32, #tpu.memory_space<vmem_shared>>
    tpu.enqueue_indirect_dma source(%arg9 : memref<512xf32, #tpu.memory_space<vmem>>) target(%dma_start3A_239 : memref<4096xf32, #tpu.memory_space<vmem_shared>>) offsets(%arg5 : memref<512xi32, #tpu.memory_space<vmem>>) semaphore(%arg12 : memref<!tpu.dma_semaphore, #tpu.memory_space<semaphore_mem>>) {add = true}
    %dma_start3A_240 = arith.constant 0 : i32
    %dma_start3A_241 = tpu.memref_slice %arg15[%dma_start3A_240] : memref<4096xf32, #tpu.memory_space<vmem_shared>> -> memref<4096xf32, #tpu.memory_space<vmem_shared>>
    tpu.enqueue_indirect_dma source(%arg10 : memref<512xf32, #tpu.memory_space<vmem>>) target(%dma_start3A_241 : memref<4096xf32, #tpu.memory_space<vmem_shared>>) offsets(%arg5 : memref<512xi32, #tpu.memory_space<vmem>>) semaphore(%arg12 : memref<!tpu.dma_semaphore, #tpu.memory_space<semaphore_mem>>) {add = true}
    %dma_start3A_242 = arith.constant 0 : i32
    %dma_start3A_243 = tpu.memref_slice %arg13[%dma_start3A_242] : memref<4096xf32, #tpu.memory_space<vmem_shared>> -> memref<4096xf32, #tpu.memory_space<vmem_shared>>
    tpu.enqueue_indirect_dma source(%arg8 : memref<512xf32, #tpu.memory_space<vmem>>) target(%dma_start3A_243 : memref<4096xf32, #tpu.memory_space<vmem_shared>>) offsets(%arg6 : memref<512xi32, #tpu.memory_space<vmem>>) semaphore(%arg12 : memref<!tpu.dma_semaphore, #tpu.memory_space<semaphore_mem>>) {add = true}
    %dma_start3A_244 = arith.constant 0 : i32
    %dma_start3A_245 = tpu.memref_slice %arg14[%dma_start3A_244] : memref<4096xf32, #tpu.memory_space<vmem_shared>> -> memref<4096xf32, #tpu.memory_space<vmem_shared>>
    tpu.enqueue_indirect_dma source(%arg9 : memref<512xf32, #tpu.memory_space<vmem>>) target(%dma_start3A_245 : memref<4096xf32, #tpu.memory_space<vmem_shared>>) offsets(%arg6 : memref<512xi32, #tpu.memory_space<vmem>>) semaphore(%arg12 : memref<!tpu.dma_semaphore, #tpu.memory_space<semaphore_mem>>) {add = true}
    %dma_start3A_246 = arith.constant 0 : i32
    %dma_start3A_247 = tpu.memref_slice %arg15[%dma_start3A_246] : memref<4096xf32, #tpu.memory_space<vmem_shared>> -> memref<4096xf32, #tpu.memory_space<vmem_shared>>
    tpu.enqueue_indirect_dma source(%arg10 : memref<512xf32, #tpu.memory_space<vmem>>) target(%dma_start3A_247 : memref<4096xf32, #tpu.memory_space<vmem_shared>>) offsets(%arg6 : memref<512xi32, #tpu.memory_space<vmem>>) semaphore(%arg12 : memref<!tpu.dma_semaphore, #tpu.memory_space<semaphore_mem>>) {add = true}
    %dma_start3A_248 = arith.constant 0 : i32
    %dma_start3A_249 = tpu.memref_slice %arg13[%dma_start3A_248] : memref<4096xf32, #tpu.memory_space<vmem_shared>> -> memref<4096xf32, #tpu.memory_space<vmem_shared>>
    tpu.enqueue_indirect_dma source(%arg8 : memref<512xf32, #tpu.memory_space<vmem>>) target(%dma_start3A_249 : memref<4096xf32, #tpu.memory_space<vmem_shared>>) offsets(%arg7 : memref<512xi32, #tpu.memory_space<vmem>>) semaphore(%arg12 : memref<!tpu.dma_semaphore, #tpu.memory_space<semaphore_mem>>) {add = true}
    %dma_start3A_250 = arith.constant 0 : i32
    %dma_start3A_251 = tpu.memref_slice %arg14[%dma_start3A_250] : memref<4096xf32, #tpu.memory_space<vmem_shared>> -> memref<4096xf32, #tpu.memory_space<vmem_shared>>
    tpu.enqueue_indirect_dma source(%arg9 : memref<512xf32, #tpu.memory_space<vmem>>) target(%dma_start3A_251 : memref<4096xf32, #tpu.memory_space<vmem_shared>>) offsets(%arg7 : memref<512xi32, #tpu.memory_space<vmem>>) semaphore(%arg12 : memref<!tpu.dma_semaphore, #tpu.memory_space<semaphore_mem>>) {add = true}
    %dma_start3A_252 = arith.constant 0 : i32
    %dma_start3A_253 = tpu.memref_slice %arg15[%dma_start3A_252] : memref<4096xf32, #tpu.memory_space<vmem_shared>> -> memref<4096xf32, #tpu.memory_space<vmem_shared>>
    tpu.enqueue_indirect_dma source(%arg10 : memref<512xf32, #tpu.memory_space<vmem>>) target(%dma_start3A_253 : memref<4096xf32, #tpu.memory_space<vmem_shared>>) offsets(%arg7 : memref<512xi32, #tpu.memory_space<vmem>>) semaphore(%arg12 : memref<!tpu.dma_semaphore, #tpu.memory_space<semaphore_mem>>) {add = true}
    %dma_wait3A_254 = arith.constant 0 : i32
    %dma_wait3A_255 = tpu.memref_slice %arg13[%dma_wait3A_254] : memref<4096xf32, #tpu.memory_space<vmem_shared>> -> memref<4096xf32, #tpu.memory_space<vmem_shared>>
    tpu.wait_indirect_dma semaphore(%arg12 : memref<!tpu.dma_semaphore, #tpu.memory_space<semaphore_mem>>) src(%arg8 : memref<512xf32, #tpu.memory_space<vmem>>) dst(%dma_wait3A_255 : memref<4096xf32, #tpu.memory_space<vmem_shared>>)
    %dma_wait3A_256 = arith.constant 0 : i32
    %dma_wait3A_257 = tpu.memref_slice %arg14[%dma_wait3A_256] : memref<4096xf32, #tpu.memory_space<vmem_shared>> -> memref<4096xf32, #tpu.memory_space<vmem_shared>>
    tpu.wait_indirect_dma semaphore(%arg12 : memref<!tpu.dma_semaphore, #tpu.memory_space<semaphore_mem>>) src(%arg9 : memref<512xf32, #tpu.memory_space<vmem>>) dst(%dma_wait3A_257 : memref<4096xf32, #tpu.memory_space<vmem_shared>>)
    %dma_wait3A_258 = arith.constant 0 : i32
    %dma_wait3A_259 = tpu.memref_slice %arg15[%dma_wait3A_258] : memref<4096xf32, #tpu.memory_space<vmem_shared>> -> memref<4096xf32, #tpu.memory_space<vmem_shared>>
    tpu.wait_indirect_dma semaphore(%arg12 : memref<!tpu.dma_semaphore, #tpu.memory_space<semaphore_mem>>) src(%arg10 : memref<512xf32, #tpu.memory_space<vmem>>) dst(%dma_wait3A_259 : memref<4096xf32, #tpu.memory_space<vmem_shared>>)
    %dma_wait3A_260 = arith.constant 0 : i32
    %dma_wait3A_261 = tpu.memref_slice %arg13[%dma_wait3A_260] : memref<4096xf32, #tpu.memory_space<vmem_shared>> -> memref<4096xf32, #tpu.memory_space<vmem_shared>>
    tpu.wait_indirect_dma semaphore(%arg12 : memref<!tpu.dma_semaphore, #tpu.memory_space<semaphore_mem>>) src(%arg8 : memref<512xf32, #tpu.memory_space<vmem>>) dst(%dma_wait3A_261 : memref<4096xf32, #tpu.memory_space<vmem_shared>>)
    %dma_wait3A_262 = arith.constant 0 : i32
    %dma_wait3A_263 = tpu.memref_slice %arg14[%dma_wait3A_262] : memref<4096xf32, #tpu.memory_space<vmem_shared>> -> memref<4096xf32, #tpu.memory_space<vmem_shared>>
    tpu.wait_indirect_dma semaphore(%arg12 : memref<!tpu.dma_semaphore, #tpu.memory_space<semaphore_mem>>) src(%arg9 : memref<512xf32, #tpu.memory_space<vmem>>) dst(%dma_wait3A_263 : memref<4096xf32, #tpu.memory_space<vmem_shared>>)
    %dma_wait3A_264 = arith.constant 0 : i32
    %dma_wait3A_265 = tpu.memref_slice %arg15[%dma_wait3A_264] : memref<4096xf32, #tpu.memory_space<vmem_shared>> -> memref<4096xf32, #tpu.memory_space<vmem_shared>>
    tpu.wait_indirect_dma semaphore(%arg12 : memref<!tpu.dma_semaphore, #tpu.memory_space<semaphore_mem>>) src(%arg10 : memref<512xf32, #tpu.memory_space<vmem>>) dst(%dma_wait3A_265 : memref<4096xf32, #tpu.memory_space<vmem_shared>>)
    %dma_wait3A_266 = arith.constant 0 : i32
    %dma_wait3A_267 = tpu.memref_slice %arg13[%dma_wait3A_266] : memref<4096xf32, #tpu.memory_space<vmem_shared>> -> memref<4096xf32, #tpu.memory_space<vmem_shared>>
    tpu.wait_indirect_dma semaphore(%arg12 : memref<!tpu.dma_semaphore, #tpu.memory_space<semaphore_mem>>) src(%arg8 : memref<512xf32, #tpu.memory_space<vmem>>) dst(%dma_wait3A_267 : memref<4096xf32, #tpu.memory_space<vmem_shared>>)
    %dma_wait3A_268 = arith.constant 0 : i32
    %dma_wait3A_269 = tpu.memref_slice %arg14[%dma_wait3A_268] : memref<4096xf32, #tpu.memory_space<vmem_shared>> -> memref<4096xf32, #tpu.memory_space<vmem_shared>>
    tpu.wait_indirect_dma semaphore(%arg12 : memref<!tpu.dma_semaphore, #tpu.memory_space<semaphore_mem>>) src(%arg9 : memref<512xf32, #tpu.memory_space<vmem>>) dst(%dma_wait3A_269 : memref<4096xf32, #tpu.memory_space<vmem_shared>>)
    %dma_wait3A_270 = arith.constant 0 : i32
    %dma_wait3A_271 = tpu.memref_slice %arg15[%dma_wait3A_270] : memref<4096xf32, #tpu.memory_space<vmem_shared>> -> memref<4096xf32, #tpu.memory_space<vmem_shared>>
    tpu.wait_indirect_dma semaphore(%arg12 : memref<!tpu.dma_semaphore, #tpu.memory_space<semaphore_mem>>) src(%arg10 : memref<512xf32, #tpu.memory_space<vmem>>) dst(%dma_wait3A_271 : memref<4096xf32, #tpu.memory_space<vmem_shared>>)
    %barrier3A_272 = arith.constant 0 : index
    tpu.barrier barrier_id(%barrier3A_272)
    %mul3A_273 = arith.constant 256 : i32
    %mul3A_274 = arith.muli %arg1, %mul3A_273 : i32
    "tpu.region"() ({
      %run_scoped3A = tpu.sem_alloc : memref<!tpu.dma_semaphore, #tpu.memory_space<semaphore_mem>>
      %dma_start3A_304 = arith.constant 0 : i32
      %dma_start3A_305 = tpu.memref_slice %arg8[%dma_start3A_304] : memref<512xf32, #tpu.memory_space<vmem>> -> memref<256xf32, #tpu.memory_space<vmem>>
      %dma_start3A_306 = tpu.memref_slice %arg13[%mul3A_274] : memref<4096xf32, #tpu.memory_space<vmem_shared>> -> memref<256xf32, #tpu.memory_space<vmem_shared>>
      %dma_start3A_307 = arith.constant 0 : i32
      %dma_start3A_308 = tpu.memref_slice %arg8[%dma_start3A_307] : memref<512xf32, #tpu.memory_space<vmem>> -> memref<256xf32, #tpu.memory_space<vmem>>
      %dma_start3A_309 = tpu.memref_slice %arg13[%mul3A_274] : memref<4096xf32, #tpu.memory_space<vmem_shared>> -> memref<256xf32, #tpu.memory_space<vmem_shared>>
      tpu.enqueue_dma source(%dma_start3A_309 : memref<256xf32, #tpu.memory_space<vmem_shared>>) target(%dma_start3A_308 : memref<256xf32, #tpu.memory_space<vmem>>) target_semaphore(%run_scoped3A : memref<!tpu.dma_semaphore, #tpu.memory_space<semaphore_mem>>)
      %dma_wait3A_310 = arith.constant 0 : i32
      %dma_wait3A_311 = tpu.memref_slice %arg8[%dma_wait3A_310] : memref<512xf32, #tpu.memory_space<vmem>> -> memref<256xf32, #tpu.memory_space<vmem>>
      %dma_wait3A_312 = tpu.memref_slice %arg13[%mul3A_274] : memref<4096xf32, #tpu.memory_space<vmem_shared>> -> memref<256xf32, #tpu.memory_space<vmem_shared>>
      %dma_wait3A_313 = arith.constant 0 : i32
      %dma_wait3A_314 = tpu.memref_slice %arg8[%dma_wait3A_313] : memref<512xf32, #tpu.memory_space<vmem>> -> memref<256xf32, #tpu.memory_space<vmem>>
      %dma_wait3A_315 = tpu.memref_slice %arg13[%mul3A_274] : memref<4096xf32, #tpu.memory_space<vmem_shared>> -> memref<256xf32, #tpu.memory_space<vmem_shared>>
      tpu.wait_dma2 semaphore(%run_scoped3A : memref<!tpu.dma_semaphore, #tpu.memory_space<semaphore_mem>>) src(%dma_wait3A_315 : memref<256xf32, #tpu.memory_space<vmem_shared>>) dst(%dma_wait3A_314 : memref<256xf32, #tpu.memory_space<vmem>>)
      tpu.yield
    }) : () -> ()
    "tpu.region"() ({
      %run_scoped3A = tpu.sem_alloc : memref<!tpu.dma_semaphore, #tpu.memory_space<semaphore_mem>>
      %dma_start3A_304 = arith.constant 0 : i32
      %dma_start3A_305 = tpu.memref_slice %arg9[%dma_start3A_304] : memref<512xf32, #tpu.memory_space<vmem>> -> memref<256xf32, #tpu.memory_space<vmem>>
      %dma_start3A_306 = tpu.memref_slice %arg14[%mul3A_274] : memref<4096xf32, #tpu.memory_space<vmem_shared>> -> memref<256xf32, #tpu.memory_space<vmem_shared>>
      %dma_start3A_307 = arith.constant 0 : i32
      %dma_start3A_308 = tpu.memref_slice %arg9[%dma_start3A_307] : memref<512xf32, #tpu.memory_space<vmem>> -> memref<256xf32, #tpu.memory_space<vmem>>
      %dma_start3A_309 = tpu.memref_slice %arg14[%mul3A_274] : memref<4096xf32, #tpu.memory_space<vmem_shared>> -> memref<256xf32, #tpu.memory_space<vmem_shared>>
      tpu.enqueue_dma source(%dma_start3A_309 : memref<256xf32, #tpu.memory_space<vmem_shared>>) target(%dma_start3A_308 : memref<256xf32, #tpu.memory_space<vmem>>) target_semaphore(%run_scoped3A : memref<!tpu.dma_semaphore, #tpu.memory_space<semaphore_mem>>)
      %dma_wait3A_310 = arith.constant 0 : i32
      %dma_wait3A_311 = tpu.memref_slice %arg9[%dma_wait3A_310] : memref<512xf32, #tpu.memory_space<vmem>> -> memref<256xf32, #tpu.memory_space<vmem>>
      %dma_wait3A_312 = tpu.memref_slice %arg14[%mul3A_274] : memref<4096xf32, #tpu.memory_space<vmem_shared>> -> memref<256xf32, #tpu.memory_space<vmem_shared>>
      %dma_wait3A_313 = arith.constant 0 : i32
      %dma_wait3A_314 = tpu.memref_slice %arg9[%dma_wait3A_313] : memref<512xf32, #tpu.memory_space<vmem>> -> memref<256xf32, #tpu.memory_space<vmem>>
      %dma_wait3A_315 = tpu.memref_slice %arg14[%mul3A_274] : memref<4096xf32, #tpu.memory_space<vmem_shared>> -> memref<256xf32, #tpu.memory_space<vmem_shared>>
      tpu.wait_dma2 semaphore(%run_scoped3A : memref<!tpu.dma_semaphore, #tpu.memory_space<semaphore_mem>>) src(%dma_wait3A_315 : memref<256xf32, #tpu.memory_space<vmem_shared>>) dst(%dma_wait3A_314 : memref<256xf32, #tpu.memory_space<vmem>>)
      tpu.yield
    }) : () -> ()
    "tpu.region"() ({
      %run_scoped3A = tpu.sem_alloc : memref<!tpu.dma_semaphore, #tpu.memory_space<semaphore_mem>>
      %dma_start3A_304 = arith.constant 0 : i32
      %dma_start3A_305 = tpu.memref_slice %arg10[%dma_start3A_304] : memref<512xf32, #tpu.memory_space<vmem>> -> memref<256xf32, #tpu.memory_space<vmem>>
      %dma_start3A_306 = tpu.memref_slice %arg15[%mul3A_274] : memref<4096xf32, #tpu.memory_space<vmem_shared>> -> memref<256xf32, #tpu.memory_space<vmem_shared>>
      %dma_start3A_307 = arith.constant 0 : i32
      %dma_start3A_308 = tpu.memref_slice %arg10[%dma_start3A_307] : memref<512xf32, #tpu.memory_space<vmem>> -> memref<256xf32, #tpu.memory_space<vmem>>
      %dma_start3A_309 = tpu.memref_slice %arg15[%mul3A_274] : memref<4096xf32, #tpu.memory_space<vmem_shared>> -> memref<256xf32, #tpu.memory_space<vmem_shared>>
      tpu.enqueue_dma source(%dma_start3A_309 : memref<256xf32, #tpu.memory_space<vmem_shared>>) target(%dma_start3A_308 : memref<256xf32, #tpu.memory_space<vmem>>) target_semaphore(%run_scoped3A : memref<!tpu.dma_semaphore, #tpu.memory_space<semaphore_mem>>)
      %dma_wait3A_310 = arith.constant 0 : i32
      %dma_wait3A_311 = tpu.memref_slice %arg10[%dma_wait3A_310] : memref<512xf32, #tpu.memory_space<vmem>> -> memref<256xf32, #tpu.memory_space<vmem>>
      %dma_wait3A_312 = tpu.memref_slice %arg15[%mul3A_274] : memref<4096xf32, #tpu.memory_space<vmem_shared>> -> memref<256xf32, #tpu.memory_space<vmem_shared>>
      %dma_wait3A_313 = arith.constant 0 : i32
      %dma_wait3A_314 = tpu.memref_slice %arg10[%dma_wait3A_313] : memref<512xf32, #tpu.memory_space<vmem>> -> memref<256xf32, #tpu.memory_space<vmem>>
      %dma_wait3A_315 = tpu.memref_slice %arg15[%mul3A_274] : memref<4096xf32, #tpu.memory_space<vmem_shared>> -> memref<256xf32, #tpu.memory_space<vmem_shared>>
      tpu.wait_dma2 semaphore(%run_scoped3A : memref<!tpu.dma_semaphore, #tpu.memory_space<semaphore_mem>>) src(%dma_wait3A_315 : memref<256xf32, #tpu.memory_space<vmem_shared>>) dst(%dma_wait3A_314 : memref<256xf32, #tpu.memory_space<vmem>>)
      tpu.yield
    }) : () -> ()
    %scan3A_275 = arith.constant 0 : i32
    %scan3A_276 = arith.constant 0 : i32
    %scan3A_277 = arith.constant 16 : i32
    %scan3A_278 = arith.addi %scan3A_276, %scan3A_277 : i32
    %scan3A_279 = arith.constant 1 : i32
    %scan3A_280 = scf.for %scan3A_304 = %scan3A_276 to %scan3A_278 step %scan3A_279 iter_args(%scan3A_305 = %scan3A_275) -> (i32)  : i32 {
      %mul3A_306 = arith.constant 16 : i32
      %mul3A_307 = arith.muli %scan3A_304, %mul3A_306 : i32
      %get3A = arith.index_cast %mul3A_307 : i32 to index
      %get3A_308 = tpu.vector_load %arg8[%get3A] {strides = array<i32>} : memref<512xf32, #tpu.memory_space<vmem>>, vector<16xf32>,
      %get3A_309 = arith.index_cast %mul3A_307 : i32 to index
      %get3A_310 = tpu.vector_load %arg9[%get3A_309] {strides = array<i32>} : memref<512xf32, #tpu.memory_space<vmem>>, vector<16xf32>,
      %get3A_311 = arith.index_cast %mul3A_307 : i32 to index
      %get3A_312 = tpu.vector_load %arg10[%get3A_311] {strides = array<i32>} : memref<512xf32, #tpu.memory_space<vmem>>, vector<16xf32>,
      %mul3A_313 = arith.mulf %get3A_308, %get3A_308 : vector<16xf32>
      %mul3A_314 = arith.mulf %get3A_310, %get3A_310 : vector<16xf32>
      %add3A_315 = arith.addf %mul3A_313, %mul3A_314 : vector<16xf32>
      %mul3A_316 = arith.mulf %get3A_312, %get3A_312 : vector<16xf32>
      %add3A_317 = arith.addf %add3A_315, %mul3A_316 : vector<16xf32>
      %bitcast3A = vector.bitcast %add3A_317 : vector<16xf32> to vector<16xi32>
      %shift_right_arithmetic3A = arith.constant 1 : i32
      %shift_right_arithmetic3A_318 = vector.broadcast %shift_right_arithmetic3A : i32 to vector<16xi32>
      %shift_right_arithmetic3A_319 = arith.shrsi %bitcast3A, %shift_right_arithmetic3A_318 : vector<16xi32>
      %sub3A = arith.constant 1597463007 : i32
      %sub3A_320 = vector.broadcast %sub3A : i32 to vector<16xi32>
      %sub3A_321 = arith.subi %sub3A_320, %shift_right_arithmetic3A_319 : vector<16xi32>
      %bitcast3A_322 = vector.bitcast %sub3A_321 : vector<16xi32> to vector<16xf32>
      %mul3A_323 = arith.constant 5.000000e-01 : f32
      %mul3A_324 = vector.broadcast %mul3A_323 : f32 to vector<16xf32>
      %mul3A_325 = arith.mulf %mul3A_324, %add3A_317 : vector<16xf32>
      %mul3A_326 = arith.mulf %mul3A_325, %bitcast3A_322 : vector<16xf32>
      %mul3A_327 = arith.mulf %mul3A_326, %bitcast3A_322 : vector<16xf32>
      %sub3A_328 = arith.constant 1.500000e+00 : f32
      %sub3A_329 = vector.broadcast %sub3A_328 : f32 to vector<16xf32>
      %sub3A_330 = arith.subf %sub3A_329, %mul3A_327 : vector<16xf32>
      %mul3A_331 = arith.mulf %bitcast3A_322, %sub3A_330 : vector<16xf32>
      %mul3A_332 = arith.constant 5.000000e-01 : f32
      %mul3A_333 = vector.broadcast %mul3A_332 : f32 to vector<16xf32>
      %mul3A_334 = arith.mulf %mul3A_333, %add3A_317 : vector<16xf32>
      %mul3A_335 = arith.mulf %mul3A_334, %mul3A_331 : vector<16xf32>
      %mul3A_336 = arith.mulf %mul3A_335, %mul3A_331 : vector<16xf32>
      %sub3A_337 = arith.constant 1.500000e+00 : f32
      %sub3A_338 = vector.broadcast %sub3A_337 : f32 to vector<16xf32>
      %sub3A_339 = arith.subf %sub3A_338, %mul3A_336 : vector<16xf32>
      %mul3A_340 = arith.mulf %mul3A_331, %sub3A_339 : vector<16xf32>
      %mul3A_341 = arith.constant 5.000000e-01 : f32
      %mul3A_342 = vector.broadcast %mul3A_341 : f32 to vector<16xf32>
      %mul3A_343 = arith.mulf %mul3A_342, %add3A_317 : vector<16xf32>
      %mul3A_344 = arith.mulf %mul3A_343, %mul3A_340 : vector<16xf32>
      %mul3A_345 = arith.mulf %mul3A_344, %mul3A_340 : vector<16xf32>
      %sub3A_346 = arith.constant 1.500000e+00 : f32
      %sub3A_347 = vector.broadcast %sub3A_346 : f32 to vector<16xf32>
      %sub3A_348 = arith.subf %sub3A_347, %mul3A_345 : vector<16xf32>
      %mul3A_349 = arith.mulf %mul3A_340, %sub3A_348 : vector<16xf32>
      %gt3A = arith.constant 1.000000e-35 : f32
      %gt3A_350 = vector.broadcast %gt3A : f32 to vector<16xf32>
      %gt3A_351 = arith.cmpf ogt, %add3A_317, %gt3A_350 : vector<16xf32>
      %jit3A = arith.constant 0.000000e+00 : f32
      %broadcast_in_dim3A_352 = vector.broadcast %jit3A : f32 to vector<16xf32>
      %select_n3A = arith.select %gt3A_351, %mul3A_349, %broadcast_in_dim3A_352 : vector<16xi1>, vector<16xf32>
      %mul3A_353 = arith.mulf %get3A_308, %select_n3A : vector<16xf32>
      %swap3A_354 = arith.index_cast %mul3A_307 : i32 to index
      %swap3A_355 = tpu.vector_load %arg8[%swap3A_354] {strides = array<i32>} : memref<512xf32, #tpu.memory_space<vmem>>, vector<16xf32>,
      tpu.vector_store %arg8[%swap3A_354], %mul3A_353 {strides = array<i32>} : memref<512xf32, #tpu.memory_space<vmem>>, vector<16xf32>,
      %mul3A_356 = arith.mulf %get3A_310, %select_n3A : vector<16xf32>
      %swap3A_357 = arith.index_cast %mul3A_307 : i32 to index
      %swap3A_358 = tpu.vector_load %arg9[%swap3A_357] {strides = array<i32>} : memref<512xf32, #tpu.memory_space<vmem>>, vector<16xf32>,
      tpu.vector_store %arg9[%swap3A_357], %mul3A_356 {strides = array<i32>} : memref<512xf32, #tpu.memory_space<vmem>>, vector<16xf32>,
      %mul3A_359 = arith.mulf %get3A_312, %select_n3A : vector<16xf32>
      %swap3A_360 = arith.index_cast %mul3A_307 : i32 to index
      %swap3A_361 = tpu.vector_load %arg10[%swap3A_360] {strides = array<i32>} : memref<512xf32, #tpu.memory_space<vmem>>, vector<16xf32>,
      tpu.vector_store %arg10[%swap3A_360], %mul3A_359 {strides = array<i32>} : memref<512xf32, #tpu.memory_space<vmem>>, vector<16xf32>,
      %scan3A_362 = arith.constant 0 : i32
      scf.yield %scan3A_362 : i32
    }
    %scan3A_281 = arith.constant 16 : i32
    %add3A_282 = arith.constant 0 : i32
    %add3A_283 = arith.addi %mul3A_215, %add3A_282 : i32
    %mul3A_284 = arith.constant 4096 : i32
    %mul3A_285 = arith.muli %add3A_283, %mul3A_284 : i32
    %mul3A_286 = arith.constant 256 : i32
    %mul3A_287 = arith.muli %arg1, %mul3A_286 : i32
    %add3A_288 = arith.addi %mul3A_285, %mul3A_287 : i32
    "tpu.region"() ({
      %run_scoped3A = tpu.sem_alloc : memref<!tpu.dma_semaphore, #tpu.memory_space<semaphore_mem>>
      %dma_start3A_304 = arith.constant 0 : i32
      %dma_start3A_305 = tpu.memref_slice %arg8[%dma_start3A_304] : memref<512xf32, #tpu.memory_space<vmem>> -> memref<256xf32, #tpu.memory_space<vmem>>
      %dma_start3A_306 = tpu.memref_slice %arg4[%add3A_288] : memref<49152xf32, #tpu.memory_space<hbm>> -> memref<256xf32, #tpu.memory_space<hbm>>
      %dma_start3A_307 = tpu.memref_slice %arg4[%add3A_288] : memref<49152xf32, #tpu.memory_space<hbm>> -> memref<256xf32, #tpu.memory_space<hbm>>
      %dma_start3A_308 = arith.constant 0 : i32
      %dma_start3A_309 = tpu.memref_slice %arg8[%dma_start3A_308] : memref<512xf32, #tpu.memory_space<vmem>> -> memref<256xf32, #tpu.memory_space<vmem>>
      tpu.enqueue_dma source(%dma_start3A_309 : memref<256xf32, #tpu.memory_space<vmem>>) target(%dma_start3A_307 : memref<256xf32, #tpu.memory_space<hbm>>) target_semaphore(%run_scoped3A : memref<!tpu.dma_semaphore, #tpu.memory_space<semaphore_mem>>)
      %dma_wait3A_310 = arith.constant 0 : i32
      %dma_wait3A_311 = tpu.memref_slice %arg8[%dma_wait3A_310] : memref<512xf32, #tpu.memory_space<vmem>> -> memref<256xf32, #tpu.memory_space<vmem>>
      %dma_wait3A_312 = tpu.memref_slice %arg4[%add3A_288] : memref<49152xf32, #tpu.memory_space<hbm>> -> memref<256xf32, #tpu.memory_space<hbm>>
      %dma_wait3A_313 = tpu.memref_slice %arg4[%add3A_288] : memref<49152xf32, #tpu.memory_space<hbm>> -> memref<256xf32, #tpu.memory_space<hbm>>
      %dma_wait3A_314 = arith.constant 0 : i32
      %dma_wait3A_315 = tpu.memref_slice %arg8[%dma_wait3A_314] : memref<512xf32, #tpu.memory_space<vmem>> -> memref<256xf32, #tpu.memory_space<vmem>>
      tpu.wait_dma2 semaphore(%run_scoped3A : memref<!tpu.dma_semaphore, #tpu.memory_space<semaphore_mem>>) src(%dma_wait3A_315 : memref<256xf32, #tpu.memory_space<vmem>>) dst(%dma_wait3A_313 : memref<256xf32, #tpu.memory_space<hbm>>)
      tpu.yield
    }) : () -> ()
    %add3A_289 = arith.constant 1 : i32
    %add3A_290 = arith.addi %mul3A_215, %add3A_289 : i32
    %mul3A_291 = arith.constant 4096 : i32
    %mul3A_292 = arith.muli %add3A_290, %mul3A_291 : i32
    %mul3A_293 = arith.constant 256 : i32
    %mul3A_294 = arith.muli %arg1, %mul3A_293 : i32
    %add3A_295 = arith.addi %mul3A_292, %mul3A_294 : i32
    "tpu.region"() ({
      %run_scoped3A = tpu.sem_alloc : memref<!tpu.dma_semaphore, #tpu.memory_space<semaphore_mem>>
      %dma_start3A_304 = arith.constant 0 : i32
      %dma_start3A_305 = tpu.memref_slice %arg9[%dma_start3A_304] : memref<512xf32, #tpu.memory_space<vmem>> -> memref<256xf32, #tpu.memory_space<vmem>>
      %dma_start3A_306 = tpu.memref_slice %arg4[%add3A_295] : memref<49152xf32, #tpu.memory_space<hbm>> -> memref<256xf32, #tpu.memory_space<hbm>>
      %dma_start3A_307 = tpu.memref_slice %arg4[%add3A_295] : memref<49152xf32, #tpu.memory_space<hbm>> -> memref<256xf32, #tpu.memory_space<hbm>>
      %dma_start3A_308 = arith.constant 0 : i32
      %dma_start3A_309 = tpu.memref_slice %arg9[%dma_start3A_308] : memref<512xf32, #tpu.memory_space<vmem>> -> memref<256xf32, #tpu.memory_space<vmem>>
      tpu.enqueue_dma source(%dma_start3A_309 : memref<256xf32, #tpu.memory_space<vmem>>) target(%dma_start3A_307 : memref<256xf32, #tpu.memory_space<hbm>>) target_semaphore(%run_scoped3A : memref<!tpu.dma_semaphore, #tpu.memory_space<semaphore_mem>>)
      %dma_wait3A_310 = arith.constant 0 : i32
      %dma_wait3A_311 = tpu.memref_slice %arg9[%dma_wait3A_310] : memref<512xf32, #tpu.memory_space<vmem>> -> memref<256xf32, #tpu.memory_space<vmem>>
      %dma_wait3A_312 = tpu.memref_slice %arg4[%add3A_295] : memref<49152xf32, #tpu.memory_space<hbm>> -> memref<256xf32, #tpu.memory_space<hbm>>
      %dma_wait3A_313 = tpu.memref_slice %arg4[%add3A_295] : memref<49152xf32, #tpu.memory_space<hbm>> -> memref<256xf32, #tpu.memory_space<hbm>>
      %dma_wait3A_314 = arith.constant 0 : i32
      %dma_wait3A_315 = tpu.memref_slice %arg9[%dma_wait3A_314] : memref<512xf32, #tpu.memory_space<vmem>> -> memref<256xf32, #tpu.memory_space<vmem>>
      tpu.wait_dma2 semaphore(%run_scoped3A : memref<!tpu.dma_semaphore, #tpu.memory_space<semaphore_mem>>) src(%dma_wait3A_315 : memref<256xf32, #tpu.memory_space<vmem>>) dst(%dma_wait3A_313 : memref<256xf32, #tpu.memory_space<hbm>>)
      tpu.yield
    }) : () -> ()
    %add3A_296 = arith.constant 2 : i32
    %add3A_297 = arith.addi %mul3A_215, %add3A_296 : i32
    %mul3A_298 = arith.constant 4096 : i32
    %mul3A_299 = arith.muli %add3A_297, %mul3A_298 : i32
    %mul3A_300 = arith.constant 256 : i32
    %mul3A_301 = arith.muli %arg1, %mul3A_300 : i32
    %add3A_302 = arith.addi %mul3A_299, %mul3A_301 : i32
    "tpu.region"() ({
      %run_scoped3A = tpu.sem_alloc : memref<!tpu.dma_semaphore, #tpu.memory_space<semaphore_mem>>
      %dma_start3A_304 = arith.constant 0 : i32
      %dma_start3A_305 = tpu.memref_slice %arg10[%dma_start3A_304] : memref<512xf32, #tpu.memory_space<vmem>> -> memref<256xf32, #tpu.memory_space<vmem>>
      %dma_start3A_306 = tpu.memref_slice %arg4[%add3A_302] : memref<49152xf32, #tpu.memory_space<hbm>> -> memref<256xf32, #tpu.memory_space<hbm>>
      %dma_start3A_307 = tpu.memref_slice %arg4[%add3A_302] : memref<49152xf32, #tpu.memory_space<hbm>> -> memref<256xf32, #tpu.memory_space<hbm>>
      %dma_start3A_308 = arith.constant 0 : i32
      %dma_start3A_309 = tpu.memref_slice %arg10[%dma_start3A_308] : memref<512xf32, #tpu.memory_space<vmem>> -> memref<256xf32, #tpu.memory_space<vmem>>
      tpu.enqueue_dma source(%dma_start3A_309 : memref<256xf32, #tpu.memory_space<vmem>>) target(%dma_start3A_307 : memref<256xf32, #tpu.memory_space<hbm>>) target_semaphore(%run_scoped3A : memref<!tpu.dma_semaphore, #tpu.memory_space<semaphore_mem>>)
      %dma_wait3A_310 = arith.constant 0 : i32
      %dma_wait3A_311 = tpu.memref_slice %arg10[%dma_wait3A_310] : memref<512xf32, #tpu.memory_space<vmem>> -> memref<256xf32, #tpu.memory_space<vmem>>
      %dma_wait3A_312 = tpu.memref_slice %arg4[%add3A_302] : memref<49152xf32, #tpu.memory_space<hbm>> -> memref<256xf32, #tpu.memory_space<hbm>>
      %dma_wait3A_313 = tpu.memref_slice %arg4[%add3A_302] : memref<49152xf32, #tpu.memory_space<hbm>> -> memref<256xf32, #tpu.memory_space<hbm>>
      %dma_wait3A_314 = arith.constant 0 : i32
      %dma_wait3A_315 = tpu.memref_slice %arg10[%dma_wait3A_314] : memref<512xf32, #tpu.memory_space<vmem>> -> memref<256xf32, #tpu.memory_space<vmem>>
      tpu.wait_dma2 semaphore(%run_scoped3A : memref<!tpu.dma_semaphore, #tpu.memory_space<semaphore_mem>>) src(%dma_wait3A_315 : memref<256xf32, #tpu.memory_space<vmem>>) dst(%dma_wait3A_313 : memref<256xf32, #tpu.memory_space<hbm>>)
      tpu.yield
    }) : () -> ()
    %barrier3A_303 = arith.constant 0 : index
    tpu.barrier barrier_id(%barrier3A_303)
    return
  }
}

#map = affine_map<(d0, d1) -> (0)>
module attributes {stable_mosaic.version = 14 : i64} {
  func.func @k(%arg0: i32, %arg1: i32, %arg2: memref<24576xi32, #tpu.memory_space<hbm>>, %arg3: memref<24576xi32, #tpu.memory_space<hbm>>, %arg4: memref<24576xf32, #tpu.memory_space<hbm>>, %arg5: memref<16384xi32, #tpu.memory_space<hbm>>, %arg6: memref<49152xf32, #tpu.memory_space<hbm>>, %arg7: memref<49152xf32, #tpu.memory_space<hbm>>, %arg8: memref<512xf32, #tpu.memory_space<hbm>>, %arg9: memref<16xf32, #tpu.memory_space<vmem>>, %arg10: memref<768xi32, #tpu.memory_space<vmem>>, %arg11: memref<768xi32, #tpu.memory_space<vmem>>, %arg12: memref<768xf32, #tpu.memory_space<vmem>>, %arg13: memref<4096xi32, #tpu.memory_space<vmem>>, %arg14: memref<4096xf32, #tpu.memory_space<vmem>>, %arg15: memref<4096xf32, #tpu.memory_space<vmem>>, %arg16: memref<4096xf32, #tpu.memory_space<vmem>>, %arg17: memref<4096xf32, #tpu.memory_space<vmem>>, %arg18: memref<4096xf32, #tpu.memory_space<vmem>>, %arg19: memref<4096xf32, #tpu.memory_space<vmem>>, %arg20: memref<!tpu.dma_semaphore, #tpu.memory_space<semaphore_mem>>, %arg21: memref<4096xi32, #tpu.memory_space<vmem_shared>>, %arg22: memref<4096xi32, #tpu.memory_space<vmem_shared>>, %arg23: memref<12288xf32, #tpu.memory_space<vmem_shared>>, %arg24: memref<12288xf32, #tpu.memory_space<vmem_shared>>, %arg25: memref<12288xf32, #tpu.memory_space<vmem_shared>>, %arg26: memref<12288xf32, #tpu.memory_space<vmem_shared>>) attributes {dimension_semantics = [#tpu.dimension_semantics<core_parallel>, #tpu.dimension_semantics<subcore_parallel>], iteration_bounds = array<i64: 2, 16>, scalar_prefetch = 0 : i64, scratch_operands = 18 : i64, tpu.core_type = #tpu.core_type<sc_vector_subcore>, window_params = [{transform_indices = #map}, {transform_indices = #map}, {transform_indices = #map}, {transform_indices = #map}, {transform_indices = #map}, {transform_indices = #map}, {transform_indices = #map}]} {
    %mul3A = arith.constant 2 : i32
    %mul3A_0 = arith.muli %arg1, %mul3A : i32
    %add3A = arith.addi %mul3A_0, %arg0 : i32
    %mul3A_1 = arith.constant 768 : i32
    %mul3A_2 = arith.muli %add3A, %mul3A_1 : i32
    %dma_start3A = tpu.memref_slice %arg2[%mul3A_2] : memref<24576xi32, #tpu.memory_space<hbm>> -> memref<768xi32, #tpu.memory_space<hbm>>
    %dma_start3A_3 = tpu.memref_slice %arg2[%mul3A_2] : memref<24576xi32, #tpu.memory_space<hbm>> -> memref<768xi32, #tpu.memory_space<hbm>>
    tpu.enqueue_dma source(%dma_start3A_3 : memref<768xi32, #tpu.memory_space<hbm>>) target(%arg10 : memref<768xi32, #tpu.memory_space<vmem>>) target_semaphore(%arg20 : memref<!tpu.dma_semaphore, #tpu.memory_space<semaphore_mem>>)
    %dma_start3A_4 = tpu.memref_slice %arg3[%mul3A_2] : memref<24576xi32, #tpu.memory_space<hbm>> -> memref<768xi32, #tpu.memory_space<hbm>>
    %dma_start3A_5 = tpu.memref_slice %arg3[%mul3A_2] : memref<24576xi32, #tpu.memory_space<hbm>> -> memref<768xi32, #tpu.memory_space<hbm>>
    tpu.enqueue_dma source(%dma_start3A_5 : memref<768xi32, #tpu.memory_space<hbm>>) target(%arg11 : memref<768xi32, #tpu.memory_space<vmem>>) target_semaphore(%arg20 : memref<!tpu.dma_semaphore, #tpu.memory_space<semaphore_mem>>)
    %dma_start3A_6 = tpu.memref_slice %arg4[%mul3A_2] : memref<24576xf32, #tpu.memory_space<hbm>> -> memref<768xf32, #tpu.memory_space<hbm>>
    %dma_start3A_7 = tpu.memref_slice %arg4[%mul3A_2] : memref<24576xf32, #tpu.memory_space<hbm>> -> memref<768xf32, #tpu.memory_space<hbm>>
    tpu.enqueue_dma source(%dma_start3A_7 : memref<768xf32, #tpu.memory_space<hbm>>) target(%arg12 : memref<768xf32, #tpu.memory_space<vmem>>) target_semaphore(%arg20 : memref<!tpu.dma_semaphore, #tpu.memory_space<semaphore_mem>>)
    %mul3A_8 = arith.constant 768 : i32
    %mul3A_9 = arith.muli %arg1, %mul3A_8 : i32
    %add3A_10 = arith.constant 0 : i32
    %add3A_11 = arith.addi %add3A_10, %mul3A_9 : i32
    %mul3A_12 = arith.constant 768 : i32
    %mul3A_13 = arith.muli %arg1, %mul3A_12 : i32
    %dma_start3A_14 = tpu.memref_slice %arg25[%mul3A_13] : memref<12288xf32, #tpu.memory_space<vmem_shared>> -> memref<768xf32, #tpu.memory_space<vmem_shared>>
    %dma_start3A_15 = tpu.memref_slice %arg6[%add3A_11] : memref<49152xf32, #tpu.memory_space<hbm>> -> memref<768xf32, #tpu.memory_space<hbm>>
    tpu.enqueue_dma source(%dma_start3A_15 : memref<768xf32, #tpu.memory_space<hbm>>) target(%dma_start3A_14 : memref<768xf32, #tpu.memory_space<vmem_shared>>) target_semaphore(%arg20 : memref<!tpu.dma_semaphore, #tpu.memory_space<semaphore_mem>>)
    %mul3A_16 = arith.constant 768 : i32
    %mul3A_17 = arith.muli %arg1, %mul3A_16 : i32
    %add3A_18 = arith.constant 0 : i32
    %add3A_19 = arith.addi %add3A_18, %mul3A_17 : i32
    %mul3A_20 = arith.constant 768 : i32
    %mul3A_21 = arith.muli %arg1, %mul3A_20 : i32
    %dma_start3A_22 = tpu.memref_slice %arg23[%mul3A_21] : memref<12288xf32, #tpu.memory_space<vmem_shared>> -> memref<768xf32, #tpu.memory_space<vmem_shared>>
    %dma_start3A_23 = tpu.memref_slice %arg7[%add3A_19] : memref<49152xf32, #tpu.memory_space<hbm>> -> memref<768xf32, #tpu.memory_space<hbm>>
    tpu.enqueue_dma source(%dma_start3A_23 : memref<768xf32, #tpu.memory_space<hbm>>) target(%dma_start3A_22 : memref<768xf32, #tpu.memory_space<vmem_shared>>) target_semaphore(%arg20 : memref<!tpu.dma_semaphore, #tpu.memory_space<semaphore_mem>>)
    %mul3A_24 = arith.constant 256 : i32
    %mul3A_25 = arith.muli %arg1, %mul3A_24 : i32
    %add3A_26 = arith.constant 0 : i32
    %add3A_27 = arith.addi %add3A_26, %mul3A_25 : i32
    %mul3A_28 = arith.constant 256 : i32
    %mul3A_29 = arith.muli %arg1, %mul3A_28 : i32
    %dma_start3A_30 = tpu.memref_slice %arg21[%mul3A_29] : memref<4096xi32, #tpu.memory_space<vmem_shared>> -> memref<256xi32, #tpu.memory_space<vmem_shared>>
    %dma_start3A_31 = tpu.memref_slice %arg5[%add3A_27] : memref<16384xi32, #tpu.memory_space<hbm>> -> memref<256xi32, #tpu.memory_space<hbm>>
    tpu.enqueue_dma source(%dma_start3A_31 : memref<256xi32, #tpu.memory_space<hbm>>) target(%dma_start3A_30 : memref<256xi32, #tpu.memory_space<vmem_shared>>) target_semaphore(%arg20 : memref<!tpu.dma_semaphore, #tpu.memory_space<semaphore_mem>>)
    %dma_wait3A = tpu.memref_slice %arg2[%mul3A_2] : memref<24576xi32, #tpu.memory_space<hbm>> -> memref<768xi32, #tpu.memory_space<hbm>>
    %dma_wait3A_32 = tpu.memref_slice %arg2[%mul3A_2] : memref<24576xi32, #tpu.memory_space<hbm>> -> memref<768xi32, #tpu.memory_space<hbm>>
    tpu.wait_dma2 semaphore(%arg20 : memref<!tpu.dma_semaphore, #tpu.memory_space<semaphore_mem>>) src(%dma_wait3A_32 : memref<768xi32, #tpu.memory_space<hbm>>) dst(%arg10 : memref<768xi32, #tpu.memory_space<vmem>>)
    %dma_wait3A_33 = tpu.memref_slice %arg3[%mul3A_2] : memref<24576xi32, #tpu.memory_space<hbm>> -> memref<768xi32, #tpu.memory_space<hbm>>
    %dma_wait3A_34 = tpu.memref_slice %arg3[%mul3A_2] : memref<24576xi32, #tpu.memory_space<hbm>> -> memref<768xi32, #tpu.memory_space<hbm>>
    tpu.wait_dma2 semaphore(%arg20 : memref<!tpu.dma_semaphore, #tpu.memory_space<semaphore_mem>>) src(%dma_wait3A_34 : memref<768xi32, #tpu.memory_space<hbm>>) dst(%arg11 : memref<768xi32, #tpu.memory_space<vmem>>)
    %dma_wait3A_35 = tpu.memref_slice %arg4[%mul3A_2] : memref<24576xf32, #tpu.memory_space<hbm>> -> memref<768xf32, #tpu.memory_space<hbm>>
    %dma_wait3A_36 = tpu.memref_slice %arg4[%mul3A_2] : memref<24576xf32, #tpu.memory_space<hbm>> -> memref<768xf32, #tpu.memory_space<hbm>>
    tpu.wait_dma2 semaphore(%arg20 : memref<!tpu.dma_semaphore, #tpu.memory_space<semaphore_mem>>) src(%dma_wait3A_36 : memref<768xf32, #tpu.memory_space<hbm>>) dst(%arg12 : memref<768xf32, #tpu.memory_space<vmem>>)
    %broadcast_in_dim3A = arith.constant 0.000000e+00 : f32
    %broadcast_in_dim3A_37 = vector.broadcast %broadcast_in_dim3A : f32 to vector<16xf32>
    %dma_wait3A_38 = tpu.memref_slice %arg25[%mul3A_13] : memref<12288xf32, #tpu.memory_space<vmem_shared>> -> memref<768xf32, #tpu.memory_space<vmem_shared>>
    %dma_wait3A_39 = tpu.memref_slice %arg6[%add3A_11] : memref<49152xf32, #tpu.memory_space<hbm>> -> memref<768xf32, #tpu.memory_space<hbm>>
    tpu.wait_dma2 semaphore(%arg20 : memref<!tpu.dma_semaphore, #tpu.memory_space<semaphore_mem>>) src(%dma_wait3A_39 : memref<768xf32, #tpu.memory_space<hbm>>) dst(%dma_wait3A_38 : memref<768xf32, #tpu.memory_space<vmem_shared>>)
    %dma_wait3A_40 = tpu.memref_slice %arg23[%mul3A_21] : memref<12288xf32, #tpu.memory_space<vmem_shared>> -> memref<768xf32, #tpu.memory_space<vmem_shared>>
    %dma_wait3A_41 = tpu.memref_slice %arg7[%add3A_19] : memref<49152xf32, #tpu.memory_space<hbm>> -> memref<768xf32, #tpu.memory_space<hbm>>
    tpu.wait_dma2 semaphore(%arg20 : memref<!tpu.dma_semaphore, #tpu.memory_space<semaphore_mem>>) src(%dma_wait3A_41 : memref<768xf32, #tpu.memory_space<hbm>>) dst(%dma_wait3A_40 : memref<768xf32, #tpu.memory_space<vmem_shared>>)
    %dma_wait3A_42 = tpu.memref_slice %arg21[%mul3A_29] : memref<4096xi32, #tpu.memory_space<vmem_shared>> -> memref<256xi32, #tpu.memory_space<vmem_shared>>
    %dma_wait3A_43 = tpu.memref_slice %arg5[%add3A_27] : memref<16384xi32, #tpu.memory_space<hbm>> -> memref<256xi32, #tpu.memory_space<hbm>>
    tpu.wait_dma2 semaphore(%arg20 : memref<!tpu.dma_semaphore, #tpu.memory_space<semaphore_mem>>) src(%dma_wait3A_43 : memref<256xi32, #tpu.memory_space<hbm>>) dst(%dma_wait3A_42 : memref<256xi32, #tpu.memory_space<vmem_shared>>)
    %barrier3A = arith.constant 0 : index
    tpu.barrier barrier_id(%barrier3A)
    "tpu.region"() ({
      %run_scoped3A = tpu.sem_alloc : memref<!tpu.dma_semaphore, #tpu.memory_space<semaphore_mem>>
      %dma_start3A_163 = arith.constant 0 : i32
      %dma_start3A_164 = tpu.memref_slice %arg25[%dma_start3A_163] : memref<12288xf32, #tpu.memory_space<vmem_shared>> -> memref<4096xf32, #tpu.memory_space<vmem_shared>>
      %dma_start3A_165 = arith.constant 0 : i32
      %dma_start3A_166 = tpu.memref_slice %arg25[%dma_start3A_165] : memref<12288xf32, #tpu.memory_space<vmem_shared>> -> memref<4096xf32, #tpu.memory_space<vmem_shared>>
      tpu.enqueue_dma source(%dma_start3A_166 : memref<4096xf32, #tpu.memory_space<vmem_shared>>) target(%arg17 : memref<4096xf32, #tpu.memory_space<vmem>>) target_semaphore(%run_scoped3A : memref<!tpu.dma_semaphore, #tpu.memory_space<semaphore_mem>>)
      %dma_wait3A_167 = arith.constant 0 : i32
      %dma_wait3A_168 = tpu.memref_slice %arg25[%dma_wait3A_167] : memref<12288xf32, #tpu.memory_space<vmem_shared>> -> memref<4096xf32, #tpu.memory_space<vmem_shared>>
      %dma_wait3A_169 = arith.constant 0 : i32
      %dma_wait3A_170 = tpu.memref_slice %arg25[%dma_wait3A_169] : memref<12288xf32, #tpu.memory_space<vmem_shared>> -> memref<4096xf32, #tpu.memory_space<vmem_shared>>
      tpu.wait_dma2 semaphore(%run_scoped3A : memref<!tpu.dma_semaphore, #tpu.memory_space<semaphore_mem>>) src(%dma_wait3A_170 : memref<4096xf32, #tpu.memory_space<vmem_shared>>) dst(%arg17 : memref<4096xf32, #tpu.memory_space<vmem>>)
      tpu.yield
    }) : () -> ()
    "tpu.region"() ({
      %run_scoped3A = tpu.sem_alloc : memref<!tpu.dma_semaphore, #tpu.memory_space<semaphore_mem>>
      %dma_start3A_163 = arith.constant 4096 : i32
      %dma_start3A_164 = tpu.memref_slice %arg25[%dma_start3A_163] : memref<12288xf32, #tpu.memory_space<vmem_shared>> -> memref<4096xf32, #tpu.memory_space<vmem_shared>>
      %dma_start3A_165 = arith.constant 4096 : i32
      %dma_start3A_166 = tpu.memref_slice %arg25[%dma_start3A_165] : memref<12288xf32, #tpu.memory_space<vmem_shared>> -> memref<4096xf32, #tpu.memory_space<vmem_shared>>
      tpu.enqueue_dma source(%dma_start3A_166 : memref<4096xf32, #tpu.memory_space<vmem_shared>>) target(%arg18 : memref<4096xf32, #tpu.memory_space<vmem>>) target_semaphore(%run_scoped3A : memref<!tpu.dma_semaphore, #tpu.memory_space<semaphore_mem>>)
      %dma_wait3A_167 = arith.constant 4096 : i32
      %dma_wait3A_168 = tpu.memref_slice %arg25[%dma_wait3A_167] : memref<12288xf32, #tpu.memory_space<vmem_shared>> -> memref<4096xf32, #tpu.memory_space<vmem_shared>>
      %dma_wait3A_169 = arith.constant 4096 : i32
      %dma_wait3A_170 = tpu.memref_slice %arg25[%dma_wait3A_169] : memref<12288xf32, #tpu.memory_space<vmem_shared>> -> memref<4096xf32, #tpu.memory_space<vmem_shared>>
      tpu.wait_dma2 semaphore(%run_scoped3A : memref<!tpu.dma_semaphore, #tpu.memory_space<semaphore_mem>>) src(%dma_wait3A_170 : memref<4096xf32, #tpu.memory_space<vmem_shared>>) dst(%arg18 : memref<4096xf32, #tpu.memory_space<vmem>>)
      tpu.yield
    }) : () -> ()
    "tpu.region"() ({
      %run_scoped3A = tpu.sem_alloc : memref<!tpu.dma_semaphore, #tpu.memory_space<semaphore_mem>>
      %dma_start3A_163 = arith.constant 8192 : i32
      %dma_start3A_164 = tpu.memref_slice %arg25[%dma_start3A_163] : memref<12288xf32, #tpu.memory_space<vmem_shared>> -> memref<4096xf32, #tpu.memory_space<vmem_shared>>
      %dma_start3A_165 = arith.constant 8192 : i32
      %dma_start3A_166 = tpu.memref_slice %arg25[%dma_start3A_165] : memref<12288xf32, #tpu.memory_space<vmem_shared>> -> memref<4096xf32, #tpu.memory_space<vmem_shared>>
      tpu.enqueue_dma source(%dma_start3A_166 : memref<4096xf32, #tpu.memory_space<vmem_shared>>) target(%arg19 : memref<4096xf32, #tpu.memory_space<vmem>>) target_semaphore(%run_scoped3A : memref<!tpu.dma_semaphore, #tpu.memory_space<semaphore_mem>>)
      %dma_wait3A_167 = arith.constant 8192 : i32
      %dma_wait3A_168 = tpu.memref_slice %arg25[%dma_wait3A_167] : memref<12288xf32, #tpu.memory_space<vmem_shared>> -> memref<4096xf32, #tpu.memory_space<vmem_shared>>
      %dma_wait3A_169 = arith.constant 8192 : i32
      %dma_wait3A_170 = tpu.memref_slice %arg25[%dma_wait3A_169] : memref<12288xf32, #tpu.memory_space<vmem_shared>> -> memref<4096xf32, #tpu.memory_space<vmem_shared>>
      tpu.wait_dma2 semaphore(%run_scoped3A : memref<!tpu.dma_semaphore, #tpu.memory_space<semaphore_mem>>) src(%dma_wait3A_170 : memref<4096xf32, #tpu.memory_space<vmem_shared>>) dst(%arg19 : memref<4096xf32, #tpu.memory_space<vmem>>)
      tpu.yield
    }) : () -> ()
    "tpu.region"() ({
      %run_scoped3A = tpu.sem_alloc : memref<!tpu.dma_semaphore, #tpu.memory_space<semaphore_mem>>
      %dma_start3A_163 = arith.constant 0 : i32
      %dma_start3A_164 = tpu.memref_slice %arg23[%dma_start3A_163] : memref<12288xf32, #tpu.memory_space<vmem_shared>> -> memref<4096xf32, #tpu.memory_space<vmem_shared>>
      %dma_start3A_165 = arith.constant 0 : i32
      %dma_start3A_166 = tpu.memref_slice %arg23[%dma_start3A_165] : memref<12288xf32, #tpu.memory_space<vmem_shared>> -> memref<4096xf32, #tpu.memory_space<vmem_shared>>
      tpu.enqueue_dma source(%dma_start3A_166 : memref<4096xf32, #tpu.memory_space<vmem_shared>>) target(%arg14 : memref<4096xf32, #tpu.memory_space<vmem>>) target_semaphore(%run_scoped3A : memref<!tpu.dma_semaphore, #tpu.memory_space<semaphore_mem>>)
      %dma_wait3A_167 = arith.constant 0 : i32
      %dma_wait3A_168 = tpu.memref_slice %arg23[%dma_wait3A_167] : memref<12288xf32, #tpu.memory_space<vmem_shared>> -> memref<4096xf32, #tpu.memory_space<vmem_shared>>
      %dma_wait3A_169 = arith.constant 0 : i32
      %dma_wait3A_170 = tpu.memref_slice %arg23[%dma_wait3A_169] : memref<12288xf32, #tpu.memory_space<vmem_shared>> -> memref<4096xf32, #tpu.memory_space<vmem_shared>>
      tpu.wait_dma2 semaphore(%run_scoped3A : memref<!tpu.dma_semaphore, #tpu.memory_space<semaphore_mem>>) src(%dma_wait3A_170 : memref<4096xf32, #tpu.memory_space<vmem_shared>>) dst(%arg14 : memref<4096xf32, #tpu.memory_space<vmem>>)
      tpu.yield
    }) : () -> ()
    "tpu.region"() ({
      %run_scoped3A = tpu.sem_alloc : memref<!tpu.dma_semaphore, #tpu.memory_space<semaphore_mem>>
      %dma_start3A_163 = arith.constant 4096 : i32
      %dma_start3A_164 = tpu.memref_slice %arg23[%dma_start3A_163] : memref<12288xf32, #tpu.memory_space<vmem_shared>> -> memref<4096xf32, #tpu.memory_space<vmem_shared>>
      %dma_start3A_165 = arith.constant 4096 : i32
      %dma_start3A_166 = tpu.memref_slice %arg23[%dma_start3A_165] : memref<12288xf32, #tpu.memory_space<vmem_shared>> -> memref<4096xf32, #tpu.memory_space<vmem_shared>>
      tpu.enqueue_dma source(%dma_start3A_166 : memref<4096xf32, #tpu.memory_space<vmem_shared>>) target(%arg15 : memref<4096xf32, #tpu.memory_space<vmem>>) target_semaphore(%run_scoped3A : memref<!tpu.dma_semaphore, #tpu.memory_space<semaphore_mem>>)
      %dma_wait3A_167 = arith.constant 4096 : i32
      %dma_wait3A_168 = tpu.memref_slice %arg23[%dma_wait3A_167] : memref<12288xf32, #tpu.memory_space<vmem_shared>> -> memref<4096xf32, #tpu.memory_space<vmem_shared>>
      %dma_wait3A_169 = arith.constant 4096 : i32
      %dma_wait3A_170 = tpu.memref_slice %arg23[%dma_wait3A_169] : memref<12288xf32, #tpu.memory_space<vmem_shared>> -> memref<4096xf32, #tpu.memory_space<vmem_shared>>
      tpu.wait_dma2 semaphore(%run_scoped3A : memref<!tpu.dma_semaphore, #tpu.memory_space<semaphore_mem>>) src(%dma_wait3A_170 : memref<4096xf32, #tpu.memory_space<vmem_shared>>) dst(%arg15 : memref<4096xf32, #tpu.memory_space<vmem>>)
      tpu.yield
    }) : () -> ()
    "tpu.region"() ({
      %run_scoped3A = tpu.sem_alloc : memref<!tpu.dma_semaphore, #tpu.memory_space<semaphore_mem>>
      %dma_start3A_163 = arith.constant 8192 : i32
      %dma_start3A_164 = tpu.memref_slice %arg23[%dma_start3A_163] : memref<12288xf32, #tpu.memory_space<vmem_shared>> -> memref<4096xf32, #tpu.memory_space<vmem_shared>>
      %dma_start3A_165 = arith.constant 8192 : i32
      %dma_start3A_166 = tpu.memref_slice %arg23[%dma_start3A_165] : memref<12288xf32, #tpu.memory_space<vmem_shared>> -> memref<4096xf32, #tpu.memory_space<vmem_shared>>
      tpu.enqueue_dma source(%dma_start3A_166 : memref<4096xf32, #tpu.memory_space<vmem_shared>>) target(%arg16 : memref<4096xf32, #tpu.memory_space<vmem>>) target_semaphore(%run_scoped3A : memref<!tpu.dma_semaphore, #tpu.memory_space<semaphore_mem>>)
      %dma_wait3A_167 = arith.constant 8192 : i32
      %dma_wait3A_168 = tpu.memref_slice %arg23[%dma_wait3A_167] : memref<12288xf32, #tpu.memory_space<vmem_shared>> -> memref<4096xf32, #tpu.memory_space<vmem_shared>>
      %dma_wait3A_169 = arith.constant 8192 : i32
      %dma_wait3A_170 = tpu.memref_slice %arg23[%dma_wait3A_169] : memref<12288xf32, #tpu.memory_space<vmem_shared>> -> memref<4096xf32, #tpu.memory_space<vmem_shared>>
      tpu.wait_dma2 semaphore(%run_scoped3A : memref<!tpu.dma_semaphore, #tpu.memory_space<semaphore_mem>>) src(%dma_wait3A_170 : memref<4096xf32, #tpu.memory_space<vmem_shared>>) dst(%arg16 : memref<4096xf32, #tpu.memory_space<vmem>>)
      tpu.yield
    }) : () -> ()
    "tpu.region"() ({
      %run_scoped3A = tpu.sem_alloc : memref<!tpu.dma_semaphore, #tpu.memory_space<semaphore_mem>>
      tpu.enqueue_dma source(%arg21 : memref<4096xi32, #tpu.memory_space<vmem_shared>>) target(%arg13 : memref<4096xi32, #tpu.memory_space<vmem>>) target_semaphore(%run_scoped3A : memref<!tpu.dma_semaphore, #tpu.memory_space<semaphore_mem>>)
      tpu.wait_dma2 semaphore(%run_scoped3A : memref<!tpu.dma_semaphore, #tpu.memory_space<semaphore_mem>>) src(%arg21 : memref<4096xi32, #tpu.memory_space<vmem_shared>>) dst(%arg13 : memref<4096xi32, #tpu.memory_space<vmem>>)
      tpu.yield
    }) : () -> ()
    %mul3A_44 = arith.constant 768 : i32
    %mul3A_45 = arith.muli %arg1, %mul3A_44 : i32
    %add3A_46 = arith.constant 12288 : i32
    %add3A_47 = arith.addi %add3A_46, %mul3A_45 : i32
    %mul3A_48 = arith.constant 768 : i32
    %mul3A_49 = arith.muli %arg1, %mul3A_48 : i32
    %dma_start3A_50 = tpu.memref_slice %arg26[%mul3A_49] : memref<12288xf32, #tpu.memory_space<vmem_shared>> -> memref<768xf32, #tpu.memory_space<vmem_shared>>
    %dma_start3A_51 = tpu.memref_slice %arg6[%add3A_47] : memref<49152xf32, #tpu.memory_space<hbm>> -> memref<768xf32, #tpu.memory_space<hbm>>
    tpu.enqueue_dma source(%dma_start3A_51 : memref<768xf32, #tpu.memory_space<hbm>>) target(%dma_start3A_50 : memref<768xf32, #tpu.memory_space<vmem_shared>>) target_semaphore(%arg20 : memref<!tpu.dma_semaphore, #tpu.memory_space<semaphore_mem>>)
    %mul3A_52 = arith.constant 768 : i32
    %mul3A_53 = arith.muli %arg1, %mul3A_52 : i32
    %add3A_54 = arith.constant 12288 : i32
    %add3A_55 = arith.addi %add3A_54, %mul3A_53 : i32
    %mul3A_56 = arith.constant 768 : i32
    %mul3A_57 = arith.muli %arg1, %mul3A_56 : i32
    %dma_start3A_58 = tpu.memref_slice %arg24[%mul3A_57] : memref<12288xf32, #tpu.memory_space<vmem_shared>> -> memref<768xf32, #tpu.memory_space<vmem_shared>>
    %dma_start3A_59 = tpu.memref_slice %arg7[%add3A_55] : memref<49152xf32, #tpu.memory_space<hbm>> -> memref<768xf32, #tpu.memory_space<hbm>>
    tpu.enqueue_dma source(%dma_start3A_59 : memref<768xf32, #tpu.memory_space<hbm>>) target(%dma_start3A_58 : memref<768xf32, #tpu.memory_space<vmem_shared>>) target_semaphore(%arg20 : memref<!tpu.dma_semaphore, #tpu.memory_space<semaphore_mem>>)
    %mul3A_60 = arith.constant 256 : i32
    %mul3A_61 = arith.muli %arg1, %mul3A_60 : i32
    %add3A_62 = arith.constant 4096 : i32
    %add3A_63 = arith.addi %add3A_62, %mul3A_61 : i32
    %mul3A_64 = arith.constant 256 : i32
    %mul3A_65 = arith.muli %arg1, %mul3A_64 : i32
    %dma_start3A_66 = tpu.memref_slice %arg22[%mul3A_65] : memref<4096xi32, #tpu.memory_space<vmem_shared>> -> memref<256xi32, #tpu.memory_space<vmem_shared>>
    %dma_start3A_67 = tpu.memref_slice %arg5[%add3A_63] : memref<16384xi32, #tpu.memory_space<hbm>> -> memref<256xi32, #tpu.memory_space<hbm>>
    tpu.enqueue_dma source(%dma_start3A_67 : memref<256xi32, #tpu.memory_space<hbm>>) target(%dma_start3A_66 : memref<256xi32, #tpu.memory_space<vmem_shared>>) target_semaphore(%arg20 : memref<!tpu.dma_semaphore, #tpu.memory_space<semaphore_mem>>)
    %scan3A = arith.constant 0 : i32
    %scan3A_68 = arith.constant 48 : i32
    %scan3A_69 = arith.addi %scan3A, %scan3A_68 : i32
    %scan3A_70 = arith.constant 1 : i32
    %scan3A_71 = scf.for %scan3A_163 = %scan3A to %scan3A_69 step %scan3A_70 iter_args(%scan3A_164 = %broadcast_in_dim3A_37) -> (vector<16xf32>)  : i32 {
      %mul3A_165 = arith.constant 16 : i32
      %mul3A_166 = arith.muli %scan3A_163, %mul3A_165 : i32
      %get3A = arith.index_cast %mul3A_166 : i32 to index
      %get3A_167 = tpu.vector_load %arg10[%get3A] {strides = array<i32>} : memref<768xi32, #tpu.memory_space<vmem>>, vector<16xi32>,
      %get3A_168 = arith.index_cast %mul3A_166 : i32 to index
      %get3A_169 = tpu.vector_load %arg11[%get3A_168] {strides = array<i32>} : memref<768xi32, #tpu.memory_space<vmem>>, vector<16xi32>,
      %get3A_170 = arith.index_cast %mul3A_166 : i32 to index
      %get3A_171 = tpu.vector_load %arg12[%get3A_170] {strides = array<i32>} : memref<768xf32, #tpu.memory_space<vmem>>, vector<16xf32>,
      %gather3A = tpu.vector_load_idx %arg13[%get3A_167] : memref<4096xi32, #tpu.memory_space<vmem>>[vector<16xi32>], vector<16xi32>,
      %gather3A_172 = tpu.vector_load_idx %arg13[%get3A_169] : memref<4096xi32, #tpu.memory_space<vmem>>[vector<16xi32>], vector<16xi32>,
      %gather3A_173 = tpu.vector_load_idx %arg17[%get3A_167] : memref<4096xf32, #tpu.memory_space<vmem>>[vector<16xi32>], vector<16xf32>,
      %gather3A_174 = tpu.vector_load_idx %arg17[%get3A_169] : memref<4096xf32, #tpu.memory_space<vmem>>[vector<16xi32>], vector<16xf32>,
      %sub3A = arith.subf %gather3A_173, %gather3A_174 : vector<16xf32>
      %gather3A_175 = tpu.vector_load_idx %arg18[%get3A_167] : memref<4096xf32, #tpu.memory_space<vmem>>[vector<16xi32>], vector<16xf32>,
      %gather3A_176 = tpu.vector_load_idx %arg18[%get3A_169] : memref<4096xf32, #tpu.memory_space<vmem>>[vector<16xi32>], vector<16xf32>,
      %sub3A_177 = arith.subf %gather3A_175, %gather3A_176 : vector<16xf32>
      %gather3A_178 = tpu.vector_load_idx %arg19[%get3A_167] : memref<4096xf32, #tpu.memory_space<vmem>>[vector<16xi32>], vector<16xf32>,
      %gather3A_179 = tpu.vector_load_idx %arg19[%get3A_169] : memref<4096xf32, #tpu.memory_space<vmem>>[vector<16xi32>], vector<16xf32>,
      %sub3A_180 = arith.subf %gather3A_178, %gather3A_179 : vector<16xf32>
      %gather3A_181 = tpu.vector_load_idx %arg14[%gather3A] : memref<4096xf32, #tpu.memory_space<vmem>>[vector<16xi32>], vector<16xf32>,
      %mul3A_182 = arith.mulf %sub3A, %gather3A_181 : vector<16xf32>
      %gather3A_183 = tpu.vector_load_idx %arg15[%gather3A] : memref<4096xf32, #tpu.memory_space<vmem>>[vector<16xi32>], vector<16xf32>,
      %mul3A_184 = arith.mulf %sub3A_177, %gather3A_183 : vector<16xf32>
      %add3A_185 = arith.addf %mul3A_182, %mul3A_184 : vector<16xf32>
      %gather3A_186 = tpu.vector_load_idx %arg16[%gather3A] : memref<4096xf32, #tpu.memory_space<vmem>>[vector<16xi32>], vector<16xf32>,
      %mul3A_187 = arith.mulf %sub3A_180, %gather3A_186 : vector<16xf32>
      %add3A_188 = arith.addf %add3A_185, %mul3A_187 : vector<16xf32>
      %gather3A_189 = tpu.vector_load_idx %arg14[%gather3A_172] : memref<4096xf32, #tpu.memory_space<vmem>>[vector<16xi32>], vector<16xf32>,
      %mul3A_190 = arith.mulf %sub3A, %gather3A_189 : vector<16xf32>
      %gather3A_191 = tpu.vector_load_idx %arg15[%gather3A_172] : memref<4096xf32, #tpu.memory_space<vmem>>[vector<16xi32>], vector<16xf32>,
      %mul3A_192 = arith.mulf %sub3A_177, %gather3A_191 : vector<16xf32>
      %add3A_193 = arith.addf %mul3A_190, %mul3A_192 : vector<16xf32>
      %gather3A_194 = tpu.vector_load_idx %arg16[%gather3A_172] : memref<4096xf32, #tpu.memory_space<vmem>>[vector<16xi32>], vector<16xf32>,
      %mul3A_195 = arith.mulf %sub3A_180, %gather3A_194 : vector<16xf32>
      %add3A_196 = arith.addf %add3A_193, %mul3A_195 : vector<16xf32>
      %abs3A = math.absf %add3A_188 : vector<16xf32>
      %abs3A_197 = math.absf %add3A_196 : vector<16xf32>
      %add3A_198 = arith.addf %abs3A, %abs3A_197 : vector<16xf32>
      %mul3A_199 = arith.mulf %add3A_198, %get3A_171 : vector<16xf32>
      %add3A_200 = arith.addf %scan3A_164, %mul3A_199 : vector<16xf32>
      scf.yield %add3A_200 : vector<16xf32>
    }
    %scan3A_72 = arith.constant 48 : i32
    %dma_wait3A_73 = tpu.memref_slice %arg26[%mul3A_49] : memref<12288xf32, #tpu.memory_space<vmem_shared>> -> memref<768xf32, #tpu.memory_space<vmem_shared>>
    %dma_wait3A_74 = tpu.memref_slice %arg6[%add3A_47] : memref<49152xf32, #tpu.memory_space<hbm>> -> memref<768xf32, #tpu.memory_space<hbm>>
    tpu.wait_dma2 semaphore(%arg20 : memref<!tpu.dma_semaphore, #tpu.memory_space<semaphore_mem>>) src(%dma_wait3A_74 : memref<768xf32, #tpu.memory_space<hbm>>) dst(%dma_wait3A_73 : memref<768xf32, #tpu.memory_space<vmem_shared>>)
    %dma_wait3A_75 = tpu.memref_slice %arg24[%mul3A_57] : memref<12288xf32, #tpu.memory_space<vmem_shared>> -> memref<768xf32, #tpu.memory_space<vmem_shared>>
    %dma_wait3A_76 = tpu.memref_slice %arg7[%add3A_55] : memref<49152xf32, #tpu.memory_space<hbm>> -> memref<768xf32, #tpu.memory_space<hbm>>
    tpu.wait_dma2 semaphore(%arg20 : memref<!tpu.dma_semaphore, #tpu.memory_space<semaphore_mem>>) src(%dma_wait3A_76 : memref<768xf32, #tpu.memory_space<hbm>>) dst(%dma_wait3A_75 : memref<768xf32, #tpu.memory_space<vmem_shared>>)
    %dma_wait3A_77 = tpu.memref_slice %arg22[%mul3A_65] : memref<4096xi32, #tpu.memory_space<vmem_shared>> -> memref<256xi32, #tpu.memory_space<vmem_shared>>
    %dma_wait3A_78 = tpu.memref_slice %arg5[%add3A_63] : memref<16384xi32, #tpu.memory_space<hbm>> -> memref<256xi32, #tpu.memory_space<hbm>>
    tpu.wait_dma2 semaphore(%arg20 : memref<!tpu.dma_semaphore, #tpu.memory_space<semaphore_mem>>) src(%dma_wait3A_78 : memref<256xi32, #tpu.memory_space<hbm>>) dst(%dma_wait3A_77 : memref<256xi32, #tpu.memory_space<vmem_shared>>)
    %barrier3A_79 = arith.constant 0 : index
    tpu.barrier barrier_id(%barrier3A_79)
    "tpu.region"() ({
      %run_scoped3A = tpu.sem_alloc : memref<!tpu.dma_semaphore, #tpu.memory_space<semaphore_mem>>
      %dma_start3A_163 = arith.constant 0 : i32
      %dma_start3A_164 = tpu.memref_slice %arg26[%dma_start3A_163] : memref<12288xf32, #tpu.memory_space<vmem_shared>> -> memref<4096xf32, #tpu.memory_space<vmem_shared>>
      %dma_start3A_165 = arith.constant 0 : i32
      %dma_start3A_166 = tpu.memref_slice %arg26[%dma_start3A_165] : memref<12288xf32, #tpu.memory_space<vmem_shared>> -> memref<4096xf32, #tpu.memory_space<vmem_shared>>
      tpu.enqueue_dma source(%dma_start3A_166 : memref<4096xf32, #tpu.memory_space<vmem_shared>>) target(%arg17 : memref<4096xf32, #tpu.memory_space<vmem>>) target_semaphore(%run_scoped3A : memref<!tpu.dma_semaphore, #tpu.memory_space<semaphore_mem>>)
      %dma_wait3A_167 = arith.constant 0 : i32
      %dma_wait3A_168 = tpu.memref_slice %arg26[%dma_wait3A_167] : memref<12288xf32, #tpu.memory_space<vmem_shared>> -> memref<4096xf32, #tpu.memory_space<vmem_shared>>
      %dma_wait3A_169 = arith.constant 0 : i32
      %dma_wait3A_170 = tpu.memref_slice %arg26[%dma_wait3A_169] : memref<12288xf32, #tpu.memory_space<vmem_shared>> -> memref<4096xf32, #tpu.memory_space<vmem_shared>>
      tpu.wait_dma2 semaphore(%run_scoped3A : memref<!tpu.dma_semaphore, #tpu.memory_space<semaphore_mem>>) src(%dma_wait3A_170 : memref<4096xf32, #tpu.memory_space<vmem_shared>>) dst(%arg17 : memref<4096xf32, #tpu.memory_space<vmem>>)
      tpu.yield
    }) : () -> ()
    "tpu.region"() ({
      %run_scoped3A = tpu.sem_alloc : memref<!tpu.dma_semaphore, #tpu.memory_space<semaphore_mem>>
      %dma_start3A_163 = arith.constant 4096 : i32
      %dma_start3A_164 = tpu.memref_slice %arg26[%dma_start3A_163] : memref<12288xf32, #tpu.memory_space<vmem_shared>> -> memref<4096xf32, #tpu.memory_space<vmem_shared>>
      %dma_start3A_165 = arith.constant 4096 : i32
      %dma_start3A_166 = tpu.memref_slice %arg26[%dma_start3A_165] : memref<12288xf32, #tpu.memory_space<vmem_shared>> -> memref<4096xf32, #tpu.memory_space<vmem_shared>>
      tpu.enqueue_dma source(%dma_start3A_166 : memref<4096xf32, #tpu.memory_space<vmem_shared>>) target(%arg18 : memref<4096xf32, #tpu.memory_space<vmem>>) target_semaphore(%run_scoped3A : memref<!tpu.dma_semaphore, #tpu.memory_space<semaphore_mem>>)
      %dma_wait3A_167 = arith.constant 4096 : i32
      %dma_wait3A_168 = tpu.memref_slice %arg26[%dma_wait3A_167] : memref<12288xf32, #tpu.memory_space<vmem_shared>> -> memref<4096xf32, #tpu.memory_space<vmem_shared>>
      %dma_wait3A_169 = arith.constant 4096 : i32
      %dma_wait3A_170 = tpu.memref_slice %arg26[%dma_wait3A_169] : memref<12288xf32, #tpu.memory_space<vmem_shared>> -> memref<4096xf32, #tpu.memory_space<vmem_shared>>
      tpu.wait_dma2 semaphore(%run_scoped3A : memref<!tpu.dma_semaphore, #tpu.memory_space<semaphore_mem>>) src(%dma_wait3A_170 : memref<4096xf32, #tpu.memory_space<vmem_shared>>) dst(%arg18 : memref<4096xf32, #tpu.memory_space<vmem>>)
      tpu.yield
    }) : () -> ()
    "tpu.region"() ({
      %run_scoped3A = tpu.sem_alloc : memref<!tpu.dma_semaphore, #tpu.memory_space<semaphore_mem>>
      %dma_start3A_163 = arith.constant 8192 : i32
      %dma_start3A_164 = tpu.memref_slice %arg26[%dma_start3A_163] : memref<12288xf32, #tpu.memory_space<vmem_shared>> -> memref<4096xf32, #tpu.memory_space<vmem_shared>>
      %dma_start3A_165 = arith.constant 8192 : i32
      %dma_start3A_166 = tpu.memref_slice %arg26[%dma_start3A_165] : memref<12288xf32, #tpu.memory_space<vmem_shared>> -> memref<4096xf32, #tpu.memory_space<vmem_shared>>
      tpu.enqueue_dma source(%dma_start3A_166 : memref<4096xf32, #tpu.memory_space<vmem_shared>>) target(%arg19 : memref<4096xf32, #tpu.memory_space<vmem>>) target_semaphore(%run_scoped3A : memref<!tpu.dma_semaphore, #tpu.memory_space<semaphore_mem>>)
      %dma_wait3A_167 = arith.constant 8192 : i32
      %dma_wait3A_168 = tpu.memref_slice %arg26[%dma_wait3A_167] : memref<12288xf32, #tpu.memory_space<vmem_shared>> -> memref<4096xf32, #tpu.memory_space<vmem_shared>>
      %dma_wait3A_169 = arith.constant 8192 : i32
      %dma_wait3A_170 = tpu.memref_slice %arg26[%dma_wait3A_169] : memref<12288xf32, #tpu.memory_space<vmem_shared>> -> memref<4096xf32, #tpu.memory_space<vmem_shared>>
      tpu.wait_dma2 semaphore(%run_scoped3A : memref<!tpu.dma_semaphore, #tpu.memory_space<semaphore_mem>>) src(%dma_wait3A_170 : memref<4096xf32, #tpu.memory_space<vmem_shared>>) dst(%arg19 : memref<4096xf32, #tpu.memory_space<vmem>>)
      tpu.yield
    }) : () -> ()
    "tpu.region"() ({
      %run_scoped3A = tpu.sem_alloc : memref<!tpu.dma_semaphore, #tpu.memory_space<semaphore_mem>>
      %dma_start3A_163 = arith.constant 0 : i32
      %dma_start3A_164 = tpu.memref_slice %arg24[%dma_start3A_163] : memref<12288xf32, #tpu.memory_space<vmem_shared>> -> memref<4096xf32, #tpu.memory_space<vmem_shared>>
      %dma_start3A_165 = arith.constant 0 : i32
      %dma_start3A_166 = tpu.memref_slice %arg24[%dma_start3A_165] : memref<12288xf32, #tpu.memory_space<vmem_shared>> -> memref<4096xf32, #tpu.memory_space<vmem_shared>>
      tpu.enqueue_dma source(%dma_start3A_166 : memref<4096xf32, #tpu.memory_space<vmem_shared>>) target(%arg14 : memref<4096xf32, #tpu.memory_space<vmem>>) target_semaphore(%run_scoped3A : memref<!tpu.dma_semaphore, #tpu.memory_space<semaphore_mem>>)
      %dma_wait3A_167 = arith.constant 0 : i32
      %dma_wait3A_168 = tpu.memref_slice %arg24[%dma_wait3A_167] : memref<12288xf32, #tpu.memory_space<vmem_shared>> -> memref<4096xf32, #tpu.memory_space<vmem_shared>>
      %dma_wait3A_169 = arith.constant 0 : i32
      %dma_wait3A_170 = tpu.memref_slice %arg24[%dma_wait3A_169] : memref<12288xf32, #tpu.memory_space<vmem_shared>> -> memref<4096xf32, #tpu.memory_space<vmem_shared>>
      tpu.wait_dma2 semaphore(%run_scoped3A : memref<!tpu.dma_semaphore, #tpu.memory_space<semaphore_mem>>) src(%dma_wait3A_170 : memref<4096xf32, #tpu.memory_space<vmem_shared>>) dst(%arg14 : memref<4096xf32, #tpu.memory_space<vmem>>)
      tpu.yield
    }) : () -> ()
    "tpu.region"() ({
      %run_scoped3A = tpu.sem_alloc : memref<!tpu.dma_semaphore, #tpu.memory_space<semaphore_mem>>
      %dma_start3A_163 = arith.constant 4096 : i32
      %dma_start3A_164 = tpu.memref_slice %arg24[%dma_start3A_163] : memref<12288xf32, #tpu.memory_space<vmem_shared>> -> memref<4096xf32, #tpu.memory_space<vmem_shared>>
      %dma_start3A_165 = arith.constant 4096 : i32
      %dma_start3A_166 = tpu.memref_slice %arg24[%dma_start3A_165] : memref<12288xf32, #tpu.memory_space<vmem_shared>> -> memref<4096xf32, #tpu.memory_space<vmem_shared>>
      tpu.enqueue_dma source(%dma_start3A_166 : memref<4096xf32, #tpu.memory_space<vmem_shared>>) target(%arg15 : memref<4096xf32, #tpu.memory_space<vmem>>) target_semaphore(%run_scoped3A : memref<!tpu.dma_semaphore, #tpu.memory_space<semaphore_mem>>)
      %dma_wait3A_167 = arith.constant 4096 : i32
      %dma_wait3A_168 = tpu.memref_slice %arg24[%dma_wait3A_167] : memref<12288xf32, #tpu.memory_space<vmem_shared>> -> memref<4096xf32, #tpu.memory_space<vmem_shared>>
      %dma_wait3A_169 = arith.constant 4096 : i32
      %dma_wait3A_170 = tpu.memref_slice %arg24[%dma_wait3A_169] : memref<12288xf32, #tpu.memory_space<vmem_shared>> -> memref<4096xf32, #tpu.memory_space<vmem_shared>>
      tpu.wait_dma2 semaphore(%run_scoped3A : memref<!tpu.dma_semaphore, #tpu.memory_space<semaphore_mem>>) src(%dma_wait3A_170 : memref<4096xf32, #tpu.memory_space<vmem_shared>>) dst(%arg15 : memref<4096xf32, #tpu.memory_space<vmem>>)
      tpu.yield
    }) : () -> ()
    "tpu.region"() ({
      %run_scoped3A = tpu.sem_alloc : memref<!tpu.dma_semaphore, #tpu.memory_space<semaphore_mem>>
      %dma_start3A_163 = arith.constant 8192 : i32
      %dma_start3A_164 = tpu.memref_slice %arg24[%dma_start3A_163] : memref<12288xf32, #tpu.memory_space<vmem_shared>> -> memref<4096xf32, #tpu.memory_space<vmem_shared>>
      %dma_start3A_165 = arith.constant 8192 : i32
      %dma_start3A_166 = tpu.memref_slice %arg24[%dma_start3A_165] : memref<12288xf32, #tpu.memory_space<vmem_shared>> -> memref<4096xf32, #tpu.memory_space<vmem_shared>>
      tpu.enqueue_dma source(%dma_start3A_166 : memref<4096xf32, #tpu.memory_space<vmem_shared>>) target(%arg16 : memref<4096xf32, #tpu.memory_space<vmem>>) target_semaphore(%run_scoped3A : memref<!tpu.dma_semaphore, #tpu.memory_space<semaphore_mem>>)
      %dma_wait3A_167 = arith.constant 8192 : i32
      %dma_wait3A_168 = tpu.memref_slice %arg24[%dma_wait3A_167] : memref<12288xf32, #tpu.memory_space<vmem_shared>> -> memref<4096xf32, #tpu.memory_space<vmem_shared>>
      %dma_wait3A_169 = arith.constant 8192 : i32
      %dma_wait3A_170 = tpu.memref_slice %arg24[%dma_wait3A_169] : memref<12288xf32, #tpu.memory_space<vmem_shared>> -> memref<4096xf32, #tpu.memory_space<vmem_shared>>
      tpu.wait_dma2 semaphore(%run_scoped3A : memref<!tpu.dma_semaphore, #tpu.memory_space<semaphore_mem>>) src(%dma_wait3A_170 : memref<4096xf32, #tpu.memory_space<vmem_shared>>) dst(%arg16 : memref<4096xf32, #tpu.memory_space<vmem>>)
      tpu.yield
    }) : () -> ()
    "tpu.region"() ({
      %run_scoped3A = tpu.sem_alloc : memref<!tpu.dma_semaphore, #tpu.memory_space<semaphore_mem>>
      tpu.enqueue_dma source(%arg22 : memref<4096xi32, #tpu.memory_space<vmem_shared>>) target(%arg13 : memref<4096xi32, #tpu.memory_space<vmem>>) target_semaphore(%run_scoped3A : memref<!tpu.dma_semaphore, #tpu.memory_space<semaphore_mem>>)
      tpu.wait_dma2 semaphore(%run_scoped3A : memref<!tpu.dma_semaphore, #tpu.memory_space<semaphore_mem>>) src(%arg22 : memref<4096xi32, #tpu.memory_space<vmem_shared>>) dst(%arg13 : memref<4096xi32, #tpu.memory_space<vmem>>)
      tpu.yield
    }) : () -> ()
    %mul3A_80 = arith.constant 768 : i32
    %mul3A_81 = arith.muli %arg1, %mul3A_80 : i32
    %add3A_82 = arith.constant 24576 : i32
    %add3A_83 = arith.addi %add3A_82, %mul3A_81 : i32
    %mul3A_84 = arith.constant 768 : i32
    %mul3A_85 = arith.muli %arg1, %mul3A_84 : i32
    %dma_start3A_86 = tpu.memref_slice %arg25[%mul3A_85] : memref<12288xf32, #tpu.memory_space<vmem_shared>> -> memref<768xf32, #tpu.memory_space<vmem_shared>>
    %dma_start3A_87 = tpu.memref_slice %arg6[%add3A_83] : memref<49152xf32, #tpu.memory_space<hbm>> -> memref<768xf32, #tpu.memory_space<hbm>>
    tpu.enqueue_dma source(%dma_start3A_87 : memref<768xf32, #tpu.memory_space<hbm>>) target(%dma_start3A_86 : memref<768xf32, #tpu.memory_space<vmem_shared>>) target_semaphore(%arg20 : memref<!tpu.dma_semaphore, #tpu.memory_space<semaphore_mem>>)
    %mul3A_88 = arith.constant 768 : i32
    %mul3A_89 = arith.muli %arg1, %mul3A_88 : i32
    %add3A_90 = arith.constant 24576 : i32
    %add3A_91 = arith.addi %add3A_90, %mul3A_89 : i32
    %mul3A_92 = arith.constant 768 : i32
    %mul3A_93 = arith.muli %arg1, %mul3A_92 : i32
    %dma_start3A_94 = tpu.memref_slice %arg23[%mul3A_93] : memref<12288xf32, #tpu.memory_space<vmem_shared>> -> memref<768xf32, #tpu.memory_space<vmem_shared>>
    %dma_start3A_95 = tpu.memref_slice %arg7[%add3A_91] : memref<49152xf32, #tpu.memory_space<hbm>> -> memref<768xf32, #tpu.memory_space<hbm>>
    tpu.enqueue_dma source(%dma_start3A_95 : memref<768xf32, #tpu.memory_space<hbm>>) target(%dma_start3A_94 : memref<768xf32, #tpu.memory_space<vmem_shared>>) target_semaphore(%arg20 : memref<!tpu.dma_semaphore, #tpu.memory_space<semaphore_mem>>)
    %mul3A_96 = arith.constant 256 : i32
    %mul3A_97 = arith.muli %arg1, %mul3A_96 : i32
    %add3A_98 = arith.constant 8192 : i32
    %add3A_99 = arith.addi %add3A_98, %mul3A_97 : i32
    %mul3A_100 = arith.constant 256 : i32
    %mul3A_101 = arith.muli %arg1, %mul3A_100 : i32
    %dma_start3A_102 = tpu.memref_slice %arg21[%mul3A_101] : memref<4096xi32, #tpu.memory_space<vmem_shared>> -> memref<256xi32, #tpu.memory_space<vmem_shared>>
    %dma_start3A_103 = tpu.memref_slice %arg5[%add3A_99] : memref<16384xi32, #tpu.memory_space<hbm>> -> memref<256xi32, #tpu.memory_space<hbm>>
    tpu.enqueue_dma source(%dma_start3A_103 : memref<256xi32, #tpu.memory_space<hbm>>) target(%dma_start3A_102 : memref<256xi32, #tpu.memory_space<vmem_shared>>) target_semaphore(%arg20 : memref<!tpu.dma_semaphore, #tpu.memory_space<semaphore_mem>>)
    %scan3A_104 = arith.constant 0 : i32
    %scan3A_105 = arith.constant 48 : i32
    %scan3A_106 = arith.addi %scan3A_104, %scan3A_105 : i32
    %scan3A_107 = arith.constant 1 : i32
    %scan3A_108 = scf.for %scan3A_163 = %scan3A_104 to %scan3A_106 step %scan3A_107 iter_args(%scan3A_164 = %scan3A_71) -> (vector<16xf32>)  : i32 {
      %mul3A_165 = arith.constant 16 : i32
      %mul3A_166 = arith.muli %scan3A_163, %mul3A_165 : i32
      %get3A = arith.index_cast %mul3A_166 : i32 to index
      %get3A_167 = tpu.vector_load %arg10[%get3A] {strides = array<i32>} : memref<768xi32, #tpu.memory_space<vmem>>, vector<16xi32>,
      %get3A_168 = arith.index_cast %mul3A_166 : i32 to index
      %get3A_169 = tpu.vector_load %arg11[%get3A_168] {strides = array<i32>} : memref<768xi32, #tpu.memory_space<vmem>>, vector<16xi32>,
      %get3A_170 = arith.index_cast %mul3A_166 : i32 to index
      %get3A_171 = tpu.vector_load %arg12[%get3A_170] {strides = array<i32>} : memref<768xf32, #tpu.memory_space<vmem>>, vector<16xf32>,
      %gather3A = tpu.vector_load_idx %arg13[%get3A_167] : memref<4096xi32, #tpu.memory_space<vmem>>[vector<16xi32>], vector<16xi32>,
      %gather3A_172 = tpu.vector_load_idx %arg13[%get3A_169] : memref<4096xi32, #tpu.memory_space<vmem>>[vector<16xi32>], vector<16xi32>,
      %gather3A_173 = tpu.vector_load_idx %arg17[%get3A_167] : memref<4096xf32, #tpu.memory_space<vmem>>[vector<16xi32>], vector<16xf32>,
      %gather3A_174 = tpu.vector_load_idx %arg17[%get3A_169] : memref<4096xf32, #tpu.memory_space<vmem>>[vector<16xi32>], vector<16xf32>,
      %sub3A = arith.subf %gather3A_173, %gather3A_174 : vector<16xf32>
      %gather3A_175 = tpu.vector_load_idx %arg18[%get3A_167] : memref<4096xf32, #tpu.memory_space<vmem>>[vector<16xi32>], vector<16xf32>,
      %gather3A_176 = tpu.vector_load_idx %arg18[%get3A_169] : memref<4096xf32, #tpu.memory_space<vmem>>[vector<16xi32>], vector<16xf32>,
      %sub3A_177 = arith.subf %gather3A_175, %gather3A_176 : vector<16xf32>
      %gather3A_178 = tpu.vector_load_idx %arg19[%get3A_167] : memref<4096xf32, #tpu.memory_space<vmem>>[vector<16xi32>], vector<16xf32>,
      %gather3A_179 = tpu.vector_load_idx %arg19[%get3A_169] : memref<4096xf32, #tpu.memory_space<vmem>>[vector<16xi32>], vector<16xf32>,
      %sub3A_180 = arith.subf %gather3A_178, %gather3A_179 : vector<16xf32>
      %gather3A_181 = tpu.vector_load_idx %arg14[%gather3A] : memref<4096xf32, #tpu.memory_space<vmem>>[vector<16xi32>], vector<16xf32>,
      %mul3A_182 = arith.mulf %sub3A, %gather3A_181 : vector<16xf32>
      %gather3A_183 = tpu.vector_load_idx %arg15[%gather3A] : memref<4096xf32, #tpu.memory_space<vmem>>[vector<16xi32>], vector<16xf32>,
      %mul3A_184 = arith.mulf %sub3A_177, %gather3A_183 : vector<16xf32>
      %add3A_185 = arith.addf %mul3A_182, %mul3A_184 : vector<16xf32>
      %gather3A_186 = tpu.vector_load_idx %arg16[%gather3A] : memref<4096xf32, #tpu.memory_space<vmem>>[vector<16xi32>], vector<16xf32>,
      %mul3A_187 = arith.mulf %sub3A_180, %gather3A_186 : vector<16xf32>
      %add3A_188 = arith.addf %add3A_185, %mul3A_187 : vector<16xf32>
      %gather3A_189 = tpu.vector_load_idx %arg14[%gather3A_172] : memref<4096xf32, #tpu.memory_space<vmem>>[vector<16xi32>], vector<16xf32>,
      %mul3A_190 = arith.mulf %sub3A, %gather3A_189 : vector<16xf32>
      %gather3A_191 = tpu.vector_load_idx %arg15[%gather3A_172] : memref<4096xf32, #tpu.memory_space<vmem>>[vector<16xi32>], vector<16xf32>,
      %mul3A_192 = arith.mulf %sub3A_177, %gather3A_191 : vector<16xf32>
      %add3A_193 = arith.addf %mul3A_190, %mul3A_192 : vector<16xf32>
      %gather3A_194 = tpu.vector_load_idx %arg16[%gather3A_172] : memref<4096xf32, #tpu.memory_space<vmem>>[vector<16xi32>], vector<16xf32>,
      %mul3A_195 = arith.mulf %sub3A_180, %gather3A_194 : vector<16xf32>
      %add3A_196 = arith.addf %add3A_193, %mul3A_195 : vector<16xf32>
      %abs3A = math.absf %add3A_188 : vector<16xf32>
      %abs3A_197 = math.absf %add3A_196 : vector<16xf32>
      %add3A_198 = arith.addf %abs3A, %abs3A_197 : vector<16xf32>
      %mul3A_199 = arith.mulf %add3A_198, %get3A_171 : vector<16xf32>
      %add3A_200 = arith.addf %scan3A_164, %mul3A_199 : vector<16xf32>
      scf.yield %add3A_200 : vector<16xf32>
    }
    %scan3A_109 = arith.constant 48 : i32
    %dma_wait3A_110 = tpu.memref_slice %arg25[%mul3A_85] : memref<12288xf32, #tpu.memory_space<vmem_shared>> -> memref<768xf32, #tpu.memory_space<vmem_shared>>
    %dma_wait3A_111 = tpu.memref_slice %arg6[%add3A_83] : memref<49152xf32, #tpu.memory_space<hbm>> -> memref<768xf32, #tpu.memory_space<hbm>>
    tpu.wait_dma2 semaphore(%arg20 : memref<!tpu.dma_semaphore, #tpu.memory_space<semaphore_mem>>) src(%dma_wait3A_111 : memref<768xf32, #tpu.memory_space<hbm>>) dst(%dma_wait3A_110 : memref<768xf32, #tpu.memory_space<vmem_shared>>)
    %dma_wait3A_112 = tpu.memref_slice %arg23[%mul3A_93] : memref<12288xf32, #tpu.memory_space<vmem_shared>> -> memref<768xf32, #tpu.memory_space<vmem_shared>>
    %dma_wait3A_113 = tpu.memref_slice %arg7[%add3A_91] : memref<49152xf32, #tpu.memory_space<hbm>> -> memref<768xf32, #tpu.memory_space<hbm>>
    tpu.wait_dma2 semaphore(%arg20 : memref<!tpu.dma_semaphore, #tpu.memory_space<semaphore_mem>>) src(%dma_wait3A_113 : memref<768xf32, #tpu.memory_space<hbm>>) dst(%dma_wait3A_112 : memref<768xf32, #tpu.memory_space<vmem_shared>>)
    %dma_wait3A_114 = tpu.memref_slice %arg21[%mul3A_101] : memref<4096xi32, #tpu.memory_space<vmem_shared>> -> memref<256xi32, #tpu.memory_space<vmem_shared>>
    %dma_wait3A_115 = tpu.memref_slice %arg5[%add3A_99] : memref<16384xi32, #tpu.memory_space<hbm>> -> memref<256xi32, #tpu.memory_space<hbm>>
    tpu.wait_dma2 semaphore(%arg20 : memref<!tpu.dma_semaphore, #tpu.memory_space<semaphore_mem>>) src(%dma_wait3A_115 : memref<256xi32, #tpu.memory_space<hbm>>) dst(%dma_wait3A_114 : memref<256xi32, #tpu.memory_space<vmem_shared>>)
    %barrier3A_116 = arith.constant 0 : index
    tpu.barrier barrier_id(%barrier3A_116)
    "tpu.region"() ({
      %run_scoped3A = tpu.sem_alloc : memref<!tpu.dma_semaphore, #tpu.memory_space<semaphore_mem>>
      %dma_start3A_163 = arith.constant 0 : i32
      %dma_start3A_164 = tpu.memref_slice %arg25[%dma_start3A_163] : memref<12288xf32, #tpu.memory_space<vmem_shared>> -> memref<4096xf32, #tpu.memory_space<vmem_shared>>
      %dma_start3A_165 = arith.constant 0 : i32
      %dma_start3A_166 = tpu.memref_slice %arg25[%dma_start3A_165] : memref<12288xf32, #tpu.memory_space<vmem_shared>> -> memref<4096xf32, #tpu.memory_space<vmem_shared>>
      tpu.enqueue_dma source(%dma_start3A_166 : memref<4096xf32, #tpu.memory_space<vmem_shared>>) target(%arg17 : memref<4096xf32, #tpu.memory_space<vmem>>) target_semaphore(%run_scoped3A : memref<!tpu.dma_semaphore, #tpu.memory_space<semaphore_mem>>)
      %dma_wait3A_167 = arith.constant 0 : i32
      %dma_wait3A_168 = tpu.memref_slice %arg25[%dma_wait3A_167] : memref<12288xf32, #tpu.memory_space<vmem_shared>> -> memref<4096xf32, #tpu.memory_space<vmem_shared>>
      %dma_wait3A_169 = arith.constant 0 : i32
      %dma_wait3A_170 = tpu.memref_slice %arg25[%dma_wait3A_169] : memref<12288xf32, #tpu.memory_space<vmem_shared>> -> memref<4096xf32, #tpu.memory_space<vmem_shared>>
      tpu.wait_dma2 semaphore(%run_scoped3A : memref<!tpu.dma_semaphore, #tpu.memory_space<semaphore_mem>>) src(%dma_wait3A_170 : memref<4096xf32, #tpu.memory_space<vmem_shared>>) dst(%arg17 : memref<4096xf32, #tpu.memory_space<vmem>>)
      tpu.yield
    }) : () -> ()
    "tpu.region"() ({
      %run_scoped3A = tpu.sem_alloc : memref<!tpu.dma_semaphore, #tpu.memory_space<semaphore_mem>>
      %dma_start3A_163 = arith.constant 4096 : i32
      %dma_start3A_164 = tpu.memref_slice %arg25[%dma_start3A_163] : memref<12288xf32, #tpu.memory_space<vmem_shared>> -> memref<4096xf32, #tpu.memory_space<vmem_shared>>
      %dma_start3A_165 = arith.constant 4096 : i32
      %dma_start3A_166 = tpu.memref_slice %arg25[%dma_start3A_165] : memref<12288xf32, #tpu.memory_space<vmem_shared>> -> memref<4096xf32, #tpu.memory_space<vmem_shared>>
      tpu.enqueue_dma source(%dma_start3A_166 : memref<4096xf32, #tpu.memory_space<vmem_shared>>) target(%arg18 : memref<4096xf32, #tpu.memory_space<vmem>>) target_semaphore(%run_scoped3A : memref<!tpu.dma_semaphore, #tpu.memory_space<semaphore_mem>>)
      %dma_wait3A_167 = arith.constant 4096 : i32
      %dma_wait3A_168 = tpu.memref_slice %arg25[%dma_wait3A_167] : memref<12288xf32, #tpu.memory_space<vmem_shared>> -> memref<4096xf32, #tpu.memory_space<vmem_shared>>
      %dma_wait3A_169 = arith.constant 4096 : i32
      %dma_wait3A_170 = tpu.memref_slice %arg25[%dma_wait3A_169] : memref<12288xf32, #tpu.memory_space<vmem_shared>> -> memref<4096xf32, #tpu.memory_space<vmem_shared>>
      tpu.wait_dma2 semaphore(%run_scoped3A : memref<!tpu.dma_semaphore, #tpu.memory_space<semaphore_mem>>) src(%dma_wait3A_170 : memref<4096xf32, #tpu.memory_space<vmem_shared>>) dst(%arg18 : memref<4096xf32, #tpu.memory_space<vmem>>)
      tpu.yield
    }) : () -> ()
    "tpu.region"() ({
      %run_scoped3A = tpu.sem_alloc : memref<!tpu.dma_semaphore, #tpu.memory_space<semaphore_mem>>
      %dma_start3A_163 = arith.constant 8192 : i32
      %dma_start3A_164 = tpu.memref_slice %arg25[%dma_start3A_163] : memref<12288xf32, #tpu.memory_space<vmem_shared>> -> memref<4096xf32, #tpu.memory_space<vmem_shared>>
      %dma_start3A_165 = arith.constant 8192 : i32
      %dma_start3A_166 = tpu.memref_slice %arg25[%dma_start3A_165] : memref<12288xf32, #tpu.memory_space<vmem_shared>> -> memref<4096xf32, #tpu.memory_space<vmem_shared>>
      tpu.enqueue_dma source(%dma_start3A_166 : memref<4096xf32, #tpu.memory_space<vmem_shared>>) target(%arg19 : memref<4096xf32, #tpu.memory_space<vmem>>) target_semaphore(%run_scoped3A : memref<!tpu.dma_semaphore, #tpu.memory_space<semaphore_mem>>)
      %dma_wait3A_167 = arith.constant 8192 : i32
      %dma_wait3A_168 = tpu.memref_slice %arg25[%dma_wait3A_167] : memref<12288xf32, #tpu.memory_space<vmem_shared>> -> memref<4096xf32, #tpu.memory_space<vmem_shared>>
      %dma_wait3A_169 = arith.constant 8192 : i32
      %dma_wait3A_170 = tpu.memref_slice %arg25[%dma_wait3A_169] : memref<12288xf32, #tpu.memory_space<vmem_shared>> -> memref<4096xf32, #tpu.memory_space<vmem_shared>>
      tpu.wait_dma2 semaphore(%run_scoped3A : memref<!tpu.dma_semaphore, #tpu.memory_space<semaphore_mem>>) src(%dma_wait3A_170 : memref<4096xf32, #tpu.memory_space<vmem_shared>>) dst(%arg19 : memref<4096xf32, #tpu.memory_space<vmem>>)
      tpu.yield
    }) : () -> ()
    "tpu.region"() ({
      %run_scoped3A = tpu.sem_alloc : memref<!tpu.dma_semaphore, #tpu.memory_space<semaphore_mem>>
      %dma_start3A_163 = arith.constant 0 : i32
      %dma_start3A_164 = tpu.memref_slice %arg23[%dma_start3A_163] : memref<12288xf32, #tpu.memory_space<vmem_shared>> -> memref<4096xf32, #tpu.memory_space<vmem_shared>>
      %dma_start3A_165 = arith.constant 0 : i32
      %dma_start3A_166 = tpu.memref_slice %arg23[%dma_start3A_165] : memref<12288xf32, #tpu.memory_space<vmem_shared>> -> memref<4096xf32, #tpu.memory_space<vmem_shared>>
      tpu.enqueue_dma source(%dma_start3A_166 : memref<4096xf32, #tpu.memory_space<vmem_shared>>) target(%arg14 : memref<4096xf32, #tpu.memory_space<vmem>>) target_semaphore(%run_scoped3A : memref<!tpu.dma_semaphore, #tpu.memory_space<semaphore_mem>>)
      %dma_wait3A_167 = arith.constant 0 : i32
      %dma_wait3A_168 = tpu.memref_slice %arg23[%dma_wait3A_167] : memref<12288xf32, #tpu.memory_space<vmem_shared>> -> memref<4096xf32, #tpu.memory_space<vmem_shared>>
      %dma_wait3A_169 = arith.constant 0 : i32
      %dma_wait3A_170 = tpu.memref_slice %arg23[%dma_wait3A_169] : memref<12288xf32, #tpu.memory_space<vmem_shared>> -> memref<4096xf32, #tpu.memory_space<vmem_shared>>
      tpu.wait_dma2 semaphore(%run_scoped3A : memref<!tpu.dma_semaphore, #tpu.memory_space<semaphore_mem>>) src(%dma_wait3A_170 : memref<4096xf32, #tpu.memory_space<vmem_shared>>) dst(%arg14 : memref<4096xf32, #tpu.memory_space<vmem>>)
      tpu.yield
    }) : () -> ()
    "tpu.region"() ({
      %run_scoped3A = tpu.sem_alloc : memref<!tpu.dma_semaphore, #tpu.memory_space<semaphore_mem>>
      %dma_start3A_163 = arith.constant 4096 : i32
      %dma_start3A_164 = tpu.memref_slice %arg23[%dma_start3A_163] : memref<12288xf32, #tpu.memory_space<vmem_shared>> -> memref<4096xf32, #tpu.memory_space<vmem_shared>>
      %dma_start3A_165 = arith.constant 4096 : i32
      %dma_start3A_166 = tpu.memref_slice %arg23[%dma_start3A_165] : memref<12288xf32, #tpu.memory_space<vmem_shared>> -> memref<4096xf32, #tpu.memory_space<vmem_shared>>
      tpu.enqueue_dma source(%dma_start3A_166 : memref<4096xf32, #tpu.memory_space<vmem_shared>>) target(%arg15 : memref<4096xf32, #tpu.memory_space<vmem>>) target_semaphore(%run_scoped3A : memref<!tpu.dma_semaphore, #tpu.memory_space<semaphore_mem>>)
      %dma_wait3A_167 = arith.constant 4096 : i32
      %dma_wait3A_168 = tpu.memref_slice %arg23[%dma_wait3A_167] : memref<12288xf32, #tpu.memory_space<vmem_shared>> -> memref<4096xf32, #tpu.memory_space<vmem_shared>>
      %dma_wait3A_169 = arith.constant 4096 : i32
      %dma_wait3A_170 = tpu.memref_slice %arg23[%dma_wait3A_169] : memref<12288xf32, #tpu.memory_space<vmem_shared>> -> memref<4096xf32, #tpu.memory_space<vmem_shared>>
      tpu.wait_dma2 semaphore(%run_scoped3A : memref<!tpu.dma_semaphore, #tpu.memory_space<semaphore_mem>>) src(%dma_wait3A_170 : memref<4096xf32, #tpu.memory_space<vmem_shared>>) dst(%arg15 : memref<4096xf32, #tpu.memory_space<vmem>>)
      tpu.yield
    }) : () -> ()
    "tpu.region"() ({
      %run_scoped3A = tpu.sem_alloc : memref<!tpu.dma_semaphore, #tpu.memory_space<semaphore_mem>>
      %dma_start3A_163 = arith.constant 8192 : i32
      %dma_start3A_164 = tpu.memref_slice %arg23[%dma_start3A_163] : memref<12288xf32, #tpu.memory_space<vmem_shared>> -> memref<4096xf32, #tpu.memory_space<vmem_shared>>
      %dma_start3A_165 = arith.constant 8192 : i32
      %dma_start3A_166 = tpu.memref_slice %arg23[%dma_start3A_165] : memref<12288xf32, #tpu.memory_space<vmem_shared>> -> memref<4096xf32, #tpu.memory_space<vmem_shared>>
      tpu.enqueue_dma source(%dma_start3A_166 : memref<4096xf32, #tpu.memory_space<vmem_shared>>) target(%arg16 : memref<4096xf32, #tpu.memory_space<vmem>>) target_semaphore(%run_scoped3A : memref<!tpu.dma_semaphore, #tpu.memory_space<semaphore_mem>>)
      %dma_wait3A_167 = arith.constant 8192 : i32
      %dma_wait3A_168 = tpu.memref_slice %arg23[%dma_wait3A_167] : memref<12288xf32, #tpu.memory_space<vmem_shared>> -> memref<4096xf32, #tpu.memory_space<vmem_shared>>
      %dma_wait3A_169 = arith.constant 8192 : i32
      %dma_wait3A_170 = tpu.memref_slice %arg23[%dma_wait3A_169] : memref<12288xf32, #tpu.memory_space<vmem_shared>> -> memref<4096xf32, #tpu.memory_space<vmem_shared>>
      tpu.wait_dma2 semaphore(%run_scoped3A : memref<!tpu.dma_semaphore, #tpu.memory_space<semaphore_mem>>) src(%dma_wait3A_170 : memref<4096xf32, #tpu.memory_space<vmem_shared>>) dst(%arg16 : memref<4096xf32, #tpu.memory_space<vmem>>)
      tpu.yield
    }) : () -> ()
    "tpu.region"() ({
      %run_scoped3A = tpu.sem_alloc : memref<!tpu.dma_semaphore, #tpu.memory_space<semaphore_mem>>
      tpu.enqueue_dma source(%arg21 : memref<4096xi32, #tpu.memory_space<vmem_shared>>) target(%arg13 : memref<4096xi32, #tpu.memory_space<vmem>>) target_semaphore(%run_scoped3A : memref<!tpu.dma_semaphore, #tpu.memory_space<semaphore_mem>>)
      tpu.wait_dma2 semaphore(%run_scoped3A : memref<!tpu.dma_semaphore, #tpu.memory_space<semaphore_mem>>) src(%arg21 : memref<4096xi32, #tpu.memory_space<vmem_shared>>) dst(%arg13 : memref<4096xi32, #tpu.memory_space<vmem>>)
      tpu.yield
    }) : () -> ()
    %mul3A_117 = arith.constant 768 : i32
    %mul3A_118 = arith.muli %arg1, %mul3A_117 : i32
    %add3A_119 = arith.constant 36864 : i32
    %add3A_120 = arith.addi %add3A_119, %mul3A_118 : i32
    %mul3A_121 = arith.constant 768 : i32
    %mul3A_122 = arith.muli %arg1, %mul3A_121 : i32
    %dma_start3A_123 = tpu.memref_slice %arg26[%mul3A_122] : memref<12288xf32, #tpu.memory_space<vmem_shared>> -> memref<768xf32, #tpu.memory_space<vmem_shared>>
    %dma_start3A_124 = tpu.memref_slice %arg6[%add3A_120] : memref<49152xf32, #tpu.memory_space<hbm>> -> memref<768xf32, #tpu.memory_space<hbm>>
    tpu.enqueue_dma source(%dma_start3A_124 : memref<768xf32, #tpu.memory_space<hbm>>) target(%dma_start3A_123 : memref<768xf32, #tpu.memory_space<vmem_shared>>) target_semaphore(%arg20 : memref<!tpu.dma_semaphore, #tpu.memory_space<semaphore_mem>>)
    %mul3A_125 = arith.constant 768 : i32
    %mul3A_126 = arith.muli %arg1, %mul3A_125 : i32
    %add3A_127 = arith.constant 36864 : i32
    %add3A_128 = arith.addi %add3A_127, %mul3A_126 : i32
    %mul3A_129 = arith.constant 768 : i32
    %mul3A_130 = arith.muli %arg1, %mul3A_129 : i32
    %dma_start3A_131 = tpu.memref_slice %arg24[%mul3A_130] : memref<12288xf32, #tpu.memory_space<vmem_shared>> -> memref<768xf32, #tpu.memory_space<vmem_shared>>
    %dma_start3A_132 = tpu.memref_slice %arg7[%add3A_128] : memref<49152xf32, #tpu.memory_space<hbm>> -> memref<768xf32, #tpu.memory_space<hbm>>
    tpu.enqueue_dma source(%dma_start3A_132 : memref<768xf32, #tpu.memory_space<hbm>>) target(%dma_start3A_131 : memref<768xf32, #tpu.memory_space<vmem_shared>>) target_semaphore(%arg20 : memref<!tpu.dma_semaphore, #tpu.memory_space<semaphore_mem>>)
    %mul3A_133 = arith.constant 256 : i32
    %mul3A_134 = arith.muli %arg1, %mul3A_133 : i32
    %add3A_135 = arith.constant 12288 : i32
    %add3A_136 = arith.addi %add3A_135, %mul3A_134 : i32
    %mul3A_137 = arith.constant 256 : i32
    %mul3A_138 = arith.muli %arg1, %mul3A_137 : i32
    %dma_start3A_139 = tpu.memref_slice %arg22[%mul3A_138] : memref<4096xi32, #tpu.memory_space<vmem_shared>> -> memref<256xi32, #tpu.memory_space<vmem_shared>>
    %dma_start3A_140 = tpu.memref_slice %arg5[%add3A_136] : memref<16384xi32, #tpu.memory_space<hbm>> -> memref<256xi32, #tpu.memory_space<hbm>>
    tpu.enqueue_dma source(%dma_start3A_140 : memref<256xi32, #tpu.memory_space<hbm>>) target(%dma_start3A_139 : memref<256xi32, #tpu.memory_space<vmem_shared>>) target_semaphore(%arg20 : memref<!tpu.dma_semaphore, #tpu.memory_space<semaphore_mem>>)
    %scan3A_141 = arith.constant 0 : i32
    %scan3A_142 = arith.constant 48 : i32
    %scan3A_143 = arith.addi %scan3A_141, %scan3A_142 : i32
    %scan3A_144 = arith.constant 1 : i32
    %scan3A_145 = scf.for %scan3A_163 = %scan3A_141 to %scan3A_143 step %scan3A_144 iter_args(%scan3A_164 = %scan3A_108) -> (vector<16xf32>)  : i32 {
      %mul3A_165 = arith.constant 16 : i32
      %mul3A_166 = arith.muli %scan3A_163, %mul3A_165 : i32
      %get3A = arith.index_cast %mul3A_166 : i32 to index
      %get3A_167 = tpu.vector_load %arg10[%get3A] {strides = array<i32>} : memref<768xi32, #tpu.memory_space<vmem>>, vector<16xi32>,
      %get3A_168 = arith.index_cast %mul3A_166 : i32 to index
      %get3A_169 = tpu.vector_load %arg11[%get3A_168] {strides = array<i32>} : memref<768xi32, #tpu.memory_space<vmem>>, vector<16xi32>,
      %get3A_170 = arith.index_cast %mul3A_166 : i32 to index
      %get3A_171 = tpu.vector_load %arg12[%get3A_170] {strides = array<i32>} : memref<768xf32, #tpu.memory_space<vmem>>, vector<16xf32>,
      %gather3A = tpu.vector_load_idx %arg13[%get3A_167] : memref<4096xi32, #tpu.memory_space<vmem>>[vector<16xi32>], vector<16xi32>,
      %gather3A_172 = tpu.vector_load_idx %arg13[%get3A_169] : memref<4096xi32, #tpu.memory_space<vmem>>[vector<16xi32>], vector<16xi32>,
      %gather3A_173 = tpu.vector_load_idx %arg17[%get3A_167] : memref<4096xf32, #tpu.memory_space<vmem>>[vector<16xi32>], vector<16xf32>,
      %gather3A_174 = tpu.vector_load_idx %arg17[%get3A_169] : memref<4096xf32, #tpu.memory_space<vmem>>[vector<16xi32>], vector<16xf32>,
      %sub3A = arith.subf %gather3A_173, %gather3A_174 : vector<16xf32>
      %gather3A_175 = tpu.vector_load_idx %arg18[%get3A_167] : memref<4096xf32, #tpu.memory_space<vmem>>[vector<16xi32>], vector<16xf32>,
      %gather3A_176 = tpu.vector_load_idx %arg18[%get3A_169] : memref<4096xf32, #tpu.memory_space<vmem>>[vector<16xi32>], vector<16xf32>,
      %sub3A_177 = arith.subf %gather3A_175, %gather3A_176 : vector<16xf32>
      %gather3A_178 = tpu.vector_load_idx %arg19[%get3A_167] : memref<4096xf32, #tpu.memory_space<vmem>>[vector<16xi32>], vector<16xf32>,
      %gather3A_179 = tpu.vector_load_idx %arg19[%get3A_169] : memref<4096xf32, #tpu.memory_space<vmem>>[vector<16xi32>], vector<16xf32>,
      %sub3A_180 = arith.subf %gather3A_178, %gather3A_179 : vector<16xf32>
      %gather3A_181 = tpu.vector_load_idx %arg14[%gather3A] : memref<4096xf32, #tpu.memory_space<vmem>>[vector<16xi32>], vector<16xf32>,
      %mul3A_182 = arith.mulf %sub3A, %gather3A_181 : vector<16xf32>
      %gather3A_183 = tpu.vector_load_idx %arg15[%gather3A] : memref<4096xf32, #tpu.memory_space<vmem>>[vector<16xi32>], vector<16xf32>,
      %mul3A_184 = arith.mulf %sub3A_177, %gather3A_183 : vector<16xf32>
      %add3A_185 = arith.addf %mul3A_182, %mul3A_184 : vector<16xf32>
      %gather3A_186 = tpu.vector_load_idx %arg16[%gather3A] : memref<4096xf32, #tpu.memory_space<vmem>>[vector<16xi32>], vector<16xf32>,
      %mul3A_187 = arith.mulf %sub3A_180, %gather3A_186 : vector<16xf32>
      %add3A_188 = arith.addf %add3A_185, %mul3A_187 : vector<16xf32>
      %gather3A_189 = tpu.vector_load_idx %arg14[%gather3A_172] : memref<4096xf32, #tpu.memory_space<vmem>>[vector<16xi32>], vector<16xf32>,
      %mul3A_190 = arith.mulf %sub3A, %gather3A_189 : vector<16xf32>
      %gather3A_191 = tpu.vector_load_idx %arg15[%gather3A_172] : memref<4096xf32, #tpu.memory_space<vmem>>[vector<16xi32>], vector<16xf32>,
      %mul3A_192 = arith.mulf %sub3A_177, %gather3A_191 : vector<16xf32>
      %add3A_193 = arith.addf %mul3A_190, %mul3A_192 : vector<16xf32>
      %gather3A_194 = tpu.vector_load_idx %arg16[%gather3A_172] : memref<4096xf32, #tpu.memory_space<vmem>>[vector<16xi32>], vector<16xf32>,
      %mul3A_195 = arith.mulf %sub3A_180, %gather3A_194 : vector<16xf32>
      %add3A_196 = arith.addf %add3A_193, %mul3A_195 : vector<16xf32>
      %abs3A = math.absf %add3A_188 : vector<16xf32>
      %abs3A_197 = math.absf %add3A_196 : vector<16xf32>
      %add3A_198 = arith.addf %abs3A, %abs3A_197 : vector<16xf32>
      %mul3A_199 = arith.mulf %add3A_198, %get3A_171 : vector<16xf32>
      %add3A_200 = arith.addf %scan3A_164, %mul3A_199 : vector<16xf32>
      scf.yield %add3A_200 : vector<16xf32>
    }
    %scan3A_146 = arith.constant 48 : i32
    %dma_wait3A_147 = tpu.memref_slice %arg26[%mul3A_122] : memref<12288xf32, #tpu.memory_space<vmem_shared>> -> memref<768xf32, #tpu.memory_space<vmem_shared>>
    %dma_wait3A_148 = tpu.memref_slice %arg6[%add3A_120] : memref<49152xf32, #tpu.memory_space<hbm>> -> memref<768xf32, #tpu.memory_space<hbm>>
    tpu.wait_dma2 semaphore(%arg20 : memref<!tpu.dma_semaphore, #tpu.memory_space<semaphore_mem>>) src(%dma_wait3A_148 : memref<768xf32, #tpu.memory_space<hbm>>) dst(%dma_wait3A_147 : memref<768xf32, #tpu.memory_space<vmem_shared>>)
    %dma_wait3A_149 = tpu.memref_slice %arg24[%mul3A_130] : memref<12288xf32, #tpu.memory_space<vmem_shared>> -> memref<768xf32, #tpu.memory_space<vmem_shared>>
    %dma_wait3A_150 = tpu.memref_slice %arg7[%add3A_128] : memref<49152xf32, #tpu.memory_space<hbm>> -> memref<768xf32, #tpu.memory_space<hbm>>
    tpu.wait_dma2 semaphore(%arg20 : memref<!tpu.dma_semaphore, #tpu.memory_space<semaphore_mem>>) src(%dma_wait3A_150 : memref<768xf32, #tpu.memory_space<hbm>>) dst(%dma_wait3A_149 : memref<768xf32, #tpu.memory_space<vmem_shared>>)
    %dma_wait3A_151 = tpu.memref_slice %arg22[%mul3A_138] : memref<4096xi32, #tpu.memory_space<vmem_shared>> -> memref<256xi32, #tpu.memory_space<vmem_shared>>
    %dma_wait3A_152 = tpu.memref_slice %arg5[%add3A_136] : memref<16384xi32, #tpu.memory_space<hbm>> -> memref<256xi32, #tpu.memory_space<hbm>>
    tpu.wait_dma2 semaphore(%arg20 : memref<!tpu.dma_semaphore, #tpu.memory_space<semaphore_mem>>) src(%dma_wait3A_152 : memref<256xi32, #tpu.memory_space<hbm>>) dst(%dma_wait3A_151 : memref<256xi32, #tpu.memory_space<vmem_shared>>)
    %barrier3A_153 = arith.constant 0 : index
    tpu.barrier barrier_id(%barrier3A_153)
    "tpu.region"() ({
      %run_scoped3A = tpu.sem_alloc : memref<!tpu.dma_semaphore, #tpu.memory_space<semaphore_mem>>
      %dma_start3A_163 = arith.constant 0 : i32
      %dma_start3A_164 = tpu.memref_slice %arg26[%dma_start3A_163] : memref<12288xf32, #tpu.memory_space<vmem_shared>> -> memref<4096xf32, #tpu.memory_space<vmem_shared>>
      %dma_start3A_165 = arith.constant 0 : i32
      %dma_start3A_166 = tpu.memref_slice %arg26[%dma_start3A_165] : memref<12288xf32, #tpu.memory_space<vmem_shared>> -> memref<4096xf32, #tpu.memory_space<vmem_shared>>
      tpu.enqueue_dma source(%dma_start3A_166 : memref<4096xf32, #tpu.memory_space<vmem_shared>>) target(%arg17 : memref<4096xf32, #tpu.memory_space<vmem>>) target_semaphore(%run_scoped3A : memref<!tpu.dma_semaphore, #tpu.memory_space<semaphore_mem>>)
      %dma_wait3A_167 = arith.constant 0 : i32
      %dma_wait3A_168 = tpu.memref_slice %arg26[%dma_wait3A_167] : memref<12288xf32, #tpu.memory_space<vmem_shared>> -> memref<4096xf32, #tpu.memory_space<vmem_shared>>
      %dma_wait3A_169 = arith.constant 0 : i32
      %dma_wait3A_170 = tpu.memref_slice %arg26[%dma_wait3A_169] : memref<12288xf32, #tpu.memory_space<vmem_shared>> -> memref<4096xf32, #tpu.memory_space<vmem_shared>>
      tpu.wait_dma2 semaphore(%run_scoped3A : memref<!tpu.dma_semaphore, #tpu.memory_space<semaphore_mem>>) src(%dma_wait3A_170 : memref<4096xf32, #tpu.memory_space<vmem_shared>>) dst(%arg17 : memref<4096xf32, #tpu.memory_space<vmem>>)
      tpu.yield
    }) : () -> ()
    "tpu.region"() ({
      %run_scoped3A = tpu.sem_alloc : memref<!tpu.dma_semaphore, #tpu.memory_space<semaphore_mem>>
      %dma_start3A_163 = arith.constant 4096 : i32
      %dma_start3A_164 = tpu.memref_slice %arg26[%dma_start3A_163] : memref<12288xf32, #tpu.memory_space<vmem_shared>> -> memref<4096xf32, #tpu.memory_space<vmem_shared>>
      %dma_start3A_165 = arith.constant 4096 : i32
      %dma_start3A_166 = tpu.memref_slice %arg26[%dma_start3A_165] : memref<12288xf32, #tpu.memory_space<vmem_shared>> -> memref<4096xf32, #tpu.memory_space<vmem_shared>>
      tpu.enqueue_dma source(%dma_start3A_166 : memref<4096xf32, #tpu.memory_space<vmem_shared>>) target(%arg18 : memref<4096xf32, #tpu.memory_space<vmem>>) target_semaphore(%run_scoped3A : memref<!tpu.dma_semaphore, #tpu.memory_space<semaphore_mem>>)
      %dma_wait3A_167 = arith.constant 4096 : i32
      %dma_wait3A_168 = tpu.memref_slice %arg26[%dma_wait3A_167] : memref<12288xf32, #tpu.memory_space<vmem_shared>> -> memref<4096xf32, #tpu.memory_space<vmem_shared>>
      %dma_wait3A_169 = arith.constant 4096 : i32
      %dma_wait3A_170 = tpu.memref_slice %arg26[%dma_wait3A_169] : memref<12288xf32, #tpu.memory_space<vmem_shared>> -> memref<4096xf32, #tpu.memory_space<vmem_shared>>
      tpu.wait_dma2 semaphore(%run_scoped3A : memref<!tpu.dma_semaphore, #tpu.memory_space<semaphore_mem>>) src(%dma_wait3A_170 : memref<4096xf32, #tpu.memory_space<vmem_shared>>) dst(%arg18 : memref<4096xf32, #tpu.memory_space<vmem>>)
      tpu.yield
    }) : () -> ()
    "tpu.region"() ({
      %run_scoped3A = tpu.sem_alloc : memref<!tpu.dma_semaphore, #tpu.memory_space<semaphore_mem>>
      %dma_start3A_163 = arith.constant 8192 : i32
      %dma_start3A_164 = tpu.memref_slice %arg26[%dma_start3A_163] : memref<12288xf32, #tpu.memory_space<vmem_shared>> -> memref<4096xf32, #tpu.memory_space<vmem_shared>>
      %dma_start3A_165 = arith.constant 8192 : i32
      %dma_start3A_166 = tpu.memref_slice %arg26[%dma_start3A_165] : memref<12288xf32, #tpu.memory_space<vmem_shared>> -> memref<4096xf32, #tpu.memory_space<vmem_shared>>
      tpu.enqueue_dma source(%dma_start3A_166 : memref<4096xf32, #tpu.memory_space<vmem_shared>>) target(%arg19 : memref<4096xf32, #tpu.memory_space<vmem>>) target_semaphore(%run_scoped3A : memref<!tpu.dma_semaphore, #tpu.memory_space<semaphore_mem>>)
      %dma_wait3A_167 = arith.constant 8192 : i32
      %dma_wait3A_168 = tpu.memref_slice %arg26[%dma_wait3A_167] : memref<12288xf32, #tpu.memory_space<vmem_shared>> -> memref<4096xf32, #tpu.memory_space<vmem_shared>>
      %dma_wait3A_169 = arith.constant 8192 : i32
      %dma_wait3A_170 = tpu.memref_slice %arg26[%dma_wait3A_169] : memref<12288xf32, #tpu.memory_space<vmem_shared>> -> memref<4096xf32, #tpu.memory_space<vmem_shared>>
      tpu.wait_dma2 semaphore(%run_scoped3A : memref<!tpu.dma_semaphore, #tpu.memory_space<semaphore_mem>>) src(%dma_wait3A_170 : memref<4096xf32, #tpu.memory_space<vmem_shared>>) dst(%arg19 : memref<4096xf32, #tpu.memory_space<vmem>>)
      tpu.yield
    }) : () -> ()
    "tpu.region"() ({
      %run_scoped3A = tpu.sem_alloc : memref<!tpu.dma_semaphore, #tpu.memory_space<semaphore_mem>>
      %dma_start3A_163 = arith.constant 0 : i32
      %dma_start3A_164 = tpu.memref_slice %arg24[%dma_start3A_163] : memref<12288xf32, #tpu.memory_space<vmem_shared>> -> memref<4096xf32, #tpu.memory_space<vmem_shared>>
      %dma_start3A_165 = arith.constant 0 : i32
      %dma_start3A_166 = tpu.memref_slice %arg24[%dma_start3A_165] : memref<12288xf32, #tpu.memory_space<vmem_shared>> -> memref<4096xf32, #tpu.memory_space<vmem_shared>>
      tpu.enqueue_dma source(%dma_start3A_166 : memref<4096xf32, #tpu.memory_space<vmem_shared>>) target(%arg14 : memref<4096xf32, #tpu.memory_space<vmem>>) target_semaphore(%run_scoped3A : memref<!tpu.dma_semaphore, #tpu.memory_space<semaphore_mem>>)
      %dma_wait3A_167 = arith.constant 0 : i32
      %dma_wait3A_168 = tpu.memref_slice %arg24[%dma_wait3A_167] : memref<12288xf32, #tpu.memory_space<vmem_shared>> -> memref<4096xf32, #tpu.memory_space<vmem_shared>>
      %dma_wait3A_169 = arith.constant 0 : i32
      %dma_wait3A_170 = tpu.memref_slice %arg24[%dma_wait3A_169] : memref<12288xf32, #tpu.memory_space<vmem_shared>> -> memref<4096xf32, #tpu.memory_space<vmem_shared>>
      tpu.wait_dma2 semaphore(%run_scoped3A : memref<!tpu.dma_semaphore, #tpu.memory_space<semaphore_mem>>) src(%dma_wait3A_170 : memref<4096xf32, #tpu.memory_space<vmem_shared>>) dst(%arg14 : memref<4096xf32, #tpu.memory_space<vmem>>)
      tpu.yield
    }) : () -> ()
    "tpu.region"() ({
      %run_scoped3A = tpu.sem_alloc : memref<!tpu.dma_semaphore, #tpu.memory_space<semaphore_mem>>
      %dma_start3A_163 = arith.constant 4096 : i32
      %dma_start3A_164 = tpu.memref_slice %arg24[%dma_start3A_163] : memref<12288xf32, #tpu.memory_space<vmem_shared>> -> memref<4096xf32, #tpu.memory_space<vmem_shared>>
      %dma_start3A_165 = arith.constant 4096 : i32
      %dma_start3A_166 = tpu.memref_slice %arg24[%dma_start3A_165] : memref<12288xf32, #tpu.memory_space<vmem_shared>> -> memref<4096xf32, #tpu.memory_space<vmem_shared>>
      tpu.enqueue_dma source(%dma_start3A_166 : memref<4096xf32, #tpu.memory_space<vmem_shared>>) target(%arg15 : memref<4096xf32, #tpu.memory_space<vmem>>) target_semaphore(%run_scoped3A : memref<!tpu.dma_semaphore, #tpu.memory_space<semaphore_mem>>)
      %dma_wait3A_167 = arith.constant 4096 : i32
      %dma_wait3A_168 = tpu.memref_slice %arg24[%dma_wait3A_167] : memref<12288xf32, #tpu.memory_space<vmem_shared>> -> memref<4096xf32, #tpu.memory_space<vmem_shared>>
      %dma_wait3A_169 = arith.constant 4096 : i32
      %dma_wait3A_170 = tpu.memref_slice %arg24[%dma_wait3A_169] : memref<12288xf32, #tpu.memory_space<vmem_shared>> -> memref<4096xf32, #tpu.memory_space<vmem_shared>>
      tpu.wait_dma2 semaphore(%run_scoped3A : memref<!tpu.dma_semaphore, #tpu.memory_space<semaphore_mem>>) src(%dma_wait3A_170 : memref<4096xf32, #tpu.memory_space<vmem_shared>>) dst(%arg15 : memref<4096xf32, #tpu.memory_space<vmem>>)
      tpu.yield
    }) : () -> ()
    "tpu.region"() ({
      %run_scoped3A = tpu.sem_alloc : memref<!tpu.dma_semaphore, #tpu.memory_space<semaphore_mem>>
      %dma_start3A_163 = arith.constant 8192 : i32
      %dma_start3A_164 = tpu.memref_slice %arg24[%dma_start3A_163] : memref<12288xf32, #tpu.memory_space<vmem_shared>> -> memref<4096xf32, #tpu.memory_space<vmem_shared>>
      %dma_start3A_165 = arith.constant 8192 : i32
      %dma_start3A_166 = tpu.memref_slice %arg24[%dma_start3A_165] : memref<12288xf32, #tpu.memory_space<vmem_shared>> -> memref<4096xf32, #tpu.memory_space<vmem_shared>>
      tpu.enqueue_dma source(%dma_start3A_166 : memref<4096xf32, #tpu.memory_space<vmem_shared>>) target(%arg16 : memref<4096xf32, #tpu.memory_space<vmem>>) target_semaphore(%run_scoped3A : memref<!tpu.dma_semaphore, #tpu.memory_space<semaphore_mem>>)
      %dma_wait3A_167 = arith.constant 8192 : i32
      %dma_wait3A_168 = tpu.memref_slice %arg24[%dma_wait3A_167] : memref<12288xf32, #tpu.memory_space<vmem_shared>> -> memref<4096xf32, #tpu.memory_space<vmem_shared>>
      %dma_wait3A_169 = arith.constant 8192 : i32
      %dma_wait3A_170 = tpu.memref_slice %arg24[%dma_wait3A_169] : memref<12288xf32, #tpu.memory_space<vmem_shared>> -> memref<4096xf32, #tpu.memory_space<vmem_shared>>
      tpu.wait_dma2 semaphore(%run_scoped3A : memref<!tpu.dma_semaphore, #tpu.memory_space<semaphore_mem>>) src(%dma_wait3A_170 : memref<4096xf32, #tpu.memory_space<vmem_shared>>) dst(%arg16 : memref<4096xf32, #tpu.memory_space<vmem>>)
      tpu.yield
    }) : () -> ()
    "tpu.region"() ({
      %run_scoped3A = tpu.sem_alloc : memref<!tpu.dma_semaphore, #tpu.memory_space<semaphore_mem>>
      tpu.enqueue_dma source(%arg22 : memref<4096xi32, #tpu.memory_space<vmem_shared>>) target(%arg13 : memref<4096xi32, #tpu.memory_space<vmem>>) target_semaphore(%run_scoped3A : memref<!tpu.dma_semaphore, #tpu.memory_space<semaphore_mem>>)
      tpu.wait_dma2 semaphore(%run_scoped3A : memref<!tpu.dma_semaphore, #tpu.memory_space<semaphore_mem>>) src(%arg22 : memref<4096xi32, #tpu.memory_space<vmem_shared>>) dst(%arg13 : memref<4096xi32, #tpu.memory_space<vmem>>)
      tpu.yield
    }) : () -> ()
    %scan3A_154 = arith.constant 0 : i32
    %scan3A_155 = arith.constant 48 : i32
    %scan3A_156 = arith.addi %scan3A_154, %scan3A_155 : i32
    %scan3A_157 = arith.constant 1 : i32
    %scan3A_158 = scf.for %scan3A_163 = %scan3A_154 to %scan3A_156 step %scan3A_157 iter_args(%scan3A_164 = %scan3A_145) -> (vector<16xf32>)  : i32 {
      %mul3A_165 = arith.constant 16 : i32
      %mul3A_166 = arith.muli %scan3A_163, %mul3A_165 : i32
      %get3A = arith.index_cast %mul3A_166 : i32 to index
      %get3A_167 = tpu.vector_load %arg10[%get3A] {strides = array<i32>} : memref<768xi32, #tpu.memory_space<vmem>>, vector<16xi32>,
      %get3A_168 = arith.index_cast %mul3A_166 : i32 to index
      %get3A_169 = tpu.vector_load %arg11[%get3A_168] {strides = array<i32>} : memref<768xi32, #tpu.memory_space<vmem>>, vector<16xi32>,
      %get3A_170 = arith.index_cast %mul3A_166 : i32 to index
      %get3A_171 = tpu.vector_load %arg12[%get3A_170] {strides = array<i32>} : memref<768xf32, #tpu.memory_space<vmem>>, vector<16xf32>,
      %gather3A = tpu.vector_load_idx %arg13[%get3A_167] : memref<4096xi32, #tpu.memory_space<vmem>>[vector<16xi32>], vector<16xi32>,
      %gather3A_172 = tpu.vector_load_idx %arg13[%get3A_169] : memref<4096xi32, #tpu.memory_space<vmem>>[vector<16xi32>], vector<16xi32>,
      %gather3A_173 = tpu.vector_load_idx %arg17[%get3A_167] : memref<4096xf32, #tpu.memory_space<vmem>>[vector<16xi32>], vector<16xf32>,
      %gather3A_174 = tpu.vector_load_idx %arg17[%get3A_169] : memref<4096xf32, #tpu.memory_space<vmem>>[vector<16xi32>], vector<16xf32>,
      %sub3A = arith.subf %gather3A_173, %gather3A_174 : vector<16xf32>
      %gather3A_175 = tpu.vector_load_idx %arg18[%get3A_167] : memref<4096xf32, #tpu.memory_space<vmem>>[vector<16xi32>], vector<16xf32>,
      %gather3A_176 = tpu.vector_load_idx %arg18[%get3A_169] : memref<4096xf32, #tpu.memory_space<vmem>>[vector<16xi32>], vector<16xf32>,
      %sub3A_177 = arith.subf %gather3A_175, %gather3A_176 : vector<16xf32>
      %gather3A_178 = tpu.vector_load_idx %arg19[%get3A_167] : memref<4096xf32, #tpu.memory_space<vmem>>[vector<16xi32>], vector<16xf32>,
      %gather3A_179 = tpu.vector_load_idx %arg19[%get3A_169] : memref<4096xf32, #tpu.memory_space<vmem>>[vector<16xi32>], vector<16xf32>,
      %sub3A_180 = arith.subf %gather3A_178, %gather3A_179 : vector<16xf32>
      %gather3A_181 = tpu.vector_load_idx %arg14[%gather3A] : memref<4096xf32, #tpu.memory_space<vmem>>[vector<16xi32>], vector<16xf32>,
      %mul3A_182 = arith.mulf %sub3A, %gather3A_181 : vector<16xf32>
      %gather3A_183 = tpu.vector_load_idx %arg15[%gather3A] : memref<4096xf32, #tpu.memory_space<vmem>>[vector<16xi32>], vector<16xf32>,
      %mul3A_184 = arith.mulf %sub3A_177, %gather3A_183 : vector<16xf32>
      %add3A_185 = arith.addf %mul3A_182, %mul3A_184 : vector<16xf32>
      %gather3A_186 = tpu.vector_load_idx %arg16[%gather3A] : memref<4096xf32, #tpu.memory_space<vmem>>[vector<16xi32>], vector<16xf32>,
      %mul3A_187 = arith.mulf %sub3A_180, %gather3A_186 : vector<16xf32>
      %add3A_188 = arith.addf %add3A_185, %mul3A_187 : vector<16xf32>
      %gather3A_189 = tpu.vector_load_idx %arg14[%gather3A_172] : memref<4096xf32, #tpu.memory_space<vmem>>[vector<16xi32>], vector<16xf32>,
      %mul3A_190 = arith.mulf %sub3A, %gather3A_189 : vector<16xf32>
      %gather3A_191 = tpu.vector_load_idx %arg15[%gather3A_172] : memref<4096xf32, #tpu.memory_space<vmem>>[vector<16xi32>], vector<16xf32>,
      %mul3A_192 = arith.mulf %sub3A_177, %gather3A_191 : vector<16xf32>
      %add3A_193 = arith.addf %mul3A_190, %mul3A_192 : vector<16xf32>
      %gather3A_194 = tpu.vector_load_idx %arg16[%gather3A_172] : memref<4096xf32, #tpu.memory_space<vmem>>[vector<16xi32>], vector<16xf32>,
      %mul3A_195 = arith.mulf %sub3A_180, %gather3A_194 : vector<16xf32>
      %add3A_196 = arith.addf %add3A_193, %mul3A_195 : vector<16xf32>
      %abs3A = math.absf %add3A_188 : vector<16xf32>
      %abs3A_197 = math.absf %add3A_196 : vector<16xf32>
      %add3A_198 = arith.addf %abs3A, %abs3A_197 : vector<16xf32>
      %mul3A_199 = arith.mulf %add3A_198, %get3A_171 : vector<16xf32>
      %add3A_200 = arith.addf %scan3A_164, %mul3A_199 : vector<16xf32>
      scf.yield %add3A_200 : vector<16xf32>
    }
    %scan3A_159 = arith.constant 48 : i32
    %swap3A = arith.constant 0 : index
    %swap3A_160 = tpu.vector_load %arg9[%swap3A] {strides = array<i32>} : memref<16xf32, #tpu.memory_space<vmem>>, vector<16xf32>,
    tpu.vector_store %arg9[%swap3A], %scan3A_158 {strides = array<i32>} : memref<16xf32, #tpu.memory_space<vmem>>, vector<16xf32>,
    %mul3A_161 = arith.constant 16 : i32
    %mul3A_162 = arith.muli %add3A, %mul3A_161 : i32
    "tpu.region"() ({
      %run_scoped3A = tpu.sem_alloc : memref<!tpu.dma_semaphore, #tpu.memory_space<semaphore_mem>>
      %dma_start3A_163 = tpu.memref_slice %arg8[%mul3A_162] : memref<512xf32, #tpu.memory_space<hbm>> -> memref<16xf32, #tpu.memory_space<hbm>>
      %dma_start3A_164 = tpu.memref_slice %arg8[%mul3A_162] : memref<512xf32, #tpu.memory_space<hbm>> -> memref<16xf32, #tpu.memory_space<hbm>>
      tpu.enqueue_dma source(%arg9 : memref<16xf32, #tpu.memory_space<vmem>>) target(%dma_start3A_164 : memref<16xf32, #tpu.memory_space<hbm>>) target_semaphore(%run_scoped3A : memref<!tpu.dma_semaphore, #tpu.memory_space<semaphore_mem>>)
      %dma_wait3A_165 = tpu.memref_slice %arg8[%mul3A_162] : memref<512xf32, #tpu.memory_space<hbm>> -> memref<16xf32, #tpu.memory_space<hbm>>
      %dma_wait3A_166 = tpu.memref_slice %arg8[%mul3A_162] : memref<512xf32, #tpu.memory_space<hbm>> -> memref<16xf32, #tpu.memory_space<hbm>>
      tpu.wait_dma2 semaphore(%run_scoped3A : memref<!tpu.dma_semaphore, #tpu.memory_space<semaphore_mem>>) src(%arg9 : memref<16xf32, #tpu.memory_space<vmem>>) dst(%dma_wait3A_166 : memref<16xf32, #tpu.memory_space<hbm>>)
      tpu.yield
    }) : () -> ()
    return
  }
}

module attributes {stable_mosaic.version = 14 : i64} {
  func.func @body(%arg0: i32, %arg1: i32, %arg2: memref<1x1024x3xf32, #tpu.memory_space<vmem>>, %arg3: memref<1x3x4096xf32, #tpu.memory_space<vmem>>, %arg4: memref<1x1x1x1024xi32, #tpu.memory_space<vmem>>) attributes {dimension_semantics = [#tpu.dimension_semantics<arbitrary>, #tpu.dimension_semantics<arbitrary>], iteration_bounds = array<i64: 4, 4>, scalar_prefetch = 0 : i64, scratch_operands = 0 : i64, tpu.core_type = #tpu.core_type<tc>, window_params = [{transform_indices = @transform_0, window_bounds = array<i64: 1, 1024, 3>}, {transform_indices = @transform_1, window_bounds = array<i64: 1, 3, 4096>}, {transform_indices = @transform_2, window_bounds = array<i64: 1, 1, 1, 1024>}]} {
    %get3A = arith.constant 0 : index
    %get3A_0 = arith.constant 0 : index
    %get3A_1 = arith.constant 0 : index
    %get3A_2 = vector.load %arg2[%get3A, %get3A_0, %get3A_1] : memref<1x1024x3xf32, #tpu.memory_space<vmem>>, vector<1x1024x3xf32>
    %get3A_3 = vector.shape_cast %get3A_2 : vector<1x1024x3xf32> to vector<1024x3xf32>
    %get3A_4 = arith.constant 0 : index
    %get3A_5 = arith.constant 0 : index
    %get3A_6 = arith.constant 0 : index
    %get3A_7 = vector.load %arg3[%get3A_4, %get3A_5, %get3A_6] : memref<1x3x4096xf32, #tpu.memory_space<vmem>>, vector<1x3x4096xf32>
    %get3A_8 = vector.shape_cast %get3A_7 : vector<1x3x4096xf32> to vector<3x4096xf32>
    %mul3A = arith.mulf %get3A_8, %get3A_8 : vector<3x4096xf32>
    %reduce_sum3A = arith.constant dense<0.000000e+00> : vector<4096xf32>
    %reduce_sum3A_9 = vector.multi_reduction <add>, %mul3A, %reduce_sum3A [0] : vector<3x4096xf32> to vector<4096xf32>
    %broadcast_in_dim3A = vector.shape_cast %reduce_sum3A_9 : vector<4096xf32> to vector<1x4096xf32>
    %mul3A_10 = arith.mulf %get3A_3, %get3A_3 : vector<1024x3xf32>
    %reduce_sum3A_11 = arith.constant dense<0.000000e+00> : vector<1024xf32>
    %reduce_sum3A_12 = vector.multi_reduction <add>, %mul3A_10, %reduce_sum3A_11 [1] : vector<1024x3xf32> to vector<1024xf32>
    %broadcast_in_dim3A_13 = vector.shape_cast %reduce_sum3A_12 : vector<1024xf32> to vector<1024x1xf32>
    %mul3A_14 = arith.constant -2.000000e+00 : f32
    %mul3A_15 = vector.broadcast %mul3A_14 : f32 to vector<3x4096xf32>
    %mul3A_16 = arith.mulf %mul3A_15, %get3A_8 : vector<3x4096xf32>
    %convert_element_type3A = arith.truncf %mul3A_16 : vector<3x4096xf32> to vector<3x4096xbf16>
    %convert_element_type3A_17 = arith.extf %convert_element_type3A : vector<3x4096xbf16> to vector<3x4096xf32>
    %sub3A = arith.subf %mul3A_16, %convert_element_type3A_17 : vector<3x4096xf32>
    %convert_element_type3A_18 = arith.truncf %sub3A : vector<3x4096xf32> to vector<3x4096xbf16>
    %convert_element_type3A_19 = arith.truncf %broadcast_in_dim3A : vector<1x4096xf32> to vector<1x4096xbf16>
    %convert_element_type3A_20 = arith.extf %convert_element_type3A_19 : vector<1x4096xbf16> to vector<1x4096xf32>
    %sub3A_21 = arith.subf %broadcast_in_dim3A, %convert_element_type3A_20 : vector<1x4096xf32>
    %convert_element_type3A_22 = arith.truncf %sub3A_21 : vector<1x4096xf32> to vector<1x4096xbf16>
    %convert_element_type3A_23 = arith.truncf %get3A_3 : vector<1024x3xf32> to vector<1024x3xbf16>
    %convert_element_type3A_24 = arith.extf %convert_element_type3A_23 : vector<1024x3xbf16> to vector<1024x3xf32>
    %sub3A_25 = arith.subf %get3A_3, %convert_element_type3A_24 : vector<1024x3xf32>
    %convert_element_type3A_26 = arith.truncf %sub3A_25 : vector<1024x3xf32> to vector<1024x3xbf16>
    %convert_element_type3A_27 = arith.truncf %broadcast_in_dim3A_13 : vector<1024x1xf32> to vector<1024x1xbf16>
    %convert_element_type3A_28 = arith.extf %convert_element_type3A_27 : vector<1024x1xbf16> to vector<1024x1xf32>
    %sub3A_29 = arith.subf %broadcast_in_dim3A_13, %convert_element_type3A_28 : vector<1024x1xf32>
    %convert_element_type3A_30 = arith.truncf %sub3A_29 : vector<1024x1xf32> to vector<1024x1xbf16>
    %broadcast_in_dim3A_31 = arith.constant 1.000000e+00 : bf16
    %broadcast_in_dim3A_32 = vector.broadcast %broadcast_in_dim3A_31 : bf16 to vector<1024x1xbf16>
    %broadcast_in_dim3A_33 = arith.constant 0.000000e+00 : bf16
    %broadcast_in_dim3A_34 = vector.broadcast %broadcast_in_dim3A_33 : bf16 to vector<1024x3xbf16>
    %concatenate3A = tpu.concatenate %convert_element_type3A_23, %convert_element_type3A_23, %convert_element_type3A_26, %broadcast_in_dim3A_32, %broadcast_in_dim3A_32, %convert_element_type3A_27, %convert_element_type3A_30, %broadcast_in_dim3A_34 in 1 : vector<1024x3xbf16>, vector<1024x3xbf16>, vector<1024x3xbf16>, vector<1024x1xbf16>, vector<1024x1xbf16>, vector<1024x1xbf16>, vector<1024x1xbf16>, vector<1024x3xbf16> -> vector<1024x16xbf16>
    %broadcast_in_dim3A_35 = arith.constant 1.000000e+00 : bf16
    %broadcast_in_dim3A_36 = vector.broadcast %broadcast_in_dim3A_35 : bf16 to vector<1x4096xbf16>
    %broadcast_in_dim3A_37 = arith.constant 0.000000e+00 : bf16
    %broadcast_in_dim3A_38 = vector.broadcast %broadcast_in_dim3A_37 : bf16 to vector<3x4096xbf16>
    %concatenate3A_39 = tpu.concatenate %convert_element_type3A, %convert_element_type3A_18, %convert_element_type3A, %convert_element_type3A_19, %convert_element_type3A_22, %broadcast_in_dim3A_36, %broadcast_in_dim3A_36, %broadcast_in_dim3A_38 in 0 : vector<3x4096xbf16>, vector<3x4096xbf16>, vector<3x4096xbf16>, vector<1x4096xbf16>, vector<1x4096xbf16>, vector<1x4096xbf16>, vector<1x4096xbf16>, vector<3x4096xbf16> -> vector<16x4096xbf16>
    %iota3A = tpu.iota {dimensions = array<i32: 1>} : vector<1024x2048xi32>
    %slice3A = vector.extract_strided_slice %concatenate3A_39 {offsets = [0, 0], sizes = [16, 2048], strides = [1, 1]} : vector<16x4096xbf16> to vector<16x2048xbf16>
    %dot_general3A = arith.constant dense<0.000000e+00> : vector<1024x2048xf32>
    %dot_general3A_40 = tpu.matmul %concatenate3A, %slice3A, %dot_general3A {dimension_numbers = #tpu.dot_dimension_numbers<[1], [0], [0], [1], [0, 0, 1, 1], [], []>, transpose_lhs_hint = false} : vector<1024x16xbf16>, vector<16x2048xbf16>, vector<1024x2048xf32> -> vector<1024x2048xf32>
    %bitcast_convert_type3A = tpu.bitcast %dot_general3A_40 : vector<1024x2048xf32> -> vector<1024x2048xi32>
    %and3A = arith.constant -2048 : i32
    %and3A_41 = vector.broadcast %and3A : i32 to vector<1024x2048xi32>
    %and3A_42 = arith.andi %bitcast_convert_type3A, %and3A_41 : vector<1024x2048xi32>
    %or3A = arith.ori %and3A_42, %iota3A : vector<1024x2048xi32>
    %bitcast_convert_type3A_43 = tpu.bitcast %or3A : vector<1024x2048xi32> -> vector<1024x2048xf32>
    %reduce_min3A = arith.constant dense<0x7F800000> : vector<1024xf32>
    %reduce_min3A_44 = vector.multi_reduction <minimumf>, %bitcast_convert_type3A_43, %reduce_min3A [1] : vector<1024x2048xf32> to vector<1024xf32>
    %broadcast_in_dim3A_45 = vector.shape_cast %reduce_min3A_44 : vector<1024xf32> to vector<1024x1xf32>
    %slice3A_46 = vector.extract_strided_slice %concatenate3A_39 {offsets = [0, 2048], sizes = [16, 2048], strides = [1, 1]} : vector<16x4096xbf16> to vector<16x2048xbf16>
    %dot_general3A_47 = arith.constant dense<0.000000e+00> : vector<1024x2048xf32>
    %dot_general3A_48 = tpu.matmul %concatenate3A, %slice3A_46, %dot_general3A_47 {dimension_numbers = #tpu.dot_dimension_numbers<[1], [0], [0], [1], [0, 0, 1, 1], [], []>, transpose_lhs_hint = false} : vector<1024x16xbf16>, vector<16x2048xbf16>, vector<1024x2048xf32> -> vector<1024x2048xf32>
    %bitcast_convert_type3A_49 = tpu.bitcast %dot_general3A_48 : vector<1024x2048xf32> -> vector<1024x2048xi32>
    %and3A_50 = arith.constant -2048 : i32
    %and3A_51 = vector.broadcast %and3A_50 : i32 to vector<1024x2048xi32>
    %and3A_52 = arith.andi %bitcast_convert_type3A_49, %and3A_51 : vector<1024x2048xi32>
    %or3A_53 = arith.ori %and3A_52, %iota3A : vector<1024x2048xi32>
    %bitcast_convert_type3A_54 = tpu.bitcast %or3A_53 : vector<1024x2048xi32> -> vector<1024x2048xf32>
    %reduce_min3A_55 = arith.constant dense<0x7F800000> : vector<1024xf32>
    %reduce_min3A_56 = vector.multi_reduction <minimumf>, %bitcast_convert_type3A_54, %reduce_min3A_55 [1] : vector<1024x2048xf32> to vector<1024xf32>
    %broadcast_in_dim3A_57 = vector.shape_cast %reduce_min3A_56 : vector<1024xf32> to vector<1024x1xf32>
    %min3A = arith.minimumf %broadcast_in_dim3A_45, %broadcast_in_dim3A_57 : vector<1024x1xf32>
    %bitcast_convert_type3A_58 = tpu.bitcast %broadcast_in_dim3A_45 : vector<1024x1xf32> -> vector<1024x1xi32>
    %and3A_59 = arith.constant 2047 : i32
    %and3A_60 = vector.broadcast %and3A_59 : i32 to vector<1024x1xi32>
    %and3A_61 = arith.andi %bitcast_convert_type3A_58, %and3A_60 : vector<1024x1xi32>
    %le3A = arith.cmpf ole, %broadcast_in_dim3A_45, %min3A : vector<1024x1xf32>
    %add3A = arith.constant 0 : i32
    %add3A_62 = vector.broadcast %add3A : i32 to vector<1024x1xi32>
    %add3A_63 = arith.addi %and3A_61, %add3A_62 : vector<1024x1xi32>
    %jit3A = arith.constant 4096 : i32
    %broadcast_in_dim3A_64 = vector.broadcast %jit3A : i32 to vector<1024x1xi32>
    %select_n3A = arith.select %le3A, %add3A_63, %broadcast_in_dim3A_64 : vector<1024x1xi1>, vector<1024x1xi32>
    %bitcast_convert_type3A_65 = tpu.bitcast %broadcast_in_dim3A_57 : vector<1024x1xf32> -> vector<1024x1xi32>
    %and3A_66 = arith.constant 2047 : i32
    %and3A_67 = vector.broadcast %and3A_66 : i32 to vector<1024x1xi32>
    %and3A_68 = arith.andi %bitcast_convert_type3A_65, %and3A_67 : vector<1024x1xi32>
    %le3A_69 = arith.cmpf ole, %broadcast_in_dim3A_57, %min3A : vector<1024x1xf32>
    %add3A_70 = arith.constant 2048 : i32
    %add3A_71 = vector.broadcast %add3A_70 : i32 to vector<1024x1xi32>
    %add3A_72 = arith.addi %and3A_68, %add3A_71 : vector<1024x1xi32>
    %jit3A_73 = arith.constant 4096 : i32
    %broadcast_in_dim3A_74 = vector.broadcast %jit3A_73 : i32 to vector<1024x1xi32>
    %select_n3A_75 = arith.select %le3A_69, %add3A_72, %broadcast_in_dim3A_74 : vector<1024x1xi1>, vector<1024x1xi32>
    %min3A_76 = arith.minsi %select_n3A, %select_n3A_75 : vector<1024x1xi32>
    %transpose3A = tpu.transpose %min3A_76, [1, 0] : vector<1024x1xi32> -> vector<1x1024xi32>
    %swap3A = arith.constant 0 : index
    %swap3A_77 = arith.constant 0 : index
    %swap3A_78 = arith.constant 0 : index
    %swap3A_79 = arith.constant 0 : index
    %swap3A_80 = vector.load %arg4[%swap3A, %swap3A_77, %swap3A_78, %swap3A_79] : memref<1x1x1x1024xi32, #tpu.memory_space<vmem>>, vector<1x1x1x1024xi32>
    %swap3A_81 = vector.shape_cast %swap3A_80 : vector<1x1x1x1024xi32> to vector<1x1024xi32>
    %swap3A_82 = vector.shape_cast %transpose3A : vector<1x1024xi32> to vector<1x1x1x1024xi32>
    tpu.vector_store %arg4[%swap3A, %swap3A_77, %swap3A_78, %swap3A_79], %swap3A_82 {strides = array<i32>} : memref<1x1x1x1024xi32, #tpu.memory_space<vmem>>, vector<1x1x1x1024xi32>,
    return
  }
  func.func @transform_0(%arg0: i32, %arg1: i32) -> (i32, i32, i32) {
    %c0_i32 = arith.constant 0 : i32
    %c0_i32_0 = arith.constant 0 : i32
    return %arg0, %arg1, %c0_i32 : i32, i32, i32
  }
  func.func @transform_1(%arg0: i32, %arg1: i32) -> (i32, i32, i32) {
    %c0_i32 = arith.constant 0 : i32
    %c0_i32_0 = arith.constant 0 : i32
    %c0_i32_1 = arith.constant 0 : i32
    return %arg0, %c0_i32, %c0_i32_0 : i32, i32, i32
  }
  func.func @transform_2(%arg0: i32, %arg1: i32) -> (i32, i32, i32, i32) {
    %c0_i32 = arith.constant 0 : i32
    %c0_i32_0 = arith.constant 0 : i32
    %c0_i32_1 = arith.constant 0 : i32
    return %arg0, %arg1, %c0_i32, %c0_i32_0 : i32, i32, i32, i32
  }
}

</mosaic_0001>

<sc_bundles>
// kernel: kernel.5.cloned.1.call-start
scs
__scs_entry_jumppad:
0x0: {  	(pc) =	sbr.rel $0x88, $3  }
0x1: {  	(tag) =	ssettag $0x0;
	lr =	simm.s32 $0x1  }
0x2: {  	[smem:$0x3F9D] =	sst lr;
	_ =	strace $0xD0000000  }
0x3: {  	_ = 	snop  }
0x4: {  	_ = 	snop  }
0x5: {  	_ = 	snop  }
0x6: {  	_ = 	snop  }
0x7: {  	_ = 	snop  }
__scs_overlays_trampoline_lowered:
0x8: {  	[smem:$0x3FAC] =	sst s0  }
0x9: {  	[smem:$0x3FAD] =	sst s1  }
0xa: {  	[smem:$0x3FAE] =	sst s2  }
0xb: {  	[smem:$0x3FAF] =	sst s3  }
0xc: {  	[smem:$0x3FB0] =	sst s4  }
0xd: {  	[smem:$0x3FB1] =	sst s5  }
0xe: {  	[smem:$0x3FB2] =	sst s6  }
0xf: {  	[smem:$0x3FB3] =	sst s7  }
0x10: {  	[smem:$0x3FB4] =	sst s8  }
0x11: {  	[smem:$0x3FB5] =	sst s9;
	s0 =	simm.s32 @!p0 $0x0  }
0x12: {  	s1 =	sld [smem:$0x3F9B];
	s0 =	simm.s32 @p0 $0x1  }
0x13: {  	[smem:$0x3FB6] =	sst s0;
	s0 =	simm.s32 @!p1 $0x0  }
0x14: {  	s2 =	sld [smem:$0x3F9A];
	s0 =	simm.s32 @p1 $0x1  }
0x15: {  	[smem:$0x3FB7] =	sst s0;
	s0 =	simm.s32 @!p2 $0x0  }
0x16: {  	s3 =	sld [smem:$0x3FDB];
	s0 =	simm.s32 @p2 $0x1  }
0x17: {  	s4 =	simm.s32 $0x1BF5;
	[smem:$0x3FB9] =	sst s0  }
0x18: {  	s0 =	sld [smem:$0x3F9C];
	_ =	swait.ge [sflag:s4], $0x0  }
0x19: {  	s7 =	sld [smem:$0x3F9D]  }
0x1a: {  	s8 =	sadd.s32 $0xFFFFE003, lr  }
0x1b: {  	s9 =	sadd.s32 $0xFFFFFEF7, lr;
	s5 =	simm.s32 $0xFFFFFFFF;
	p2 =	slt.u32 s8, $0xFFFFF086  }
0x1c: {  	p1 =	slt.u32 s9, $0xF7A;
	s5 =	simm.s32 @!p2 $0x0  }
0x1d: {  	s5 =	simm.s32 @p1 $0x1;
	p0 =	seq.s32 s7, s2  }
0x1e: {  	s7 =	smul.u32 @!p0 $0xF7A, s2;
	p2 =	seq.s32 @!p0 s5, $0x0  }
0x1f: {  	s9 =	smul.u32 $0xF7A, s1;
	s8 =	simm.s32 @!p0 $0x1BF5;
	p2 =	por !p2, p0  }
0x20: {  	[sflag:s8] =	ssyncset.s32 @!p0 $0xFFFFF086;
	s6 =	sadd.s32 @!p0 s3, s7;
	s7 =	simm.s32 @!p0 $0x108  }
0x21: {  	s3 =	sadd.s32 s3, s9;
	s6 =	sadd.s32 @!p0 $0x88, s6;
	s7 =	simm.s32 @p2 $0x1082  }
0x22: {  	[simem:s7], [sflag:s8] =	dma.local @!p0 [hbm:s6], $0xF7A  }
0x23: {  	s9 =	sor.u32 $0xD0000000, s2;
	s6 =	simm.s32 $0x108;
	_ =	swait.ge @!p0 [sflag:s8], $0x0  }
0x24: {  	s3 =	sadd.s32 $0x88, s3;
	s6 =	simm.s32 @!p1 $0x1082;
	[sflag:s4] =	ssyncset.s32 $0xFFFFF086  }
0x25: {  	[simem:s6], [sflag:s4] =	dma.local [hbm:s3], $0xF7A  }
0x26: {  	[smem:$0x3F9D] =	sst s1;
	(tag) =	ssettag s2;
	_ =	strace s9  }
0x27: {  	s1 =	sld [smem:$0x3FAD]  }
0x28: {  	s2 =	sld [smem:$0x3FAE]  }
0x29: {  	s4 =	sld [smem:$0x3FB0]  }
0x2a: {  	p0 =	seq.s32 s5, $0x0;
	s5 =	sld [smem:$0x3FB1]  }
0x2b: {  	s6 =	sld [smem:$0x3FB2]  }
0x2c: {  	s7 =	sld [smem:$0x3FB3]  }
0x2d: {  	s3 =	simm.s32 $0x108;
	s8 =	sld [smem:$0x3FB4]  }
0x2e: {  	s3 =	simm.s32 @!p0 $0x1082;
	s9 =	sld [smem:$0x3FB5]  }
0x2f: {  	lr =	sadd.s32 s0, s3;
	s0 =	sld [smem:$0x3FAC]  }
0x30: {  	s3 =	sld [smem:$0x3FAF]  }
0x31: {  	[smem:$0x3FB8] =	sst s10  }
0x32: {  	s10 =	sld [smem:$0x3FB6];
	_ =	sdelay $0x3  }
0x33: {  	p0 =	seq.s32 s10, $0x1;
	s10 =	sld [smem:$0x3FB8];
	_ =	sdelay $0x3  }
0x34: {  	[smem:$0x3FB8] =	sst s10  }
0x35: {  	s10 =	sld [smem:$0x3FB7];
	_ =	sdelay $0x3  }
0x36: {  	p1 =	seq.s32 s10, $0x1;
	s10 =	sld [smem:$0x3FB8];
	_ =	sdelay $0x3  }
0x37: {  	[smem:$0x3FB8] =	sst s10  }
0x38: {  	s10 =	sld [smem:$0x3FB9]  }
0x39: {  	_ = 	snop;
	(pc) =	sbr.ind lr, $3  }
0x3a: {  	_ = 	snop  }
0x3b: {  	_ = 	snop  }
0x3c: {  	p2 =	seq.s32 s10, $0x1;
	s10 =	sld [smem:$0x3FB8]  }
0x3d: {  	_ =	shalt  }
0x3e: {  	_ =	shalt  }
0x3f: {  	_ =	shalt  }
0x40: {  	_ =	shalt  }
0x41: {  	_ =	shalt  }
0x42: {  	_ =	shalt  }
0x43: {  	_ =	shalt  }
0x44: {  	_ =	shalt  }
0x45: {  	_ =	shalt  }
0x46: {  	_ =	shalt  }
0x47: {  	_ =	shalt  }
0x48: {  	_ =	shalt  }
0x49: {  	_ =	shalt  }
0x4a: {  	_ =	shalt  }
0x4b: {  	_ =	shalt  }
0x4c: {  	_ =	shalt  }
0x4d: {  	_ =	shalt  }
0x4e: {  	_ =	shalt  }
0x4f: {  	_ =	shalt  }
0x50: {  	_ =	shalt  }
0x51: {  	_ =	shalt  }
0x52: {  	_ =	shalt  }
0x53: {  	_ =	shalt  }
0x54: {  	_ =	shalt  }
0x55: {  	_ =	shalt  }
0x56: {  	_ =	shalt  }
0x57: {  	_ =	shalt  }
0x58: {  	_ =	shalt  }
0x59: {  	_ =	shalt  }
0x5a: {  	_ =	shalt  }
0x5b: {  	_ =	shalt  }
0x5c: {  	_ =	shalt  }
0x5d: {  	_ =	shalt  }
0x5e: {  	_ =	shalt  }
0x5f: {  	_ =	shalt  }
0x60: {  	_ =	shalt  }
0x61: {  	_ =	shalt  }
0x62: {  	_ =	shalt  }
0x63: {  	_ =	shalt  }
0x64: {  	_ =	shalt  }
0x65: {  	_ =	shalt  }
0x66: {  	_ =	shalt  }
0x67: {  	_ =	shalt  }
0x68: {  	_ =	shalt  }
0x69: {  	_ =	shalt  }
0x6a: {  	_ =	shalt  }
0x6b: {  	_ =	shalt  }
0x6c: {  	_ =	shalt  }
0x6d: {  	_ =	shalt  }
0x6e: {  	_ =	shalt  }
0x6f: {  	_ =	shalt  }
0x70: {  	_ =	shalt  }
0x71: {  	_ =	shalt  }
0x72: {  	_ =	shalt  }
0x73: {  	_ =	shalt  }
0x74: {  	_ =	shalt  }
0x75: {  	_ =	shalt  }
0x76: {  	_ =	shalt  }
0x77: {  	_ =	shalt  }
0x78: {  	_ =	shalt  }
0x79: {  	_ =	shalt  }
0x7a: {  	_ =	shalt  }
0x7b: {  	_ =	shalt  }
0x7c: {  	_ =	shalt  }
0x7d: {  	_ =	shalt  }
0x7e: {  	_ =	shalt  }
0x7f: {  	_ =	shalt  }
0x80: {  	_ =	shalt  }
0x81: {  	_ =	shalt  }
0x82: {  	_ =	shalt  }
0x83: {  	_ =	shalt  }
0x84: {  	_ =	shalt  }
0x85: {  	_ =	shalt  }
0x86: {  	_ =	shalt  }
0x87: {  	_ =	shalt  }
.Lfunc_end0:
.L_simem_size_0:
called_computation_lowered:
.L_overlay_start_0:
0x88: {  	s2 =	sld [smem:$0x3FD9]  }
0x89: {  	s3 =	sld [smem:$0x3FFE];
	_ =	sdelay $0x1  }
0x8a: {  	s1 =	srdreg.scid  }
0x8b: {  	s0 =	sand.u32 $0x1, s1  }
0x8c: {  	s16 =	sshll.u32 s0, $0xA;
	s2 =	sadd.s32 s3, s2  }
0x8d: {  	s2 =	sadd.s32 s2, s16  }
0x8e: {  	[smem:$0x3FC4] =	sst s2  }
0x8f: {  	_ = 	snop  }
0x90: {  	(tm) =	ssettm $0x1  }
0x91: {  	s17 =	sld [smem:$0x3FFB];
	_ =	sdelay $0x3  }
0x92: {  	_ =	strace s17  }
0x93: {  	s2 =	sld [smem:$0x3FFC];
	_ =	sdelay $0x3  }
0x94: {  	_ =	strace s2  }
0x95: {  	s2 =	sld [smem:$0x3FFD];
	_ =	sdelay $0x3  }
0x96: {  	_ =	strace s2  }
0x97: {  	_ =	strace $0x8FFFFFFF  }
0x98: {  	s18 =	sld [smem:$0x3FDB];
	_ =	sdelay $0x1  }
0x99: {  	s19 =	simm.s32 $_scs_section_size  }
0x9a: {  	s4 =	simm.s32 $_size__tile_overlayer_lowered;
	s5 =	simm.s32 $_tile_overlayer_lowered  }
0x9b: {  	s22 =	simm.s32 $0x1BFF;
	s21 =	sshll.u32 s5, $0x1;
	s2 =	sadd.s32 s19, s18  }
0x9c: {  	s6 =	simm.s32 $0x0;
	s20 =	sshll.u32 s4, $0x1;
	s4 =	sadd.s32 s21, s2  }
0x9d: {  	[timem:s6], [sflag:s22] =	dma.local [hbm:s4], s20  }
0x9e: {  	_ =	swait.ge [sflag:s22], s20  }
0x9f: {  	s3 =	ssub.s32 $0x0, s20;
	[sflag:s22] =	ssyncset.done $0x0  }
0xa0: {  	[sflag:s22] =	ssyncadd.s32 s3;
	_ =	sdelay $0x1  }
0xa1: {  	s23 =	simm.s32 $0x1B8B  }
0xa2: {  	_ =	swait.ge [sflag:s23], $0x1  }
0xa3: {  	[sflag:s23] =	ssyncset.done $0x0  }
0xa4: {  	s25 =	simm.s32 $0x1B8E;
	s24 =	sld [smem:$0x3FFE];
	[sflag:s23] =	ssyncadd.s32 $0xFFFFFFFF  }
0xa5: {  	s26 =	simm.s32 $execute0_lowered;
	[smem:$0x3FD2] =	sst s25  }
0xa6: {  	s4 =	sshll.u32 s26, $0x1;
	_ =	strace $0x80000046;
	[dreg:$0x1] =	wrdreg $0xFFFFFFFF  }
0xa7: {  	s28 =	simm.s32 $_size_execute0_lowered;
	s2 =	sadd.s32 s2, s4;
	[dreg:$0x0] =	wrdreg $0x0  }
0xa8: {  	s4 =	sshll.u32 s28, $0x1;
	[dreg:$0x2] =	wrdreg s2  }
0xa9: {  	[dreg:$0x3] =	wrdreg s4  }
0xaa: {  	[dreg:$0x4] =	wrdreg $0xC0  }
0xab: {  	_ =	task [dreg:s6], $0x5FFFF  }
0xac: {  	[dreg:$0x1] =	wrdreg $0xFFFFFFFF  }
0xad: {  	[dreg:$0x0] =	wrdreg $0x60  }
0xae: {  	[dreg:$0x2] =	wrdreg s24  }
0xaf: {  	[dreg:$0x3] =	wrdreg $0xC000  }
0xb0: {  	[dreg:$0x4] =	wrdreg $0xD000  }
0xb1: {  	[dreg:$0x5] =	wrdreg $0xE000  }
0xb2: {  	[dreg:$0x6] =	wrdreg $0x9  }
0xb3: {  	_ =	task.clear_ibuf [dreg:s6], $0x7FFFF;
	_ =	strace $0x90000046  }
0xb4: {  	s29 =	simm.s32 $0x9;
	_ =	strace $0x80000048  }
0xb5: {  	_ =	swait.ge [sflag:s29], $0x1  }
0xb6: {  	[sflag:s29] =	ssyncadd.s32 $0xFFFFFFFF  }
0xb7: {  	_ =	strace $0x90000048  }
0xb8: {  	_ =	sfence  }
0xb9: {  	s30 =	sld [smem:$0x0];
	_ =	sdelay $0x2  }
0xba: {  	s31 =	sshll.u32 s1, $0xD;
	s1 =	sshrl.u32 s1, $0x2  }
0xbb: {  	s3 =	sand.u32 $0x4000, s31;
	s1 =	sadd.s32 s1, s30  }
0xbc: {  	s0 =	sor.u32 s3, s0;
	s1 =	sshll.u32 s1, $0x11  }
0xbd: {  	s0 =	sor.u32 s1, s0  }
0xbe: {  	s0 =	sadd.s32 $0x8F2B, s0  }
0xbf: {  	[sflag:s0] =	ssyncadd.remote.s32 $0x1  }
0xc0: {  	_ =	sfence.sel $0xFFFF  }
0xc1: {  	[dreg:$0x0] =	wrdreg $0xFFFFFFFF;
	(pc) =	sbr.abs _section_cstart, $3  }
0xc2: {  	[dreg:$0x1] =	wrdreg $0xFFFFFFFF  }
0xc3: {  	_ =	task.clear_ibuf [dreg:s6], $0x2FFFF;
	_ =	strace $0x9FFFFFFF  }
0xc4: {  	(tm) =	ssettm $0x7FFFFFFF  }
0xc5: {  	_ =	shalt  }
tec
execute0_lowered:
.L_overlay_start_1:
0x0: {  	(tag) =	ssettag $0x1  }
0x1: {  	s0 =	rddreg [dreg:$0x0]  }
0x2: {  	s1 =	rddreg [dreg:$0x1]  }
0x3: {  	s3 =	rddreg [dreg:$0x2]  }
0x4: {  	s4 =	rddreg [dreg:$0x3];
	s5 =	simm.s32 $0x0;
	s11 =	stileid.u32  }
0x5: {  	s2 =	srdreg.scid;
	s28 =	simm.s32 $0x400;
	s29 =	simm.s32 $0xF00  }
0x6: {  	s30 =	simm.s32 $0x2F00;
	s31 =	simm.s32 $0x4F00;
	[smem:$0x7FF] =	sst s5  }
0x7: {  	s6 =	sshll.u32 s11, $0x6;
	s2 =	sand.u32 $0x1, s2;
	s8 =	sadd.s32 $0x2400, s0  }
0x8: {  	s11 =	sshll.u32 s11, $0x8;
	_ =	strace $0x80000047;
	s6 =	sadd.s32 s6, s0  }
0x9: {  	s7 =	ssub.s32 $0x2, s2;
	s2 =	smul.u32 $0x6000, s2;
	s19 =	sadd.s32 $0x1800, s6  }
0xa: {  	s12 =	sadd.s32 s11, s1;
	s20 =	sadd.s32 $0x1C00, s6;
	[dreg:$0x5] =	wrdreg s19  }
0xb: {  	s9 =	sshrl.u32 s7, $0x1;
	s6 =	sadd.s32 $0x2000, s6;
	[dreg:$0x6] =	wrdreg s20  }
0xc: {  	s17 =	sadd.s32 s11, s4;
	s7 =	ssub.s32 s7, s9;
	[dreg:$0x7] =	wrdreg s6  }
0xd: {  	s21 =	sshrl.u32 s2, $0x3;
	s22 =	sor.u32 $0x1000, s2;
	s10 =	sadd.s32 $0x2000, s2  }
0xe: {  	s25 =	sadd.s32 $0x3000, s2;
	s14 =	sadd.s32 $0x4000, s2;
	s15 =	sadd.s32 $0x5000, s2  }
0xf: {  	s2 =	sor.u32 s11, s2;
	s6 =	sadd.s32 s0, s21;
	s23 =	sshrl.u32 s22, $0x3  }
0x10: {  	s24 =	sshrl.u32 s10, $0x3;
	s13 =	sshrl.u32 s25, $0x3;
	s26 =	sshrl.u32 s14, $0x3  }
0x11: {  	s16 =	sshrl.u32 s15, $0x3;
	[dreg:$0x8] =	wrdreg s6;
	s6 =	sadd.s32 s0, s23  }
0x12: {  	s9 =	sor.u32 s11, s22;
	s13 =	sadd.s32 s0, s13;
	[dreg:$0x9] =	wrdreg s6  }
0x13: {  	s18 =	sor.u32 s11, s14;
	s6 =	sadd.s32 s0, s24;
	[dreg:$0xb] =	wrdreg s13  }
0x14: {  	s19 =	sor.u32 s11, s15;
	s13 =	sadd.s32 s0, s26;
	[dreg:$0xa] =	wrdreg s6  }
0x15: {  	s14 =	simm.s32 $0x0;
	s0 =	sadd.s32 s0, s16;
	[dreg:$0xc] =	wrdreg s13  }
0x16: {  	s16 =	sadd.s32 s11, s3;
	s26 =	sshrl.u32 s19, $0x3;
	[dreg:$0xd] =	wrdreg s0  }
0x17: {  	s13 =	sor.u32 s11, s10;
	s6 =	sor.u32 s11, s25;
	s0 =	sshrl.u32 s2, $0x3  }
0x18: {  	s2 =	sshrl.u32 s9, $0x3;
	s25 =	sshrl.u32 s18, $0x3;
	s9 =	simm.s32 $0x600  }
0x19: {  	s10 =	simm.s32 $0x800;
	s11 =	simm.s32 $0xA00;
	s0 =	sadd.s32 s8, s0  }
0x1a: {  	s22 =	sadd.s32 s8, s2;
	s23 =	sshrl.u32 s13, $0x3;
	s24 =	sshrl.u32 s6, $0x3  }
0x1b: {  	s2 =	simm.s32 $0x1;
	s6 =	simm.s32 $0x1F00;
	[dreg:$0xe] =	wrdreg s0  }
0x1c: {  	s13 =	simm.s32 $0x2;
	[dreg:$0xf] =	wrdreg s22;
	s20 =	sadd.s32 s8, s23  }
0x1d: {  	s21 =	sadd.s32 s8, s24;
	s22 =	sadd.s32 s8, s25;
	s23 =	sadd.s32 s8, s26  }
0x1e: {  	s24 =	smax.u32 s7, $0x1;
	s25 =	simm.s32 $0x3;
	s26 =	simm.s32 $0x200  }
0x1f: {  	v0 =	vimm.f32 $0.0e+00;
	s0 =	simm.s32 $0x6F00;
	s7 =	simm.s32 $0x3F00;
	s8 =	simm.s32 $0x5F00  }
.LBB2_1:
0x20: {  	s15 =	rddreg [dreg:$0x5]  }
0x21: {  	[tilespmem:s5], [sflag:$0x3] =	stream.linear.gather [hbm4b:s15+s5], $0x200, $0x38;
	[tilespmem:$0x7000] =	vst v63  }
0x22: {  	_ =	swait.ge [sflag:s25], $0x200  }
0x23: {  	[sflag:s25] =	ssyncset.done $0x0  }
0x24: {  	s18 =	rddreg [dreg:$0x6];
	[sflag:s25] =	ssyncadd.s32 $0xFFFFFE00  }
0x25: {  	[tilespmem:s26], [sflag:$0x3] =	stream.linear.gather [hbm4b:s18+s5], $0x200, $0x38;
	[tilespmem:$0x7000] =	vst v63  }
0x26: {  	_ =	swait.ge [sflag:s25], $0x200  }
0x27: {  	[sflag:s25] =	ssyncset.done $0x0  }
0x28: {  	s19 =	rddreg [dreg:$0x7];
	[sflag:s25] =	ssyncadd.s32 $0xFFFFFE00  }
0x29: {  	[tilespmem:s28], [sflag:$0x3] =	stream.linear.gather [hbm4b:s19+s5], $0x200, $0x38;
	[tilespmem:$0x7000] =	vst v63  }
0x2a: {  	_ =	swait.ge [sflag:s25], $0x200  }
0x2b: {  	[sflag:s25] =	ssyncset.done $0x0  }
0x2c: {  	[sflag:s25] =	ssyncadd.s32 $0xFFFFFE00  }
0x2d: {  	[tilespmem:$0x6F00] =	vst v0  }
0x2e: {  	[tilespmem:$0x6F10] =	vst v0  }
0x2f: {  	[tilespmem:$0x6F20] =	vst v0  }
0x30: {  	[tilespmem:$0x6F30] =	vst v0  }
0x31: {  	[tilespmem:$0x6F40] =	vst v0  }
0x32: {  	[tilespmem:$0x6F50] =	vst v0  }
0x33: {  	[tilespmem:$0x6F60] =	vst v0  }
0x34: {  	[tilespmem:$0x6F70] =	vst v0  }
0x35: {  	[tilespmem:$0x6F80] =	vst v0  }
0x36: {  	[tilespmem:$0x6F90] =	vst v0  }
0x37: {  	[tilespmem:$0x6FA0] =	vst v0  }
0x38: {  	[tilespmem:$0x6FB0] =	vst v0  }
0x39: {  	[tilespmem:$0x6FC0] =	vst v0  }
0x3a: {  	[tilespmem:$0x6FD0] =	vst v0  }
0x3b: {  	[tilespmem:$0x6FE0] =	vst v0  }
0x3c: {  	s18 =	rddreg [dreg:$0x8];
	[tilespmem:$0x6FF0] =	vst v0  }
0x3d: {  	[tilespmem:s29], [sflag:$0x1] =	stream.linear.gather [hbm4b:s18+s5], $0x1000, $0x38;
	[tilespmem:$0x7000] =	vst v63  }
0x3e: {  	s19 =	rddreg [dreg:$0x9]  }
0x3f: {  	[tilespmem:s30], [sflag:$0x1] =	stream.linear.gather [hbm4b:s19+s5], $0x1000, $0x38;
	[tilespmem:$0x7000] =	vst v63  }
0x40: {  	s18 =	rddreg [dreg:$0xa]  }
0x41: {  	[tilespmem:s31], [sflag:$0x1] =	stream.linear.gather [hbm4b:s18+s5], $0x1000, $0x38;
	[tilespmem:$0x7000] =	vst v63  }
0x42: {  	_ = 	snop  }
0x43: {  	[spmem:s12] =	stream.linear.scatter [tilespmem:s0], [sflag:$0x3], $0x100, $0x38;
	[tilespmem:$0x7000] =	vst v63  }
0x44: {  	_ =	swait.ge [sflag:s25], $0x100  }
0x45: {  	[sflag:s25] =	ssyncset.done $0x0  }
0x46: {  	[sflag:s25] =	ssyncadd.s32 $0xFFFFFF00  }
0x47: {  	[spmem:s16] =	stream.linear.scatter [tilespmem:s0], [sflag:$0x3], $0x100, $0x38;
	[tilespmem:$0x7000] =	vst v63  }
0x48: {  	_ =	swait.ge [sflag:s25], $0x100  }
0x49: {  	[sflag:s25] =	ssyncset.done $0x0  }
0x4a: {  	[sflag:s25] =	ssyncadd.s32 $0xFFFFFF00  }
0x4b: {  	[spmem:s17] =	stream.linear.scatter [tilespmem:s0], [sflag:$0x3], $0x100, $0x38;
	[tilespmem:$0x7000] =	vst v63  }
0x4c: {  	_ =	swait.ge [sflag:s25], $0x100  }
0x4d: {  	[sflag:s25] =	ssyncset.done $0x0  }
0x4e: {  	[sflag:s25] =	ssyncadd.s32 $0xFFFFFF00  }
0x4f: {  	_ =	swait.ge [sflag:s2], $0x1000  }
0x50: {  	[sflag:s2] =	ssyncset.done $0x0  }
0x51: {  	[sflag:s2] =	ssyncadd.s32 $0xFFFFF000  }
0x52: {  	_ =	swait.ge [sflag:s2], $0x1000  }
0x53: {  	[sflag:s2] =	ssyncset.done $0x0  }
0x54: {  	[sflag:s2] =	ssyncadd.s32 $0xFFFFF000  }
0x55: {  	_ =	swait.ge [sflag:s2], $0x1000  }
0x56: {  	[sflag:s2] =	ssyncset.done $0x0  }
0x57: {  	s19 =	rddreg [dreg:$0xb];
	[sflag:s2] =	ssyncadd.s32 $0xFFFFF000  }
0x58: {  	[tilespmem:s6], [sflag:$0x1] =	stream.linear.gather [hbm4b:s19+s5], $0x1000, $0x38;
	[tilespmem:$0x7000] =	vst v63  }
0x59: {  	s18 =	rddreg [dreg:$0xc]  }
0x5a: {  	[tilespmem:s7], [sflag:$0x1] =	stream.linear.gather [hbm4b:s18+s5], $0x1000, $0x38;
	[tilespmem:$0x7000] =	vst v63  }
0x5b: {  	s19 =	rddreg [dreg:$0xd]  }
0x5c: {  	[tilespmem:s8], [sflag:$0x1] =	stream.linear.gather [hbm4b:s19+s5], $0x1000, $0x38;
	[tilespmem:$0x7000] =	vst v63  }
0x5d: {  	s15 =	simm.s32 $0x0;
	[bflag:$0x0] =	sbarrier.arrive $0xFFFF  }
0x5e: {  	v5 =	vld [tilespmem:s15+$0x400];
	_ =	sdelay $0x1  }
0x5f: {  	v4 =	vld [tilespmem:s15+$0x0]  }
0x60: {  	v8 =	vld [tilespmem:s15+$0x200];
	_ =	sdelay $0x4  }
0x61: {  	v1 =	vld.idx.msk [tilespmem:v5+s29+$0x0], $0xffff  }
0x62: {  	v10 =	vld.idx.msk [tilespmem:v5+s31+$0x0], $0xffff  }
0x63: {  	v2 =	vld.idx.msk [tilespmem:v4+s31+$0x0], $0xffff  }
0x64: {  	v3 =	vld.idx.msk [tilespmem:v8+s29+$0x0], $0xffff  }
0x65: {  	v6 =	vld.idx.msk [tilespmem:v8+s30+$0x0], $0xffff  }
0x66: {  	v7 =	vld.idx.msk [tilespmem:v4+s29+$0x0], $0xffff  }
0x67: {  	v4 =	vld.idx.msk [tilespmem:v4+s30+$0x0], $0xffff  }
0x68: {  	v9 =	vld.idx.msk [tilespmem:v8+s31+$0x0], $0xffff  }
0x69: {  	v8 =	vld.idx.msk [tilespmem:v5+s30+$0x0], $0xffff  }
0x6a: {  	s18 =	simm.s32 $0x40;
	v5 =	vsub.f32 v10, v2  }
.LBB2_2:
0x6b: {  	p0 =	sne.s32 s18, $0x7C0;
	s19 =	smov.u32 s18;
	s18 =	sadd.s32 $0x40, s18  }
0x6c: {  	v1 =	vsub.f32 v1, v7;
	s19 =	sshra.s32 s19, $0x2;
	v6 =	vsub.f32 v6, v4  }
0x6d: {  	v3 =	vsub.f32 v3, v7;
	v10 =	vld [tilespmem:s19+$0x400];
	v2 =	vsub.f32 v9, v2  }
0x6e: {  	v9 =	vld [tilespmem:s19+$0x0];
	v4 =	vsub.f32 v8, v4;
	v7 =	vmul.f32 v5, v6;
	v6 =	vmul.f32 v1, v6  }
0x6f: {  	v5 =	vmul.f32 v5, v3;
	v8 =	vld [tilespmem:s19+$0x200];
	v1 =	vmul.f32 v1, v2  }
0x70: {  	v2 =	vmul.f32 v4, v2;
	v3 =	vmul.f32 v4, v3  }
0x71: {  	v1 =	vsub.f32 v1, v5  }
0x72: {  	v2 =	vsub.f32 v7, v2;
	v3 =	vsub.f32 v3, v6  }
0x73: {  	[tilespmem:s15+$0x800] =	vst v1  }
0x74: {  	[tilespmem:s15+$0x600] =	vst v2  }
0x75: {  	[tilespmem:s15+$0xA00] =	vst v3;
	s15 =	smov.u32 s19  }
0x76: {  	v1 =	vld.idx.msk [tilespmem:v10+s29+$0x0], $0xffff  }
0x77: {  	v5 =	vld.idx.msk [tilespmem:v10+s31+$0x0], $0xffff  }
0x78: {  	v2 =	vld.idx.msk [tilespmem:v9+s31+$0x0], $0xffff  }
0x79: {  	v3 =	vld.idx.msk [tilespmem:v8+s29+$0x0], $0xffff  }
0x7a: {  	v6 =	vld.idx.msk [tilespmem:v8+s30+$0x0], $0xffff  }
.Ltmp0:
0x7b: {  	v7 =	vld.idx.msk [tilespmem:v9+s29+$0x0], $0xffff;
	(pc) =	sbr.rel @p0 .LBB2_2-.Ltmp0, $4  }
0x7c: {  	v4 =	vld.idx.msk [tilespmem:v9+s30+$0x0], $0xffff  }
0x7d: {  	v9 =	vld.idx.msk [tilespmem:v8+s31+$0x0], $0xffff  }
0x7e: {  	v8 =	vld.idx.msk [tilespmem:v10+s30+$0x0], $0xffff  }
0x7f: {  	v5 =	vsub.f32 v5, v2  }
0x80: {  	_ = 	snop  }
0x81: {  	v1 =	vsub.f32 v1, v7  }
0x82: {  	v3 =	vsub.f32 v3, v7;
	v2 =	vsub.f32 v9, v2  }
0x83: {  	v6 =	vsub.f32 v6, v4;
	v59 =	vsub.f32 v8, v4  }
0x84: {  	v61 =	vmul.f32 v5, v3;
	v60 =	vmul.f32 v1, v2  }
0x85: {  	v62 =	vmul.f32 v5, v6;
	v2 =	vmul.f32 v59, v2  }
0x86: {  	v1 =	vmul.f32 v1, v6;
	v3 =	vmul.f32 v59, v3;
	v63 =	vsub.f32 v60, v61  }
0x87: {  	v2 =	vsub.f32 v62, v2  }
0x88: {  	v1 =	vsub.f32 v3, v1;
	[tilespmem:s15+$0x800] =	vst v63  }
0x89: {  	[tilespmem:s15+$0x600] =	vst v2  }
0x8a: {  	s19 =	simm.s32 $0x0;
	[tilespmem:s15+$0xA00] =	vst v1  }
0x8b: {  	[spmem:s1] =	stream.indirect.scatter.add.f32 [tilespmem:s9], [sflag:$0x2], $0x1, s19, s26, $0xb8;
	[tilespmem:$0x7000] =	vst v63  }
0x8c: {  	_ = 	snop  }
0x8d: {  	[spmem:s3] =	stream.indirect.scatter.add.f32 [tilespmem:s10], [sflag:$0x2], $0x1, s19, s26, $0xb8;
	[tilespmem:$0x7000] =	vst v63  }
0x8e: {  	_ = 	snop  }
0x8f: {  	[spmem:s4] =	stream.indirect.scatter.add.f32 [tilespmem:s11], [sflag:$0x2], $0x1, s19, s26, $0xb8;
	[tilespmem:$0x7000] =	vst v63  }
0x90: {  	_ = 	snop  }
0x91: {  	[spmem:s1] =	stream.indirect.scatter.add.f32 [tilespmem:s9], [sflag:$0x2], $0x1, s26, s26, $0xb8;
	[tilespmem:$0x7000] =	vst v63  }
0x92: {  	_ = 	snop  }
0x93: {  	[spmem:s3] =	stream.indirect.scatter.add.f32 [tilespmem:s10], [sflag:$0x2], $0x1, s26, s26, $0xb8;
	[tilespmem:$0x7000] =	vst v63  }
0x94: {  	_ = 	snop  }
0x95: {  	[spmem:s4] =	stream.indirect.scatter.add.f32 [tilespmem:s11], [sflag:$0x2], $0x1, s26, s26, $0xb8;
	[tilespmem:$0x7000] =	vst v63  }
0x96: {  	_ = 	snop  }
0x97: {  	[spmem:s1] =	stream.indirect.scatter.add.f32 [tilespmem:s9], [sflag:$0x2], $0x1, s28, s26, $0xb8;
	[tilespmem:$0x7000] =	vst v63  }
0x98: {  	_ = 	snop  }
0x99: {  	[spmem:s3] =	stream.indirect.scatter.add.f32 [tilespmem:s10], [sflag:$0x2], $0x1, s28, s26, $0xb8;
	[tilespmem:$0x7000] =	vst v63  }
0x9a: {  	_ = 	snop  }
0x9b: {  	[spmem:s4] =	stream.indirect.scatter.add.f32 [tilespmem:s11], [sflag:$0x2], $0x1, s28, s26, $0xb8;
	[tilespmem:$0x7000] =	vst v63  }
0x9c: {  	_ =	swait.ge [sflag:s13], $0x200  }
0x9d: {  	[sflag:s13] =	ssyncset.done $0x0  }
0x9e: {  	[sflag:s13] =	ssyncadd.s32 $0xFFFFFE00  }
0x9f: {  	_ =	swait.ge [sflag:s13], $0x200  }
0xa0: {  	[sflag:s13] =	ssyncset.done $0x0  }
0xa1: {  	[sflag:s13] =	ssyncadd.s32 $0xFFFFFE00  }
0xa2: {  	_ =	swait.ge [sflag:s13], $0x200  }
0xa3: {  	[sflag:s13] =	ssyncset.done $0x0  }
0xa4: {  	[sflag:s13] =	ssyncadd.s32 $0xFFFFFE00  }
0xa5: {  	_ =	swait.ge [sflag:s13], $0x200  }
0xa6: {  	[sflag:s13] =	ssyncset.done $0x0  }
0xa7: {  	[sflag:s13] =	ssyncadd.s32 $0xFFFFFE00  }
0xa8: {  	_ =	swait.ge [sflag:s13], $0x200  }
0xa9: {  	[sflag:s13] =	ssyncset.done $0x0  }
0xaa: {  	[sflag:s13] =	ssyncadd.s32 $0xFFFFFE00  }
0xab: {  	_ =	swait.ge [sflag:s13], $0x200  }
0xac: {  	[sflag:s13] =	ssyncset.done $0x0  }
0xad: {  	[sflag:s13] =	ssyncadd.s32 $0xFFFFFE00  }
0xae: {  	_ =	swait.ge [sflag:s13], $0x200  }
0xaf: {  	[sflag:s13] =	ssyncset.done $0x0  }
0xb0: {  	[sflag:s13] =	ssyncadd.s32 $0xFFFFFE00  }
0xb1: {  	_ =	swait.ge [sflag:s13], $0x200  }
0xb2: {  	[sflag:s13] =	ssyncset.done $0x0  }
0xb3: {  	[sflag:s13] =	ssyncadd.s32 $0xFFFFFE00  }
0xb4: {  	_ =	swait.ge [sflag:s13], $0x200  }
0xb5: {  	[sflag:s13] =	ssyncset.done $0x0  }
0xb6: {  	[sflag:s13] =	ssyncadd.s32 $0xFFFFFE00  }
0xb7: {  	[bflag:$0x0] =	sbarrier.arrive $0xFFFF  }
0xb8: {  	[tilespmem:s9], [sflag:$0x3] =	stream.linear.gather [spmem:s12], $0x100, $0x38;
	[tilespmem:$0x7000] =	vst v63  }
0xb9: {  	_ =	swait.ge [sflag:s25], $0x100  }
0xba: {  	[sflag:s25] =	ssyncset.done $0x0  }
0xbb: {  	[sflag:s25] =	ssyncadd.s32 $0xFFFFFF00  }
0xbc: {  	[tilespmem:s10], [sflag:$0x3] =	stream.linear.gather [spmem:s16], $0x100, $0x38;
	[tilespmem:$0x7000] =	vst v63  }
0xbd: {  	_ =	swait.ge [sflag:s25], $0x100  }
0xbe: {  	[sflag:s25] =	ssyncset.done $0x0  }
0xbf: {  	[sflag:s25] =	ssyncadd.s32 $0xFFFFFF00  }
0xc0: {  	[tilespmem:s11], [sflag:$0x3] =	stream.linear.gather [spmem:s17], $0x100, $0x38;
	[tilespmem:$0x7000] =	vst v63  }
0xc1: {  	_ =	swait.ge [sflag:s25], $0x100  }
0xc2: {  	[sflag:s25] =	ssyncset.done $0x0  }
0xc3: {  	s15 =	simm.s32 $0x0;
	[sflag:s25] =	ssyncadd.s32 $0xFFFFFF00  }
0xc4: {  	s18 =	simm.s32 $0x40;
	v1 =	vld [tilespmem:s15+$0x800]  }
.LBB2_4:
0xc5: {  	p0 =	sne.s32 s18, $0x3C0;
	v2 =	vld [tilespmem:s15+$0x600];
	_ =	sdelay $0x1  }
0xc6: {  	v3 =	vld [tilespmem:s15+$0xA00];
	_ =	sdelay $0x2  }
0xc7: {  	v5 =	vmul.f32 v1, v1;
	v4 =	vmul.f32 v2, v2;
	_ =	sdelay $0x1  }
0xc8: {  	v4 =	vadd.f32 v5, v4;
	v5 =	vmul.f32 v3, v3;
	_ =	sdelay $0x1  }
0xc9: {  	v4 =	vadd.f32 v5, v4;
	_ =	sdelay $0x1  }
0xca: {  	v5 =	vshra.s32 v4, $0x1;
	v6 =	vmul.f32 $5.000000000e-01, v4  }
0xcb: {  	v5 =	vsub.s32 $0x5F3759DF, v5  }
0xcc: {  	v7 =	vmul.f32 v5, v6;
	_ =	sdelay $0x1  }
0xcd: {  	v7 =	vmul.f32 v5, v7;
	_ =	sdelay $0x1  }
0xce: {  	v7 =	vsub.f32 $1.500000000e+00, v7;
	_ =	sdelay $0x1  }
0xcf: {  	v5 =	vmul.f32 v5, v7;
	_ =	sdelay $0x1  }
0xd0: {  	v7 =	vmul.f32 v5, v6;
	_ =	sdelay $0x1  }
0xd1: {  	v7 =	vmul.f32 v7, v5;
	_ =	sdelay $0x1  }
0xd2: {  	v7 =	vsub.f32 $1.500000000e+00, v7;
	_ =	sdelay $0x1  }
0xd3: {  	v5 =	vmul.f32 v7, v5;
	_ =	sdelay $0x1  }
0xd4: {  	v6 =	vmul.f32 v5, v6;
	_ =	sdelay $0x1  }
0xd5: {  	v6 =	vmul.f32 v6, v5;
	_ =	sdelay $0x1  }
0xd6: {  	v6 =	vsub.f32 $1.500000000e+00, v6;
	_ =	sdelay $0x1  }
0xd7: {  	v5 =	vmul.f32 v6, v5  }
0xd8: {  	vm0 =	vgt.f32 v4, $1.000000020e-35  }
0xd9: {  	v4 =	vnsel vm0, $0x0, v5  }
.Ltmp1:
0xda: {  	v2 =	vmul.f32 v4, v2;
	v1 =	vmul.f32 v4, v1;
	(pc) =	sbr.rel @p0 .LBB2_4-.Ltmp1, $4  }
0xdb: {  	v3 =	vmul.f32 v4, v3  }
0xdc: {  	[tilespmem:s15+$0x600] =	vst v2  }
0xdd: {  	s19 =	sshra.s32 s18, $0x2;
	[tilespmem:s15+$0x800] =	vst v1  }
0xde: {  	s18 =	sadd.s32 $0x40, s18;
	v1 =	vld [tilespmem:s19+$0x800];
	[tilespmem:s15+$0xA00] =	vst v3;
	s15 =	smov.u32 s19  }
0xdf: {  	v2 =	vld [tilespmem:s15+$0x600];
	_ =	sdelay $0x1  }
0xe0: {  	v3 =	vld [tilespmem:s15+$0xA00];
	_ =	sdelay $0x2  }
0xe1: {  	v5 =	vmul.f32 v1, v1;
	v4 =	vmul.f32 v2, v2;
	_ =	sdelay $0x1  }
0xe2: {  	v4 =	vadd.f32 v5, v4;
	v5 =	vmul.f32 v3, v3;
	_ =	sdelay $0x1  }
0xe3: {  	v4 =	vadd.f32 v5, v4;
	_ =	sdelay $0x1  }
0xe4: {  	v5 =	vshra.s32 v4, $0x1;
	v6 =	vmul.f32 $5.000000000e-01, v4  }
0xe5: {  	v5 =	vsub.s32 $0x5F3759DF, v5  }
0xe6: {  	v7 =	vmul.f32 v5, v6;
	_ =	sdelay $0x1  }
0xe7: {  	v7 =	vmul.f32 v5, v7;
	_ =	sdelay $0x1  }
0xe8: {  	v7 =	vsub.f32 $1.500000000e+00, v7;
	_ =	sdelay $0x1  }
0xe9: {  	v5 =	vmul.f32 v5, v7;
	_ =	sdelay $0x1  }
0xea: {  	v7 =	vmul.f32 v5, v6;
	_ =	sdelay $0x1  }
0xeb: {  	v7 =	vmul.f32 v7, v5;
	_ =	sdelay $0x1  }
0xec: {  	v7 =	vsub.f32 $1.500000000e+00, v7;
	_ =	sdelay $0x1  }
0xed: {  	v5 =	vmul.f32 v7, v5;
	_ =	sdelay $0x1  }
0xee: {  	v6 =	vmul.f32 v5, v6;
	_ =	sdelay $0x1  }
0xef: {  	v6 =	vmul.f32 v6, v5;
	_ =	sdelay $0x1  }
0xf0: {  	v6 =	vsub.f32 $1.500000000e+00, v6;
	_ =	sdelay $0x1  }
0xf1: {  	v5 =	vmul.f32 v6, v5  }
0xf2: {  	vm0 =	vgt.f32 v4, $1.000000020e-35  }
0xf3: {  	v4 =	vnsel vm0, $0x0, v5  }
0xf4: {  	v2 =	vmul.f32 v4, v2  }
0xf5: {  	v1 =	vmul.f32 v4, v1  }
0xf6: {  	v3 =	vmul.f32 v4, v3;
	[tilespmem:s15+$0x600] =	vst v2  }
0xf7: {  	[tilespmem:s15+$0x800] =	vst v1  }
0xf8: {  	s18 =	rddreg [dreg:$0xe];
	[tilespmem:s15+$0xA00] =	vst v3;
	s15 =	simm.s32 $0x0  }
0xf9: {  	[hbm4b:s18+s15] =	stream.linear.scatter [tilespmem:s9], [sflag:$0x3], $0x100, $0x38;
	[tilespmem:$0x7000] =	vst v63  }
0xfa: {  	_ =	swait.ge [sflag:s25], $0x100  }
0xfb: {  	[sflag:s25] =	ssyncset.done $0x0  }
0xfc: {  	s19 =	rddreg [dreg:$0xf];
	[sflag:s25] =	ssyncadd.s32 $0xFFFFFF00  }
0xfd: {  	[hbm4b:s19+s15] =	stream.linear.scatter [tilespmem:s10], [sflag:$0x3], $0x100, $0x38;
	[tilespmem:$0x7000] =	vst v63  }
0xfe: {  	_ =	swait.ge [sflag:s25], $0x100  }
0xff: {  	[sflag:s25] =	ssyncset.done $0x0  }
0x100: {  	[sflag:s25] =	ssyncadd.s32 $0xFFFFFF00  }
0x101: {  	[hbm4b:s20+s15] =	stream.linear.scatter [tilespmem:s11], [sflag:$0x3], $0x100, $0x38;
	[tilespmem:$0x7000] =	vst v63  }
0x102: {  	_ =	swait.ge [sflag:s25], $0x100  }
0x103: {  	[sflag:s25] =	ssyncset.done $0x0  }
0x104: {  	[sflag:s25] =	ssyncadd.s32 $0xFFFFFF00  }
0x105: {  	[bflag:$0x0] =	sbarrier.arrive $0xFFFF  }
0x106: {  	[spmem:s12] =	stream.linear.scatter [tilespmem:s0], [sflag:$0x3], $0x100, $0x38;
	[tilespmem:$0x7000] =	vst v63  }
0x107: {  	_ =	swait.ge [sflag:s25], $0x100  }
0x108: {  	[sflag:s25] =	ssyncset.done $0x0  }
0x109: {  	[sflag:s25] =	ssyncadd.s32 $0xFFFFFF00  }
0x10a: {  	[spmem:s16] =	stream.linear.scatter [tilespmem:s0], [sflag:$0x3], $0x100, $0x38;
	[tilespmem:$0x7000] =	vst v63  }
0x10b: {  	_ =	swait.ge [sflag:s25], $0x100  }
0x10c: {  	[sflag:s25] =	ssyncset.done $0x0  }
0x10d: {  	[sflag:s25] =	ssyncadd.s32 $0xFFFFFF00  }
0x10e: {  	[spmem:s17] =	stream.linear.scatter [tilespmem:s0], [sflag:$0x3], $0x100, $0x38;
	[tilespmem:$0x7000] =	vst v63  }
0x10f: {  	_ =	swait.ge [sflag:s25], $0x100  }
0x110: {  	[sflag:s25] =	ssyncset.done $0x0  }
0x111: {  	[sflag:s25] =	ssyncadd.s32 $0xFFFFFF00  }
0x112: {  	_ =	swait.ge [sflag:s2], $0x1000  }
0x113: {  	[sflag:s2] =	ssyncset.done $0x0  }
0x114: {  	[sflag:s2] =	ssyncadd.s32 $0xFFFFF000  }
0x115: {  	_ =	swait.ge [sflag:s2], $0x1000  }
0x116: {  	[sflag:s2] =	ssyncset.done $0x0  }
0x117: {  	[sflag:s2] =	ssyncadd.s32 $0xFFFFF000  }
0x118: {  	_ =	swait.ge [sflag:s2], $0x1000  }
0x119: {  	[sflag:s2] =	ssyncset.done $0x0  }
0x11a: {  	[sflag:s2] =	ssyncadd.s32 $0xFFFFF000  }
0x11b: {  	s15 =	simm.s32 $0x0;
	[bflag:$0x0] =	sbarrier.arrive $0xFFFF  }
0x11c: {  	v5 =	vld [tilespmem:s15+$0x400];
	_ =	sdelay $0x1  }
0x11d: {  	v4 =	vld [tilespmem:s15+$0x0]  }
0x11e: {  	v8 =	vld [tilespmem:s15+$0x200];
	_ =	sdelay $0x4  }
0x11f: {  	v1 =	vld.idx.msk [tilespmem:v5+s6+$0x0], $0xffff  }
0x120: {  	v10 =	vld.idx.msk [tilespmem:v5+s8+$0x0], $0xffff  }
0x121: {  	v2 =	vld.idx.msk [tilespmem:v4+s8+$0x0], $0xffff  }
0x122: {  	v3 =	vld.idx.msk [tilespmem:v8+s6+$0x0], $0xffff  }
0x123: {  	v6 =	vld.idx.msk [tilespmem:v8+s7+$0x0], $0xffff  }
0x124: {  	v7 =	vld.idx.msk [tilespmem:v4+s6+$0x0], $0xffff  }
0x125: {  	v4 =	vld.idx.msk [tilespmem:v4+s7+$0x0], $0xffff  }
0x126: {  	v9 =	vld.idx.msk [tilespmem:v8+s8+$0x0], $0xffff  }
0x127: {  	v8 =	vld.idx.msk [tilespmem:v5+s7+$0x0], $0xffff  }
0x128: {  	s18 =	simm.s32 $0x40;
	v5 =	vsub.f32 v10, v2  }
.LBB2_6:
0x129: {  	p0 =	sne.s32 s18, $0x7C0;
	s19 =	smov.u32 s18;
	s18 =	sadd.s32 $0x40, s18  }
0x12a: {  	v1 =	vsub.f32 v1, v7;
	s19 =	sshra.s32 s19, $0x2;
	v6 =	vsub.f32 v6, v4  }
0x12b: {  	v3 =	vsub.f32 v3, v7;
	v10 =	vld [tilespmem:s19+$0x400];
	v2 =	vsub.f32 v9, v2  }
0x12c: {  	v9 =	vld [tilespmem:s19+$0x0];
	v4 =	vsub.f32 v8, v4;
	v7 =	vmul.f32 v5, v6;
	v6 =	vmul.f32 v1, v6  }
0x12d: {  	v5 =	vmul.f32 v5, v3;
	v8 =	vld [tilespmem:s19+$0x200];
	v1 =	vmul.f32 v1, v2  }
0x12e: {  	v2 =	vmul.f32 v4, v2;
	v3 =	vmul.f32 v4, v3  }
0x12f: {  	v1 =	vsub.f32 v1, v5  }
0x130: {  	v2 =	vsub.f32 v7, v2;
	v3 =	vsub.f32 v3, v6  }
0x131: {  	[tilespmem:s15+$0x800] =	vst v1  }
0x132: {  	[tilespmem:s15+$0x600] =	vst v2  }
0x133: {  	[tilespmem:s15+$0xA00] =	vst v3;
	s15 =	smov.u32 s19  }
0x134: {  	v1 =	vld.idx.msk [tilespmem:v10+s6+$0x0], $0xffff  }
0x135: {  	v5 =	vld.idx.msk [tilespmem:v10+s8+$0x0], $0xffff  }
0x136: {  	v2 =	vld.idx.msk [tilespmem:v9+s8+$0x0], $0xffff  }
0x137: {  	v3 =	vld.idx.msk [tilespmem:v8+s6+$0x0], $0xffff  }
0x138: {  	v6 =	vld.idx.msk [tilespmem:v8+s7+$0x0], $0xffff  }
.Ltmp2:
0x139: {  	v7 =	vld.idx.msk [tilespmem:v9+s6+$0x0], $0xffff;
	(pc) =	sbr.rel @p0 .LBB2_6-.Ltmp2, $4  }
0x13a: {  	v4 =	vld.idx.msk [tilespmem:v9+s7+$0x0], $0xffff  }
0x13b: {  	v9 =	vld.idx.msk [tilespmem:v8+s8+$0x0], $0xffff  }
0x13c: {  	v8 =	vld.idx.msk [tilespmem:v10+s7+$0x0], $0xffff  }
0x13d: {  	v5 =	vsub.f32 v5, v2  }
0x13e: {  	_ = 	snop  }
0x13f: {  	v1 =	vsub.f32 v1, v7  }
0x140: {  	v3 =	vsub.f32 v3, v7;
	v2 =	vsub.f32 v9, v2  }
0x141: {  	v6 =	vsub.f32 v6, v4;
	v59 =	vsub.f32 v8, v4  }
0x142: {  	v61 =	vmul.f32 v5, v3;
	v60 =	vmul.f32 v1, v2  }
0x143: {  	v62 =	vmul.f32 v5, v6;
	v2 =	vmul.f32 v59, v2  }
0x144: {  	v1 =	vmul.f32 v1, v6;
	v3 =	vmul.f32 v59, v3;
	v63 =	vsub.f32 v60, v61  }
0x145: {  	v2 =	vsub.f32 v62, v2  }
0x146: {  	v1 =	vsub.f32 v3, v1;
	[tilespmem:s15+$0x800] =	vst v63  }
0x147: {  	[tilespmem:s15+$0x600] =	vst v2  }
0x148: {  	s19 =	simm.s32 $0x0;
	[tilespmem:s15+$0xA00] =	vst v1  }
0x149: {  	[spmem:s1] =	stream.indirect.scatter.add.f32 [tilespmem:s9], [sflag:$0x2], $0x1, s19, s26, $0xb8;
	[tilespmem:$0x7000] =	vst v63  }
0x14a: {  	_ = 	snop  }
0x14b: {  	[spmem:s3] =	stream.indirect.scatter.add.f32 [tilespmem:s10], [sflag:$0x2], $0x1, s19, s26, $0xb8;
	[tilespmem:$0x7000] =	vst v63  }
0x14c: {  	_ = 	snop  }
0x14d: {  	[spmem:s4] =	stream.indirect.scatter.add.f32 [tilespmem:s11], [sflag:$0x2], $0x1, s19, s26, $0xb8;
	[tilespmem:$0x7000] =	vst v63  }
0x14e: {  	_ = 	snop  }
0x14f: {  	[spmem:s1] =	stream.indirect.scatter.add.f32 [tilespmem:s9], [sflag:$0x2], $0x1, s26, s26, $0xb8;
	[tilespmem:$0x7000] =	vst v63  }
0x150: {  	_ = 	snop  }
0x151: {  	[spmem:s3] =	stream.indirect.scatter.add.f32 [tilespmem:s10], [sflag:$0x2], $0x1, s26, s26, $0xb8;
	[tilespmem:$0x7000] =	vst v63  }
0x152: {  	_ = 	snop  }
0x153: {  	[spmem:s4] =	stream.indirect.scatter.add.f32 [tilespmem:s11], [sflag:$0x2], $0x1, s26, s26, $0xb8;
	[tilespmem:$0x7000] =	vst v63  }
0x154: {  	_ = 	snop  }
0x155: {  	[spmem:s1] =	stream.indirect.scatter.add.f32 [tilespmem:s9], [sflag:$0x2], $0x1, s28, s26, $0xb8;
	[tilespmem:$0x7000] =	vst v63  }
0x156: {  	_ = 	snop  }
0x157: {  	[spmem:s3] =	stream.indirect.scatter.add.f32 [tilespmem:s10], [sflag:$0x2], $0x1, s28, s26, $0xb8;
	[tilespmem:$0x7000] =	vst v63  }
0x158: {  	_ = 	snop  }
0x159: {  	[spmem:s4] =	stream.indirect.scatter.add.f32 [tilespmem:s11], [sflag:$0x2], $0x1, s28, s26, $0xb8;
	[tilespmem:$0x7000] =	vst v63  }
0x15a: {  	_ =	swait.ge [sflag:s13], $0x200  }
0x15b: {  	[sflag:s13] =	ssyncset.done $0x0  }
0x15c: {  	[sflag:s13] =	ssyncadd.s32 $0xFFFFFE00  }
0x15d: {  	_ =	swait.ge [sflag:s13], $0x200  }
0x15e: {  	[sflag:s13] =	ssyncset.done $0x0  }
0x15f: {  	[sflag:s13] =	ssyncadd.s32 $0xFFFFFE00  }
0x160: {  	_ =	swait.ge [sflag:s13], $0x200  }
0x161: {  	[sflag:s13] =	ssyncset.done $0x0  }
0x162: {  	[sflag:s13] =	ssyncadd.s32 $0xFFFFFE00  }
0x163: {  	_ =	swait.ge [sflag:s13], $0x200  }
0x164: {  	[sflag:s13] =	ssyncset.done $0x0  }
0x165: {  	[sflag:s13] =	ssyncadd.s32 $0xFFFFFE00  }
0x166: {  	_ =	swait.ge [sflag:s13], $0x200  }
0x167: {  	[sflag:s13] =	ssyncset.done $0x0  }
0x168: {  	[sflag:s13] =	ssyncadd.s32 $0xFFFFFE00  }
0x169: {  	_ =	swait.ge [sflag:s13], $0x200  }
0x16a: {  	[sflag:s13] =	ssyncset.done $0x0  }
0x16b: {  	[sflag:s13] =	ssyncadd.s32 $0xFFFFFE00  }
0x16c: {  	_ =	swait.ge [sflag:s13], $0x200  }
0x16d: {  	[sflag:s13] =	ssyncset.done $0x0  }
0x16e: {  	[sflag:s13] =	ssyncadd.s32 $0xFFFFFE00  }
0x16f: {  	_ =	swait.ge [sflag:s13], $0x200  }
0x170: {  	[sflag:s13] =	ssyncset.done $0x0  }
0x171: {  	[sflag:s13] =	ssyncadd.s32 $0xFFFFFE00  }
0x172: {  	_ =	swait.ge [sflag:s13], $0x200  }
0x173: {  	[sflag:s13] =	ssyncset.done $0x0  }
0x174: {  	[sflag:s13] =	ssyncadd.s32 $0xFFFFFE00  }
0x175: {  	[bflag:$0x0] =	sbarrier.arrive $0xFFFF  }
0x176: {  	[tilespmem:s9], [sflag:$0x3] =	stream.linear.gather [spmem:s12], $0x100, $0x38;
	[tilespmem:$0x7000] =	vst v63  }
0x177: {  	_ =	swait.ge [sflag:s25], $0x100  }
0x178: {  	[sflag:s25] =	ssyncset.done $0x0  }
0x179: {  	[sflag:s25] =	ssyncadd.s32 $0xFFFFFF00  }
0x17a: {  	[tilespmem:s10], [sflag:$0x3] =	stream.linear.gather [spmem:s16], $0x100, $0x38;
	[tilespmem:$0x7000] =	vst v63  }
0x17b: {  	_ =	swait.ge [sflag:s25], $0x100  }
0x17c: {  	[sflag:s25] =	ssyncset.done $0x0  }
0x17d: {  	[sflag:s25] =	ssyncadd.s32 $0xFFFFFF00  }
0x17e: {  	[tilespmem:s11], [sflag:$0x3] =	stream.linear.gather [spmem:s17], $0x100, $0x38;
	[tilespmem:$0x7000] =	vst v63  }
0x17f: {  	_ =	swait.ge [sflag:s25], $0x100  }
0x180: {  	[sflag:s25] =	ssyncset.done $0x0  }
0x181: {  	s15 =	simm.s32 $0x0;
	[sflag:s25] =	ssyncadd.s32 $0xFFFFFF00  }
0x182: {  	s18 =	simm.s32 $0x40;
	v1 =	vld [tilespmem:s15+$0x800]  }
.LBB2_8:
0x183: {  	p0 =	sne.s32 s18, $0x3C0;
	v2 =	vld [tilespmem:s15+$0x600];
	_ =	sdelay $0x1  }
0x184: {  	v3 =	vld [tilespmem:s15+$0xA00];
	_ =	sdelay $0x2  }
0x185: {  	v5 =	vmul.f32 v1, v1;
	v4 =	vmul.f32 v2, v2;
	_ =	sdelay $0x1  }
0x186: {  	v4 =	vadd.f32 v5, v4;
	v5 =	vmul.f32 v3, v3;
	_ =	sdelay $0x1  }
0x187: {  	v4 =	vadd.f32 v5, v4;
	_ =	sdelay $0x1  }
0x188: {  	v5 =	vshra.s32 v4, $0x1;
	v6 =	vmul.f32 $5.000000000e-01, v4  }
0x189: {  	v5 =	vsub.s32 $0x5F3759DF, v5  }
0x18a: {  	v7 =	vmul.f32 v5, v6;
	_ =	sdelay $0x1  }
0x18b: {  	v7 =	vmul.f32 v5, v7;
	_ =	sdelay $0x1  }
0x18c: {  	v7 =	vsub.f32 $1.500000000e+00, v7;
	_ =	sdelay $0x1  }
0x18d: {  	v5 =	vmul.f32 v5, v7;
	_ =	sdelay $0x1  }
0x18e: {  	v7 =	vmul.f32 v5, v6;
	_ =	sdelay $0x1  }
0x18f: {  	v7 =	vmul.f32 v7, v5;
	_ =	sdelay $0x1  }
0x190: {  	v7 =	vsub.f32 $1.500000000e+00, v7;
	_ =	sdelay $0x1  }
0x191: {  	v5 =	vmul.f32 v7, v5;
	_ =	sdelay $0x1  }
0x192: {  	v6 =	vmul.f32 v5, v6;
	_ =	sdelay $0x1  }
0x193: {  	v6 =	vmul.f32 v6, v5;
	_ =	sdelay $0x1  }
0x194: {  	v6 =	vsub.f32 $1.500000000e+00, v6;
	_ =	sdelay $0x1  }
0x195: {  	v5 =	vmul.f32 v6, v5  }
0x196: {  	vm0 =	vgt.f32 v4, $1.000000020e-35  }
0x197: {  	v4 =	vnsel vm0, $0x0, v5  }
.Ltmp3:
0x198: {  	v2 =	vmul.f32 v4, v2;
	v1 =	vmul.f32 v4, v1;
	(pc) =	sbr.rel @p0 .LBB2_8-.Ltmp3, $4  }
0x199: {  	v3 =	vmul.f32 v4, v3  }
0x19a: {  	[tilespmem:s15+$0x600] =	vst v2  }
0x19b: {  	s19 =	sshra.s32 s18, $0x2;
	[tilespmem:s15+$0x800] =	vst v1  }
0x19c: {  	s18 =	sadd.s32 $0x40, s18;
	v1 =	vld [tilespmem:s19+$0x800];
	[tilespmem:s15+$0xA00] =	vst v3;
	s15 =	smov.u32 s19  }
0x19d: {  	v2 =	vld [tilespmem:s15+$0x600];
	_ =	sdelay $0x1  }
0x19e: {  	v3 =	vld [tilespmem:s15+$0xA00];
	_ =	sdelay $0x2  }
0x19f: {  	v5 =	vmul.f32 v1, v1;
	v4 =	vmul.f32 v2, v2;
	_ =	sdelay $0x1  }
0x1a0: {  	v63 =	vmul.f32 v3, v3;
	v4 =	vadd.f32 v5, v4;
	_ =	sdelay $0x1  }
0x1a1: {  	v4 =	vadd.f32 v63, v4;
	_ =	sdelay $0x1  }
0x1a2: {  	v5 =	vshra.s32 v4, $0x1;
	v6 =	vmul.f32 $5.000000000e-01, v4  }
0x1a3: {  	v5 =	vsub.s32 $0x5F3759DF, v5  }
0x1a4: {  	v7 =	vmul.f32 v5, v6;
	_ =	sdelay $0x1  }
0x1a5: {  	v7 =	vmul.f32 v5, v7;
	_ =	sdelay $0x1  }
0x1a6: {  	v7 =	vsub.f32 $1.500000000e+00, v7;
	_ =	sdelay $0x1  }
0x1a7: {  	v5 =	vmul.f32 v5, v7;
	_ =	sdelay $0x1  }
0x1a8: {  	v7 =	vmul.f32 v5, v6;
	_ =	sdelay $0x1  }
0x1a9: {  	v7 =	vmul.f32 v7, v5;
	_ =	sdelay $0x1  }
0x1aa: {  	v7 =	vsub.f32 $1.500000000e+00, v7;
	_ =	sdelay $0x1  }
0x1ab: {  	v5 =	vmul.f32 v7, v5;
	_ =	sdelay $0x1  }
0x1ac: {  	v6 =	vmul.f32 v5, v6;
	_ =	sdelay $0x1  }
0x1ad: {  	v6 =	vmul.f32 v6, v5;
	_ =	sdelay $0x1  }
0x1ae: {  	v6 =	vsub.f32 $1.500000000e+00, v6;
	_ =	sdelay $0x1  }
0x1af: {  	v5 =	vmul.f32 v6, v5  }
0x1b0: {  	vm0 =	vgt.f32 v4, $1.000000020e-35  }
0x1b1: {  	v4 =	vnsel vm0, $0x0, v5  }
0x1b2: {  	v2 =	vmul.f32 v4, v2  }
0x1b3: {  	v1 =	vmul.f32 v4, v1  }
0x1b4: {  	v3 =	vmul.f32 v4, v3;
	[tilespmem:s15+$0x600] =	vst v2  }
0x1b5: {  	[tilespmem:s15+$0x800] =	vst v1  }
0x1b6: {  	[tilespmem:s15+$0xA00] =	vst v3  }
0x1b7: {  	[hbm4b:s21+s5] =	stream.linear.scatter [tilespmem:s9], [sflag:$0x3], $0x100, $0x38;
	[tilespmem:$0x7000] =	vst v63  }
0x1b8: {  	_ =	swait.ge [sflag:s25], $0x100  }
0x1b9: {  	[sflag:s25] =	ssyncset.done $0x0  }
0x1ba: {  	[sflag:s25] =	ssyncadd.s32 $0xFFFFFF00  }
0x1bb: {  	[hbm4b:s22+s5] =	stream.linear.scatter [tilespmem:s10], [sflag:$0x3], $0x100, $0x38;
	[tilespmem:$0x7000] =	vst v63  }
0x1bc: {  	_ =	swait.ge [sflag:s25], $0x100  }
0x1bd: {  	s14 =	sadd.s32 $0x1, s14;
	[sflag:s25] =	ssyncset.done $0x0  }
0x1be: {  	p0 =	sne.s32 s14, s24;
	[sflag:s25] =	ssyncadd.s32 $0xFFFFFF00  }
0x1bf: {  	[hbm4b:s23+s5] =	stream.linear.scatter [tilespmem:s11], [sflag:$0x3], $0x100, $0x38;
	[tilespmem:$0x7000] =	vst v63  }
.Ltmp4:
0x1c0: {  	_ =	swait.ge [sflag:s25], $0x100;
	(pc) =	sbr.rel @p0 .LBB2_1-.Ltmp4, $3  }
0x1c1: {  	[sflag:s25] =	ssyncset.done $0x0  }
0x1c2: {  	[sflag:s25] =	ssyncadd.s32 $0xFFFFFF00  }
0x1c3: {  	[bflag:$0x0] =	sbarrier.arrive $0xFFFF;
	_ =	sdelay $0x1  }
0x1c4: {  	_ =	sfence.sel $0x180000  }
0x1c5: {  	[bflag:$0x0] =	sbarrier.arrive $0xFFFF  }
0x1c6: {  	_ =	strace $0x90000047  }
0x1c7: {  	s0 =	stileid.u32;
	[bflag:$0x2] =	sbarrier.arrive $0xFFFF  }
0x1c8: {  	p0 =	sne.s32 s0, $0x0;
	s0 =	rddreg [dreg:$0x4]  }
0x1c9: {  	s0 =	sadd.s32 @!p0 $0x100000, s0  }
0x1ca: {  	[sflag:s0] =	ssyncadd.tile.s32 @!p0 $0x1;
	_ =	shalt  }
.Lfunc_end2:
_tile_overlayer_lowered:
.L_overlay_start_2:
0x1cb: {  	(tag) =	ssettag $0x2  }
0x1cc: {  	s0 =	rddreg [dreg:$0x0];
	s2 =	stileid.u32  }
0x1cd: {  	s1 =	rddreg [dreg:$0x1];
	p0 =	sne.s32 s2, $0x0  }
0x1ce: {  	s3 =	rddreg [dreg:$0x2];
	[bflag:$0x3] =	sbarrier.arrive $0xFFFF;
	s2 =	simm.s32 @!p0 $0x1C03  }
0x1cf: {  	[timem:s3], [sflag:s2] =	dma.local @!p0 [hbm:s0], s1  }
0x1d0: {  	s0 =	simm.s32 @!p0 $0x3  }
0x1d1: {  	_ =	swait.ge @!p0 [sflag:s0], s1  }
0x1d2: {  	s1 =	ssub.s32 @!p0 $0x0, s1;
	[sflag:s0] =	ssyncset.done @!p0 $0x0  }
0x1d3: {  	[sflag:s0] =	ssyncadd.s32 @!p0 s1  }
0x1d4: {  	[bflag:$0x3] =	sbarrier.arrive $0xFFFF  }
0x1d5: {  	_ =	shalt  }

// kernel: kernel.8.cloned.1.call-start
scs
__scs_entry_jumppad:
0x0: {  	(pc) =	sbr.rel $0x88, $3  }
0x1: {  	(tag) =	ssettag $0x0;
	lr =	simm.s32 $0x1  }
0x2: {  	[smem:$0x3F9D] =	sst lr;
	_ =	strace $0xD0000000  }
0x3: {  	_ = 	snop  }
0x4: {  	_ = 	snop  }
0x5: {  	_ = 	snop  }
0x6: {  	_ = 	snop  }
0x7: {  	_ = 	snop  }
__scs_overlays_trampoline_lowered:
0x8: {  	[smem:$0x3FAC] =	sst s0  }
0x9: {  	[smem:$0x3FAD] =	sst s1  }
0xa: {  	[smem:$0x3FAE] =	sst s2  }
0xb: {  	[smem:$0x3FAF] =	sst s3  }
0xc: {  	[smem:$0x3FB0] =	sst s4  }
0xd: {  	[smem:$0x3FB1] =	sst s5  }
0xe: {  	[smem:$0x3FB2] =	sst s6  }
0xf: {  	[smem:$0x3FB3] =	sst s7  }
0x10: {  	[smem:$0x3FB4] =	sst s8  }
0x11: {  	[smem:$0x3FB5] =	sst s9;
	s0 =	simm.s32 @!p0 $0x0  }
0x12: {  	s1 =	sld [smem:$0x3F9B];
	s0 =	simm.s32 @p0 $0x1  }
0x13: {  	[smem:$0x3FB6] =	sst s0;
	s0 =	simm.s32 @!p1 $0x0  }
0x14: {  	s2 =	sld [smem:$0x3F9A];
	s0 =	simm.s32 @p1 $0x1  }
0x15: {  	[smem:$0x3FB7] =	sst s0;
	s0 =	simm.s32 @!p2 $0x0  }
0x16: {  	s3 =	sld [smem:$0x3FDB];
	s0 =	simm.s32 @p2 $0x1  }
0x17: {  	s4 =	simm.s32 $0x1BF5;
	[smem:$0x3FB9] =	sst s0  }
0x18: {  	s0 =	sld [smem:$0x3F9C];
	_ =	swait.ge [sflag:s4], $0x0  }
0x19: {  	s7 =	sld [smem:$0x3F9D]  }
0x1a: {  	s8 =	sadd.s32 $0xFFFFE003, lr  }
0x1b: {  	s9 =	sadd.s32 $0xFFFFFEF7, lr;
	s5 =	simm.s32 $0xFFFFFFFF;
	p2 =	slt.u32 s8, $0xFFFFF086  }
0x1c: {  	p1 =	slt.u32 s9, $0xF7A;
	s5 =	simm.s32 @!p2 $0x0  }
0x1d: {  	s5 =	simm.s32 @p1 $0x1;
	p0 =	seq.s32 s7, s2  }
0x1e: {  	s7 =	smul.u32 @!p0 $0xF7A, s2;
	p2 =	seq.s32 @!p0 s5, $0x0  }
0x1f: {  	s9 =	smul.u32 $0xF7A, s1;
	s8 =	simm.s32 @!p0 $0x1BF5;
	p2 =	por !p2, p0  }
0x20: {  	[sflag:s8] =	ssyncset.s32 @!p0 $0xFFFFF086;
	s6 =	sadd.s32 @!p0 s3, s7;
	s7 =	simm.s32 @!p0 $0x108  }
0x21: {  	s3 =	sadd.s32 s3, s9;
	s6 =	sadd.s32 @!p0 $0x88, s6;
	s7 =	simm.s32 @p2 $0x1082  }
0x22: {  	[simem:s7], [sflag:s8] =	dma.local @!p0 [hbm:s6], $0xF7A  }
0x23: {  	s9 =	sor.u32 $0xD0000000, s2;
	s6 =	simm.s32 $0x108;
	_ =	swait.ge @!p0 [sflag:s8], $0x0  }
0x24: {  	s3 =	sadd.s32 $0x88, s3;
	s6 =	simm.s32 @!p1 $0x1082;
	[sflag:s4] =	ssyncset.s32 $0xFFFFF086  }
0x25: {  	[simem:s6], [sflag:s4] =	dma.local [hbm:s3], $0xF7A  }
0x26: {  	[smem:$0x3F9D] =	sst s1;
	(tag) =	ssettag s2;
	_ =	strace s9  }
0x27: {  	s1 =	sld [smem:$0x3FAD]  }
0x28: {  	s2 =	sld [smem:$0x3FAE]  }
0x29: {  	s4 =	sld [smem:$0x3FB0]  }
0x2a: {  	p0 =	seq.s32 s5, $0x0;
	s5 =	sld [smem:$0x3FB1]  }
0x2b: {  	s6 =	sld [smem:$0x3FB2]  }
0x2c: {  	s7 =	sld [smem:$0x3FB3]  }
0x2d: {  	s3 =	simm.s32 $0x108;
	s8 =	sld [smem:$0x3FB4]  }
0x2e: {  	s3 =	simm.s32 @!p0 $0x1082;
	s9 =	sld [smem:$0x3FB5]  }
0x2f: {  	lr =	sadd.s32 s0, s3;
	s0 =	sld [smem:$0x3FAC]  }
0x30: {  	s3 =	sld [smem:$0x3FAF]  }
0x31: {  	[smem:$0x3FB8] =	sst s10  }
0x32: {  	s10 =	sld [smem:$0x3FB6];
	_ =	sdelay $0x3  }
0x33: {  	p0 =	seq.s32 s10, $0x1;
	s10 =	sld [smem:$0x3FB8];
	_ =	sdelay $0x3  }
0x34: {  	[smem:$0x3FB8] =	sst s10  }
0x35: {  	s10 =	sld [smem:$0x3FB7];
	_ =	sdelay $0x3  }
0x36: {  	p1 =	seq.s32 s10, $0x1;
	s10 =	sld [smem:$0x3FB8];
	_ =	sdelay $0x3  }
0x37: {  	[smem:$0x3FB8] =	sst s10  }
0x38: {  	s10 =	sld [smem:$0x3FB9]  }
0x39: {  	_ = 	snop;
	(pc) =	sbr.ind lr, $3  }
0x3a: {  	_ = 	snop  }
0x3b: {  	_ = 	snop  }
0x3c: {  	p2 =	seq.s32 s10, $0x1;
	s10 =	sld [smem:$0x3FB8]  }
0x3d: {  	_ =	shalt  }
0x3e: {  	_ =	shalt  }
0x3f: {  	_ =	shalt  }
0x40: {  	_ =	shalt  }
0x41: {  	_ =	shalt  }
0x42: {  	_ =	shalt  }
0x43: {  	_ =	shalt  }
0x44: {  	_ =	shalt  }
0x45: {  	_ =	shalt  }
0x46: {  	_ =	shalt  }
0x47: {  	_ =	shalt  }
0x48: {  	_ =	shalt  }
0x49: {  	_ =	shalt  }
0x4a: {  	_ =	shalt  }
0x4b: {  	_ =	shalt  }
0x4c: {  	_ =	shalt  }
0x4d: {  	_ =	shalt  }
0x4e: {  	_ =	shalt  }
0x4f: {  	_ =	shalt  }
0x50: {  	_ =	shalt  }
0x51: {  	_ =	shalt  }
0x52: {  	_ =	shalt  }
0x53: {  	_ =	shalt  }
0x54: {  	_ =	shalt  }
0x55: {  	_ =	shalt  }
0x56: {  	_ =	shalt  }
0x57: {  	_ =	shalt  }
0x58: {  	_ =	shalt  }
0x59: {  	_ =	shalt  }
0x5a: {  	_ =	shalt  }
0x5b: {  	_ =	shalt  }
0x5c: {  	_ =	shalt  }
0x5d: {  	_ =	shalt  }
0x5e: {  	_ =	shalt  }
0x5f: {  	_ =	shalt  }
0x60: {  	_ =	shalt  }
0x61: {  	_ =	shalt  }
0x62: {  	_ =	shalt  }
0x63: {  	_ =	shalt  }
0x64: {  	_ =	shalt  }
0x65: {  	_ =	shalt  }
0x66: {  	_ =	shalt  }
0x67: {  	_ =	shalt  }
0x68: {  	_ =	shalt  }
0x69: {  	_ =	shalt  }
0x6a: {  	_ =	shalt  }
0x6b: {  	_ =	shalt  }
0x6c: {  	_ =	shalt  }
0x6d: {  	_ =	shalt  }
0x6e: {  	_ =	shalt  }
0x6f: {  	_ =	shalt  }
0x70: {  	_ =	shalt  }
0x71: {  	_ =	shalt  }
0x72: {  	_ =	shalt  }
0x73: {  	_ =	shalt  }
0x74: {  	_ =	shalt  }
0x75: {  	_ =	shalt  }
0x76: {  	_ =	shalt  }
0x77: {  	_ =	shalt  }
0x78: {  	_ =	shalt  }
0x79: {  	_ =	shalt  }
0x7a: {  	_ =	shalt  }
0x7b: {  	_ =	shalt  }
0x7c: {  	_ =	shalt  }
0x7d: {  	_ =	shalt  }
0x7e: {  	_ =	shalt  }
0x7f: {  	_ =	shalt  }
0x80: {  	_ =	shalt  }
0x81: {  	_ =	shalt  }
0x82: {  	_ =	shalt  }
0x83: {  	_ =	shalt  }
0x84: {  	_ =	shalt  }
0x85: {  	_ =	shalt  }
0x86: {  	_ =	shalt  }
0x87: {  	_ =	shalt  }
.Lfunc_end0:
.L_simem_size_0:
called_computation.1_lowered:
.L_overlay_start_0:
0x88: {  	s2 =	sld [smem:$0x3FD9]  }
0x89: {  	s3 =	sld [smem:$0x3FFE];
	_ =	sdelay $0x1  }
0x8a: {  	s1 =	srdreg.scid  }
0x8b: {  	s0 =	sand.u32 $0x1, s1  }
0x8c: {  	s16 =	sshll.u32 s0, $0xA;
	s2 =	sadd.s32 s3, s2  }
0x8d: {  	s2 =	sadd.s32 s2, s16  }
0x8e: {  	[smem:$0x3FC4] =	sst s2  }
0x8f: {  	_ = 	snop  }
0x90: {  	(tm) =	ssettm $0x1  }
0x91: {  	s17 =	sld [smem:$0x3FFB];
	_ =	sdelay $0x3  }
0x92: {  	_ =	strace s17  }
0x93: {  	s2 =	sld [smem:$0x3FFC];
	_ =	sdelay $0x3  }
0x94: {  	_ =	strace s2  }
0x95: {  	s2 =	sld [smem:$0x3FFD];
	_ =	sdelay $0x3  }
0x96: {  	_ =	strace s2  }
0x97: {  	_ =	strace $0x8FFFFFFF  }
0x98: {  	s18 =	sld [smem:$0x3FDB];
	_ =	sdelay $0x1  }
0x99: {  	s19 =	simm.s32 $_scs_section_size  }
0x9a: {  	s4 =	simm.s32 $_size__tile_overlayer_lowered;
	s5 =	simm.s32 $_tile_overlayer_lowered  }
0x9b: {  	s22 =	simm.s32 $0x1BFF;
	s21 =	sshll.u32 s5, $0x1;
	s2 =	sadd.s32 s19, s18  }
0x9c: {  	s6 =	simm.s32 $0x0;
	s20 =	sshll.u32 s4, $0x1;
	s4 =	sadd.s32 s21, s2  }
0x9d: {  	[timem:s6], [sflag:s22] =	dma.local [hbm:s4], s20  }
0x9e: {  	_ =	swait.ge [sflag:s22], s20  }
0x9f: {  	s3 =	ssub.s32 $0x0, s20;
	[sflag:s22] =	ssyncset.done $0x0  }
0xa0: {  	[sflag:s22] =	ssyncadd.s32 s3;
	_ =	sdelay $0x1  }
0xa1: {  	s23 =	simm.s32 $0x1B8B  }
0xa2: {  	_ =	swait.ge [sflag:s23], $0x1  }
0xa3: {  	[sflag:s23] =	ssyncset.done $0x0  }
0xa4: {  	s25 =	simm.s32 $0x1B8E;
	s24 =	sld [smem:$0x3FFE];
	[sflag:s23] =	ssyncadd.s32 $0xFFFFFFFF  }
0xa5: {  	s26 =	simm.s32 $execute0_lowered;
	[smem:$0x3FD2] =	sst s25  }
0xa6: {  	s4 =	sshll.u32 s26, $0x1;
	_ =	strace $0x80000049;
	[dreg:$0x1] =	wrdreg $0xFFFFFFFF  }
0xa7: {  	s28 =	simm.s32 $_size_execute0_lowered;
	s2 =	sadd.s32 s2, s4;
	[dreg:$0x0] =	wrdreg $0x0  }
0xa8: {  	s4 =	sshll.u32 s28, $0x1;
	[dreg:$0x2] =	wrdreg s2  }
0xa9: {  	[dreg:$0x3] =	wrdreg s4  }
0xaa: {  	[dreg:$0x4] =	wrdreg $0xC0  }
0xab: {  	_ =	task [dreg:s6], $0x5FFFF  }
0xac: {  	[dreg:$0x1] =	wrdreg $0xFFFFFFFF  }
0xad: {  	[dreg:$0x0] =	wrdreg $0x60  }
0xae: {  	[dreg:$0x2] =	wrdreg s24  }
0xaf: {  	[dreg:$0x3] =	wrdreg $0x81800  }
0xb0: {  	[dreg:$0x4] =	wrdreg $0x7B800  }
0xb1: {  	[dreg:$0x5] =	wrdreg $0x79800  }
0xb2: {  	[dreg:$0x6] =	wrdreg $0x84800  }
0xb3: {  	[dreg:$0x7] =	wrdreg $0x7E800  }
0xb4: {  	[dreg:$0x8] =	wrdreg $0x7A800  }
0xb5: {  	[dreg:$0x9] =	wrdreg $0x9  }
0xb6: {  	_ =	task.clear_ibuf [dreg:s6], $0xAFFFF;
	_ =	strace $0x90000049  }
0xb7: {  	s29 =	simm.s32 $0x9;
	_ =	strace $0x8000004B  }
0xb8: {  	_ =	swait.ge [sflag:s29], $0x1  }
0xb9: {  	[sflag:s29] =	ssyncadd.s32 $0xFFFFFFFF  }
0xba: {  	_ =	strace $0x9000004B  }
0xbb: {  	_ =	sfence  }
0xbc: {  	s30 =	sld [smem:$0x0];
	_ =	sdelay $0x2  }
0xbd: {  	s31 =	sshll.u32 s1, $0xD;
	s1 =	sshrl.u32 s1, $0x2  }
0xbe: {  	s3 =	sand.u32 $0x4000, s31;
	s1 =	sadd.s32 s1, s30  }
0xbf: {  	s0 =	sor.u32 s3, s0;
	s1 =	sshll.u32 s1, $0x11  }
0xc0: {  	s0 =	sor.u32 s1, s0  }
0xc1: {  	s0 =	sadd.s32 $0x8F2B, s0  }
0xc2: {  	[sflag:s0] =	ssyncadd.remote.s32 $0x1  }
0xc3: {  	_ =	sfence.sel $0xFFFF  }
0xc4: {  	[dreg:$0x0] =	wrdreg $0xFFFFFFFF;
	(pc) =	sbr.abs _section_cstart, $3  }
0xc5: {  	[dreg:$0x1] =	wrdreg $0xFFFFFFFF  }
0xc6: {  	_ =	task.clear_ibuf [dreg:s6], $0x2FFFF;
	_ =	strace $0x9FFFFFFF  }
0xc7: {  	(tm) =	ssettm $0x7FFFFFFF  }
tec
execute0_lowered:
.L_overlay_start_1:
0x0: {  	(tag) =	ssettag $0x1  }
0x1: {  	s0 =	rddreg [dreg:$0x0]  }
0x2: {  	s29 =	rddreg [dreg:$0x1]  }
0x3: {  	s30 =	rddreg [dreg:$0x2]  }
0x4: {  	s31 =	rddreg [dreg:$0x3]  }
0x5: {  	s8 =	rddreg [dreg:$0x4]  }
0x6: {  	s12 =	rddreg [dreg:$0x5];
	s1 =	srdreg.scid  }
0x7: {  	s10 =	stileid.u32;
	s11 =	rddreg [dreg:$0x6];
	s21 =	simm.s32 $0x0  }
0x8: {  	s1 =	sand.u32 $0x1, s1;
	s2 =	sshll.u32 s10, $0x1;
	[smem:$0x7FF] =	sst s21  }
0x9: {  	s4 =	sshll.u32 s10, $0x5;
	s5 =	sadd.s32 $0x4400, s0;
	s7 =	smul.u32 $0x300, s10  }
0xa: {  	s9 =	sadd.s32 $0x2400, s0;
	s15 =	sshll.u32 s10, $0x6;
	s17 =	sshll.u32 s10, $0x8  }
0xb: {  	s10 =	sadd.s32 $0x2000, s8;
	s2 =	sor.u32 s1, s2;
	_ =	strace $0x8000004A  }
0xc: {  	s4 =	sadd.s32 s4, s0;
	s1 =	ssub.s32 $0x2, s1;
	s14 =	sadd.s32 s7, s29  }
0xd: {  	s3 =	smul.u32 $0x60, s2;
	s16 =	sadd.s32 s7, s30;
	[dreg:$0x13] =	wrdreg s14  }
0xe: {  	s22 =	sshrl.u32 s7, $0x3;
	s18 =	sadd.s32 s7, s8;
	[dreg:$0x15] =	wrdreg s16  }
0xf: {  	s6 =	sshrl.u32 s1, $0x1;
	s23 =	sadd.s32 s5, s22;
	[dreg:$0x16] =	wrdreg s18  }
0x10: {  	s24 =	sadd.s32 s9, s22;
	s25 =	sadd.s32 $0x600, s22;
	[dreg:$0xb] =	wrdreg s23  }
0x11: {  	s1 =	ssub.s32 s1, s6;
	[dreg:$0xc] =	wrdreg s24;
	s13 =	sadd.s32 s5, s25  }
0x12: {  	s26 =	sadd.s32 $0xC00, s22;
	s6 =	sadd.s32 s9, s25;
	[dreg:$0xd] =	wrdreg s13  }
0x13: {  	s2 =	sshll.u32 s2, $0x1;
	s28 =	sadd.s32 s5, s26;
	[dreg:$0xe] =	wrdreg s6  }
0x14: {  	s3 =	sadd.s32 s3, s0;
	s0 =	sadd.s32 s0, s2;
	[dreg:$0xf] =	wrdreg s28  }
0x15: {  	s14 =	simm.s32 $0x5980;
	s23 =	sadd.s32 $0x3C00, s4;
	[dreg:$0x14] =	wrdreg s0  }
0x16: {  	s16 =	simm.s32 $0x1980;
	s24 =	sadd.s32 $0x3E00, s4;
	[dreg:$0x1a] =	wrdreg s23  }
0x17: {  	s18 =	simm.s32 $0x3980;
	s25 =	sadd.s32 $0x4000, s4;
	[dreg:$0x1b] =	wrdreg s24  }
0x18: {  	s19 =	sadd.s32 $0x7400, s3;
	s20 =	sadd.s32 $0x6800, s3;
	[dreg:$0x1c] =	wrdreg s25  }
0x19: {  	s3 =	sadd.s32 $0x5C00, s3;
	s6 =	sadd.s32 s9, s26;
	[dreg:$0x8] =	wrdreg s19  }
0x1a: {  	s0 =	sadd.s32 s17, s11;
	s26 =	sadd.s32 $0x4200, s4;
	[dreg:$0x9] =	wrdreg s20  }
0x1b: {  	s28 =	smax.u32 s1, $0x1;
	s1 =	sadd.s32 $0x1000, s8;
	[dreg:$0xa] =	wrdreg s3  }
0x1c: {  	s11 =	sadd.s32 $0x1000, s12;
	s4 =	sadd.s32 $0x2000, s12;
	[dreg:$0x10] =	wrdreg s6  }
0x1d: {  	s13 =	simm.s32 $0x2;
	s3 =	sadd.s32 $0x1200, s22;
	[dreg:$0x19] =	wrdreg s0  }
0x1e: {  	s22 =	sor.u32 $0x1C01, s15;
	s19 =	sadd.s32 s7, s12;
	[dreg:$0x1d] =	wrdreg s26  }
0x1f: {  	s20 =	sadd.s32 s17, s31;
	[dreg:$0x1e] =	wrdreg s28;
	s7 =	sadd.s32 $0x2000, s29  }
0x20: {  	s0 =	sadd.s32 $0x1000, s30;
	s6 =	simm.s32 $0x1;
	s12 =	simm.s32 $0x4980  }
0x21: {  	s15 =	simm.s32 $0x6980;
	s17 =	simm.s32 $0x2980;
	[dreg:$0x17] =	wrdreg s19  }
0x22: {  	s5 =	sadd.s32 s5, s3;
	s3 =	sadd.s32 s9, s3;
	[dreg:$0x18] =	wrdreg s20  }
0x23: {  	s9 =	sadd.s32 $0x2000, s30;
	s19 =	simm.s32 $0x980;
	[dreg:$0x11] =	wrdreg s5  }
0x24: {  	s20 =	simm.s32 $0x0;
	[dreg:$0x12] =	wrdreg s3;
	s3 =	sadd.s32 $0x1000, s29  }
.LBB2_1:
0x25: {  	s2 =	rddreg [dreg:$0x8]  }
0x26: {  	s5 =	simm.s32 $0x80;
	s23 =	rddreg [dreg:$0x9]  }
0x27: {  	[tilespmem:s5], [sflag:$0x1] =	stream.linear.gather [hbm4b:s2+s21], $0x300, $0x38;
	[tilespmem:$0x8780] =	vst v63  }
0x28: {  	s24 =	simm.s32 $0x380;
	s25 =	rddreg [dreg:$0xa]  }
0x29: {  	[tilespmem:s24], [sflag:$0x1] =	stream.linear.gather [hbm4b:s23+s21], $0x300, $0x38;
	[tilespmem:$0x8780] =	vst v63  }
0x2a: {  	s26 =	simm.s32 $0x680;
	s5 =	rddreg [dreg:$0x13]  }
0x2b: {  	[tilespmem:s26], [sflag:$0x1] =	stream.linear.gather [hbm4b:s25+s21], $0x300, $0x38;
	[tilespmem:$0x8780] =	vst v63  }
0x2c: {  	s8 =	rddreg [dreg:$0xb];
	s25 =	sshrl.u32 s5, $0x3  }
0x2d: {  	[spmem:s25], [sflag:s22] =	dma.local [hbm:s8], $0x60  }
0x2e: {  	s2 =	rddreg [dreg:$0x15]  }
0x2f: {  	s21 =	rddreg [dreg:$0xc];
	s26 =	sshrl.u32 s2, $0x3  }
0x30: {  	[spmem:s26], [sflag:s22] =	dma.local [hbm:s21], $0x60  }
0x31: {  	s2 =	rddreg [dreg:$0x18]  }
0x32: {  	s23 =	rddreg [dreg:$0x1a];
	s28 =	sshrl.u32 s2, $0x3  }
0x33: {  	[spmem:s28], [sflag:s22] =	dma.local [hbm:s23], $0x20  }
0x34: {  	_ =	swait.ge [sflag:s6], $0x300  }
0x35: {  	[sflag:s6] =	ssyncset.done $0x0  }
0x36: {  	[sflag:s6] =	ssyncadd.s32 $0xFFFFFD00  }
0x37: {  	_ =	swait.ge [sflag:s6], $0x300  }
0x38: {  	[sflag:s6] =	ssyncset.done $0x0  }
0x39: {  	[sflag:s6] =	ssyncadd.s32 $0xFFFFFD00  }
0x3a: {  	_ =	swait.ge [sflag:s6], $0x300  }
0x3b: {  	[sflag:s6] =	ssyncset.done $0x0  }
0x3c: {  	[sflag:s6] =	ssyncadd.s32 $0xFFFFFD00  }
0x3d: {  	_ =	swait.ge [sflag:s6], $0x60  }
0x3e: {  	[sflag:s6] =	ssyncset.done $0x0  }
0x3f: {  	[sflag:s6] =	ssyncadd.s32 $0xFFFFFFA0  }
0x40: {  	_ =	swait.ge [sflag:s6], $0x60  }
0x41: {  	[sflag:s6] =	ssyncset.done $0x0  }
0x42: {  	[sflag:s6] =	ssyncadd.s32 $0xFFFFFFA0  }
0x43: {  	_ =	swait.ge [sflag:s6], $0x20  }
0x44: {  	[sflag:s6] =	ssyncset.done $0x0  }
0x45: {  	[sflag:s6] =	ssyncadd.s32 $0xFFFFFFE0  }
0x46: {  	[bflag:$0x0] =	sbarrier.arrive $0xFFFF  }
0x47: {  	[tilespmem:s12], [sflag:$0x2] =	stream.linear.gather [spmem:s29], $0x1000, $0x38;
	[tilespmem:$0x8780] =	vst v63  }
0x48: {  	_ =	swait.ge [sflag:s13], $0x1000  }
0x49: {  	[sflag:s13] =	ssyncset.done $0x0  }
0x4a: {  	[sflag:s13] =	ssyncadd.s32 $0xFFFFF000  }
0x4b: {  	[tilespmem:s14], [sflag:$0x2] =	stream.linear.gather [spmem:s3], $0x1000, $0x38;
	[tilespmem:$0x8780] =	vst v63  }
0x4c: {  	_ =	swait.ge [sflag:s13], $0x1000  }
0x4d: {  	[sflag:s13] =	ssyncset.done $0x0  }
0x4e: {  	[sflag:s13] =	ssyncadd.s32 $0xFFFFF000  }
0x4f: {  	[tilespmem:s15], [sflag:$0x2] =	stream.linear.gather [spmem:s7], $0x1000, $0x38;
	[tilespmem:$0x8780] =	vst v63  }
0x50: {  	_ =	swait.ge [sflag:s13], $0x1000  }
0x51: {  	[sflag:s13] =	ssyncset.done $0x0  }
0x52: {  	[sflag:s13] =	ssyncadd.s32 $0xFFFFF000  }
0x53: {  	[tilespmem:s16], [sflag:$0x2] =	stream.linear.gather [spmem:s30], $0x1000, $0x38;
	[tilespmem:$0x8780] =	vst v63  }
0x54: {  	_ =	swait.ge [sflag:s13], $0x1000  }
0x55: {  	[sflag:s13] =	ssyncset.done $0x0  }
0x56: {  	[sflag:s13] =	ssyncadd.s32 $0xFFFFF000  }
0x57: {  	[tilespmem:s17], [sflag:$0x2] =	stream.linear.gather [spmem:s0], $0x1000, $0x38;
	[tilespmem:$0x8780] =	vst v63  }
0x58: {  	_ =	swait.ge [sflag:s13], $0x1000  }
0x59: {  	[sflag:s13] =	ssyncset.done $0x0  }
0x5a: {  	[sflag:s13] =	ssyncadd.s32 $0xFFFFF000  }
0x5b: {  	[tilespmem:s18], [sflag:$0x2] =	stream.linear.gather [spmem:s9], $0x1000, $0x38;
	[tilespmem:$0x8780] =	vst v63  }
0x5c: {  	_ =	swait.ge [sflag:s13], $0x1000  }
0x5d: {  	[sflag:s13] =	ssyncset.done $0x0  }
0x5e: {  	[sflag:s13] =	ssyncadd.s32 $0xFFFFF000  }
0x5f: {  	[tilespmem:s19], [sflag:$0x2] =	stream.linear.gather [spmem:s31], $0x1000, $0x38;
	[tilespmem:$0x8780] =	vst v63  }
0x60: {  	_ =	swait.ge [sflag:s13], $0x1000  }
0x61: {  	[sflag:s13] =	ssyncset.done $0x0;
	s24 =	rddreg [dreg:$0x16]  }
0x62: {  	s23 =	rddreg [dreg:$0xd];
	[sflag:s13] =	ssyncadd.s32 $0xFFFFF000;
	s21 =	sshrl.u32 s24, $0x3  }
0x63: {  	[spmem:s21], [sflag:s22] =	dma.local [hbm:s23], $0x60  }
0x64: {  	s23 =	rddreg [dreg:$0x17]  }
0x65: {  	s24 =	rddreg [dreg:$0xe];
	s23 =	sshrl.u32 s23, $0x3  }
0x66: {  	[spmem:s23], [sflag:s22] =	dma.local [hbm:s24], $0x60  }
0x67: {  	s5 =	smov.u32 s29;
	s2 =	smov.u32 s30;
	s24 =	rddreg [dreg:$0x19]  }
0x68: {  	s30 =	simm.s32 $0x0;
	s29 =	rddreg [dreg:$0x1b];
	s24 =	sshrl.u32 s24, $0x3  }
0x69: {  	[spmem:s24], [sflag:s22] =	dma.local [hbm:s29], $0x20  }
0x6a: {  	v0 =	vld [tilespmem:s30+$0x80];
	_ =	sdelay $0x1  }
0x6b: {  	v6 =	vld [tilespmem:s30+$0x380];
	_ =	sdelay $0x2  }
0x6c: {  	s29 =	simm.s32 $0x10  }
0x6d: {  	v12 =	vld [tilespmem:s29+$0x80]  }
0x6e: {  	v11 =	vld [tilespmem:s29+$0x380]  }
0x6f: {  	v13 =	vld.idx.msk [tilespmem:v0+s19+$0x0], $0xffff  }
0x70: {  	v1 =	vld.idx.msk [tilespmem:v0+s15+$0x0], $0xffff  }
0x71: {  	v14 =	vld.idx.msk [tilespmem:v6+s19+$0x0], $0xffff  }
0x72: {  	v2 =	vld.idx.msk [tilespmem:v6+s15+$0x0], $0xffff  }
0x73: {  	v3 =	vld.idx.msk [tilespmem:v0+s12+$0x0], $0xffff  }
0x74: {  	v4 =	vld.idx.msk [tilespmem:v6+s12+$0x0], $0xffff  }
0x75: {  	v5 =	vld.idx.msk [tilespmem:v0+s14+$0x0], $0xffff  }
0x76: {  	v10 =	vld.idx.msk [tilespmem:v6+s14+$0x0], $0xffff  }
0x77: {  	v7 =	vld.idx.msk [tilespmem:v13+s16+$0x0], $0xffff  }
0x78: {  	v6 =	vld.idx.msk [tilespmem:v13+s17+$0x0], $0xffff  }
0x79: {  	v8 =	vld.idx.msk [tilespmem:v14+s16+$0x0], $0xffff  }
0x7a: {  	s8 =	smov.u32 s31;
	s31 =	simm.s32 $0x80;
	v0 =	vimm.f32 $0.0e+00;
	v9 =	vld.idx.msk [tilespmem:v14+s17+$0x0], $0xffff  }
.LBB2_2:
0x7b: {  	p0 =	sne.s32 s31, $0xBC0;
	v15 =	vld.idx.msk [tilespmem:v13+s18+$0x0], $0xffff  }
0x7c: {  	v16 =	vld.idx.msk [tilespmem:v14+s18+$0x0], $0xffff  }
0x7d: {  	v3 =	vsub.f32 v3, v4;
	v4 =	vsub.f32 v5, v10;
	v17 =	vld [tilespmem:s30+$0x680];
	s30 =	smov.u32 s29;
	s29 =	sshra.s32 s31, $0x2  }
0x7e: {  	v10 =	vld [tilespmem:s29+$0x80]  }
0x7f: {  	v2 =	vsub.f32 v1, v2;
	v5 =	vmul.f32 v7, v3;
	v6 =	vmul.f32 v6, v4;
	v18 =	vld [tilespmem:s29+$0x380]  }
0x80: {  	v3 =	vmul.f32 v8, v3;
	v4 =	vmul.f32 v9, v4;
	v13 =	vld.idx.msk [tilespmem:v12+s19+$0x0], $0xffff  }
0x81: {  	v7 =	vmul.f32 v15, v2;
	v1 =	vld.idx.msk [tilespmem:v12+s15+$0x0], $0xffff  }
0x82: {  	v5 =	vadd.f32 v6, v5;
	v4 =	vadd.f32 v4, v3;
	v6 =	vmul.f32 v16, v2;
	v14 =	vld.idx.msk [tilespmem:v11+s19+$0x0], $0xffff  }
0x83: {  	v2 =	vld.idx.msk [tilespmem:v11+s15+$0x0], $0xffff  }
0x84: {  	v7 =	vadd.f32 v7, v5;
	v6 =	vadd.f32 v6, v4;
	v3 =	vld.idx.msk [tilespmem:v12+s12+$0x0], $0xffff  }
0x85: {  	v4 =	vld.idx.msk [tilespmem:v11+s12+$0x0], $0xffff  }
0x86: {  	v7 =	vand.u32 $0x7FFFFFFF, v7;
	v6 =	vand.u32 $0x7FFFFFFF, v6;
	v5 =	vld.idx.msk [tilespmem:v12+s14+$0x0], $0xffff;
	v12 =	vmov v10  }
.Ltmp0:
0x87: {  	v8 =	vadd.f32 v6, v7;
	v10 =	vld.idx.msk [tilespmem:v11+s14+$0x0], $0xffff;
	v11 =	vmov v18;
	(pc) =	sbr.rel @p0 .LBB2_2-.Ltmp0, $4  }
0x88: {  	v7 =	vld.idx.msk [tilespmem:v13+s16+$0x0], $0xffff  }
0x89: {  	v15 =	vmul.f32 v8, v17;
	v6 =	vld.idx.msk [tilespmem:v13+s17+$0x0], $0xffff  }
0x8a: {  	v8 =	vld.idx.msk [tilespmem:v14+s16+$0x0], $0xffff  }
0x8b: {  	s31 =	sadd.s32 $0x40, s31;
	v0 =	vadd.f32 v15, v0;
	v9 =	vld.idx.msk [tilespmem:v14+s17+$0x0], $0xffff  }
0x8c: {  	_ =	sdelay $0x3  }
0x8d: {  	v13 =	vld.idx.msk [tilespmem:v13+s18+$0x0], $0xffff  }
0x8e: {  	v14 =	vld.idx.msk [tilespmem:v14+s18+$0x0], $0xffff  }
0x8f: {  	v15 =	vld [tilespmem:s30+$0x680]  }
0x90: {  	v16 =	vld.idx.msk [tilespmem:v12+s19+$0x0], $0xffff  }
0x91: {  	v17 =	vld.idx.msk [tilespmem:v12+s15+$0x0], $0xffff  }
0x92: {  	v18 =	vld.idx.msk [tilespmem:v11+s19+$0x0], $0xffff  }
0x93: {  	v19 =	vld.idx.msk [tilespmem:v11+s15+$0x0], $0xffff  }
0x94: {  	v20 =	vld.idx.msk [tilespmem:v12+s12+$0x0], $0xffff  }
0x95: {  	v21 =	vld.idx.msk [tilespmem:v11+s12+$0x0], $0xffff  }
0x96: {  	v12 =	vld.idx.msk [tilespmem:v12+s14+$0x0], $0xffff  }
0x97: {  	v11 =	vld.idx.msk [tilespmem:v11+s14+$0x0], $0xffff  }
0x98: {  	v26 =	vld [tilespmem:s29+$0x680]  }
0x99: {  	v22 =	vld.idx.msk [tilespmem:v16+s16+$0x0], $0xffff  }
0x9a: {  	v23 =	vld.idx.msk [tilespmem:v16+s17+$0x0], $0xffff  }
0x9b: {  	v24 =	vld.idx.msk [tilespmem:v18+s16+$0x0], $0xffff  }
0x9c: {  	v25 =	vld.idx.msk [tilespmem:v18+s17+$0x0], $0xffff  }
0x9d: {  	v16 =	vld.idx.msk [tilespmem:v16+s18+$0x0], $0xffff  }
0x9e: {  	v18 =	vld.idx.msk [tilespmem:v18+s18+$0x0], $0xffff;
	_ =	swait.ge [sflag:s6], $0x60  }
0x9f: {  	[sflag:s6] =	ssyncset.done $0x0  }
0xa0: {  	[sflag:s6] =	ssyncadd.s32 $0xFFFFFFA0  }
0xa1: {  	_ =	swait.ge [sflag:s6], $0x60  }
0xa2: {  	[sflag:s6] =	ssyncset.done $0x0  }
0xa3: {  	[sflag:s6] =	ssyncadd.s32 $0xFFFFFFA0  }
0xa4: {  	_ =	swait.ge [sflag:s6], $0x20  }
0xa5: {  	[sflag:s6] =	ssyncset.done $0x0  }
0xa6: {  	[sflag:s6] =	ssyncadd.s32 $0xFFFFFFE0  }
0xa7: {  	[bflag:$0x0] =	sbarrier.arrive $0xFFFF  }
0xa8: {  	s30 =	rddreg [dreg:$0x4]  }
0xa9: {  	[tilespmem:s12], [sflag:$0x2] =	stream.linear.gather [spmem:s30], $0x1000, $0x38;
	[tilespmem:$0x8780] =	vst v63  }
0xaa: {  	_ =	swait.ge [sflag:s13], $0x1000  }
0xab: {  	[sflag:s13] =	ssyncset.done $0x0  }
0xac: {  	[sflag:s13] =	ssyncadd.s32 $0xFFFFF000  }
0xad: {  	[tilespmem:s14], [sflag:$0x2] =	stream.linear.gather [spmem:s1], $0x1000, $0x38;
	[tilespmem:$0x8780] =	vst v63  }
0xae: {  	_ =	swait.ge [sflag:s13], $0x1000  }
0xaf: {  	[sflag:s13] =	ssyncset.done $0x0  }
0xb0: {  	[sflag:s13] =	ssyncadd.s32 $0xFFFFF000  }
0xb1: {  	[tilespmem:s15], [sflag:$0x2] =	stream.linear.gather [spmem:s10], $0x1000, $0x38;
	[tilespmem:$0x8780] =	vst v63  }
0xb2: {  	_ =	swait.ge [sflag:s13], $0x1000  }
0xb3: {  	[sflag:s13] =	ssyncset.done $0x0  }
0xb4: {  	[sflag:s13] =	ssyncadd.s32 $0xFFFFF000  }
0xb5: {  	s31 =	rddreg [dreg:$0x5]  }
0xb6: {  	[tilespmem:s16], [sflag:$0x2] =	stream.linear.gather [spmem:s31], $0x1000, $0x38;
	[tilespmem:$0x8780] =	vst v63  }
0xb7: {  	_ =	swait.ge [sflag:s13], $0x1000  }
0xb8: {  	[sflag:s13] =	ssyncset.done $0x0  }
0xb9: {  	[sflag:s13] =	ssyncadd.s32 $0xFFFFF000  }
0xba: {  	[tilespmem:s17], [sflag:$0x2] =	stream.linear.gather [spmem:s11], $0x1000, $0x38;
	[tilespmem:$0x8780] =	vst v63  }
0xbb: {  	_ =	swait.ge [sflag:s13], $0x1000  }
0xbc: {  	[sflag:s13] =	ssyncset.done $0x0  }
0xbd: {  	[sflag:s13] =	ssyncadd.s32 $0xFFFFF000  }
0xbe: {  	[tilespmem:s18], [sflag:$0x2] =	stream.linear.gather [spmem:s4], $0x1000, $0x38;
	[tilespmem:$0x8780] =	vst v63  }
0xbf: {  	_ =	swait.ge [sflag:s13], $0x1000  }
0xc0: {  	[sflag:s13] =	ssyncset.done $0x0  }
0xc1: {  	[sflag:s13] =	ssyncadd.s32 $0xFFFFF000  }
0xc2: {  	s30 =	rddreg [dreg:$0x6]  }
0xc3: {  	[tilespmem:s19], [sflag:$0x2] =	stream.linear.gather [spmem:s30], $0x1000, $0x38;
	[tilespmem:$0x8780] =	vst v63  }
0xc4: {  	_ =	swait.ge [sflag:s13], $0x1000  }
0xc5: {  	[sflag:s13] =	ssyncset.done $0x0  }
0xc6: {  	s31 =	rddreg [dreg:$0xf];
	[sflag:s13] =	ssyncadd.s32 $0xFFFFF000  }
0xc7: {  	[spmem:s25], [sflag:s22] =	dma.local [hbm:s31], $0x60  }
0xc8: {  	s25 =	rddreg [dreg:$0x10]  }
0xc9: {  	[spmem:s26], [sflag:s22] =	dma.local [hbm:s25], $0x60  }
0xca: {  	s26 =	simm.s32 $0x0;
	s25 =	rddreg [dreg:$0x1c]  }
0xcb: {  	[spmem:s28], [sflag:s22] =	dma.local [hbm:s25], $0x20  }
0xcc: {  	v3 =	vsub.f32 v3, v4;
	v27 =	vld [tilespmem:s26+$0x80]  }
0xcd: {  	v4 =	vsub.f32 v5, v10  }
0xce: {  	v5 =	vmul.f32 v7, v3;
	v10 =	vld [tilespmem:s26+$0x380]  }
0xcf: {  	v1 =	vsub.f32 v1, v2;
	v2 =	vmul.f32 v8, v3;
	v3 =	vmul.f32 v6, v4  }
0xd0: {  	v7 =	vsub.f32 v20, v21  }
0xd1: {  	v4 =	vmul.f32 v9, v4;
	v8 =	vsub.f32 v12, v11;
	v3 =	vadd.f32 v3, v5;
	s25 =	simm.s32 $0x10  }
0xd2: {  	v9 =	vmul.f32 v13, v1;
	v11 =	vmul.f32 v14, v1;
	v12 =	vsub.f32 v17, v19;
	v5 =	vld [tilespmem:s25+$0x80]  }
0xd3: {  	v2 =	vadd.f32 v4, v2;
	v1 =	vmul.f32 v22, v7;
	v14 =	vmul.f32 v23, v8;
	v6 =	vld [tilespmem:s25+$0x380]  }
0xd4: {  	v3 =	vadd.f32 v9, v3;
	v4 =	vmul.f32 v24, v7;
	v7 =	vmul.f32 v25, v8;
	v13 =	vld.idx.msk [tilespmem:v27+s19+$0x0], $0xffff  }
0xd5: {  	v11 =	vadd.f32 v11, v2;
	v9 =	vadd.f32 v14, v1;
	v1 =	vld.idx.msk [tilespmem:v27+s15+$0x0], $0xffff  }
0xd6: {  	v8 =	vmul.f32 v16, v12;
	v4 =	vadd.f32 v7, v4;
	v7 =	vmul.f32 v18, v12;
	v14 =	vld.idx.msk [tilespmem:v10+s19+$0x0], $0xffff  }
0xd7: {  	v11 =	vand.u32 $0x7FFFFFFF, v11;
	v2 =	vld.idx.msk [tilespmem:v10+s15+$0x0], $0xffff  }
0xd8: {  	v8 =	vadd.f32 v8, v9;
	v9 =	vand.u32 $0x7FFFFFFF, v3;
	v7 =	vadd.f32 v7, v4;
	v3 =	vld.idx.msk [tilespmem:v27+s12+$0x0], $0xffff  }
0xd9: {  	v9 =	vadd.f32 v11, v9;
	v4 =	vld.idx.msk [tilespmem:v10+s12+$0x0], $0xffff  }
0xda: {  	v8 =	vand.u32 $0x7FFFFFFF, v8;
	v11 =	vand.u32 $0x7FFFFFFF, v7;
	v7 =	vld.idx.msk [tilespmem:v27+s14+$0x0], $0xffff  }
0xdb: {  	v9 =	vmul.f32 v9, v15;
	v12 =	vadd.f32 v11, v8;
	v11 =	vld.idx.msk [tilespmem:v10+s14+$0x0], $0xffff  }
0xdc: {  	v8 =	vld.idx.msk [tilespmem:v13+s16+$0x0], $0xffff  }
0xdd: {  	v0 =	vadd.f32 v9, v0;
	v12 =	vmul.f32 v12, v26;
	v9 =	vld.idx.msk [tilespmem:v13+s17+$0x0], $0xffff  }
0xde: {  	v10 =	vld.idx.msk [tilespmem:v14+s16+$0x0], $0xffff  }
0xdf: {  	v0 =	vadd.f32 v12, v0;
	s28 =	simm.s32 $0x80;
	v12 =	vld.idx.msk [tilespmem:v14+s17+$0x0], $0xffff  }
.LBB2_4:
0xe0: {  	p0 =	sne.s32 s28, $0xBC0;
	v15 =	vld.idx.msk [tilespmem:v13+s18+$0x0], $0xffff  }
0xe1: {  	v16 =	vld.idx.msk [tilespmem:v14+s18+$0x0], $0xffff  }
0xe2: {  	v3 =	vsub.f32 v3, v4;
	v4 =	vsub.f32 v7, v11;
	v17 =	vld [tilespmem:s26+$0x680];
	s26 =	smov.u32 s25;
	s25 =	sshra.s32 s28, $0x2  }
0xe3: {  	v11 =	vld [tilespmem:s25+$0x80]  }
0xe4: {  	v2 =	vsub.f32 v1, v2;
	v7 =	vmul.f32 v8, v3;
	v8 =	vmul.f32 v9, v4;
	v18 =	vld [tilespmem:s25+$0x380]  }
0xe5: {  	v3 =	vmul.f32 v10, v3;
	v4 =	vmul.f32 v12, v4;
	v13 =	vld.idx.msk [tilespmem:v5+s19+$0x0], $0xffff  }
0xe6: {  	v9 =	vmul.f32 v15, v2;
	v1 =	vld.idx.msk [tilespmem:v5+s15+$0x0], $0xffff  }
0xe7: {  	v7 =	vadd.f32 v8, v7;
	v4 =	vadd.f32 v4, v3;
	v8 =	vmul.f32 v16, v2;
	v14 =	vld.idx.msk [tilespmem:v6+s19+$0x0], $0xffff  }
0xe8: {  	v2 =	vld.idx.msk [tilespmem:v6+s15+$0x0], $0xffff  }
0xe9: {  	v9 =	vadd.f32 v9, v7;
	v8 =	vadd.f32 v8, v4;
	v3 =	vld.idx.msk [tilespmem:v5+s12+$0x0], $0xffff  }
0xea: {  	v4 =	vld.idx.msk [tilespmem:v6+s12+$0x0], $0xffff  }
0xeb: {  	v9 =	vand.u32 $0x7FFFFFFF, v9;
	v8 =	vand.u32 $0x7FFFFFFF, v8;
	v7 =	vld.idx.msk [tilespmem:v5+s14+$0x0], $0xffff;
	v5 =	vmov v11  }
.Ltmp1:
0xec: {  	v10 =	vadd.f32 v8, v9;
	v11 =	vld.idx.msk [tilespmem:v6+s14+$0x0], $0xffff;
	v6 =	vmov v18;
	(pc) =	sbr.rel @p0 .LBB2_4-.Ltmp1, $4  }
0xed: {  	v8 =	vld.idx.msk [tilespmem:v13+s16+$0x0], $0xffff  }
0xee: {  	v15 =	vmul.f32 v10, v17;
	v9 =	vld.idx.msk [tilespmem:v13+s17+$0x0], $0xffff  }
0xef: {  	v10 =	vld.idx.msk [tilespmem:v14+s16+$0x0], $0xffff  }
0xf0: {  	s28 =	sadd.s32 $0x40, s28;
	v0 =	vadd.f32 v15, v0;
	v12 =	vld.idx.msk [tilespmem:v14+s17+$0x0], $0xffff  }
0xf1: {  	_ =	sdelay $0x3  }
0xf2: {  	v13 =	vld.idx.msk [tilespmem:v13+s18+$0x0], $0xffff  }
0xf3: {  	v14 =	vld.idx.msk [tilespmem:v14+s18+$0x0], $0xffff  }
0xf4: {  	v15 =	vld [tilespmem:s26+$0x680]  }
0xf5: {  	v16 =	vld.idx.msk [tilespmem:v5+s19+$0x0], $0xffff  }
0xf6: {  	v17 =	vld.idx.msk [tilespmem:v5+s15+$0x0], $0xffff  }
0xf7: {  	v18 =	vld.idx.msk [tilespmem:v6+s19+$0x0], $0xffff  }
0xf8: {  	v19 =	vld.idx.msk [tilespmem:v6+s15+$0x0], $0xffff  }
0xf9: {  	v20 =	vld.idx.msk [tilespmem:v5+s12+$0x0], $0xffff  }
0xfa: {  	v21 =	vld.idx.msk [tilespmem:v6+s12+$0x0], $0xffff  }
0xfb: {  	v5 =	vld.idx.msk [tilespmem:v5+s14+$0x0], $0xffff  }
0xfc: {  	v6 =	vld.idx.msk [tilespmem:v6+s14+$0x0], $0xffff  }
0xfd: {  	v26 =	vld [tilespmem:s25+$0x680]  }
0xfe: {  	v22 =	vld.idx.msk [tilespmem:v16+s16+$0x0], $0xffff  }
0xff: {  	v23 =	vld.idx.msk [tilespmem:v16+s17+$0x0], $0xffff  }
0x100: {  	v24 =	vld.idx.msk [tilespmem:v18+s16+$0x0], $0xffff  }
0x101: {  	v25 =	vld.idx.msk [tilespmem:v18+s17+$0x0], $0xffff  }
0x102: {  	v16 =	vld.idx.msk [tilespmem:v16+s18+$0x0], $0xffff  }
0x103: {  	v18 =	vld.idx.msk [tilespmem:v18+s18+$0x0], $0xffff;
	_ =	swait.ge [sflag:s6], $0x60  }
0x104: {  	[sflag:s6] =	ssyncset.done $0x0  }
0x105: {  	[sflag:s6] =	ssyncadd.s32 $0xFFFFFFA0  }
0x106: {  	_ =	swait.ge [sflag:s6], $0x60  }
0x107: {  	[sflag:s6] =	ssyncset.done $0x0  }
0x108: {  	[sflag:s6] =	ssyncadd.s32 $0xFFFFFFA0  }
0x109: {  	_ =	swait.ge [sflag:s6], $0x20  }
0x10a: {  	[sflag:s6] =	ssyncset.done $0x0  }
0x10b: {  	[sflag:s6] =	ssyncadd.s32 $0xFFFFFFE0  }
0x10c: {  	[bflag:$0x0] =	sbarrier.arrive $0xFFFF  }
0x10d: {  	[tilespmem:s12], [sflag:$0x2] =	stream.linear.gather [spmem:s5], $0x1000, $0x38;
	[tilespmem:$0x8780] =	vst v63  }
0x10e: {  	_ =	swait.ge [sflag:s13], $0x1000  }
0x10f: {  	[sflag:s13] =	ssyncset.done $0x0  }
0x110: {  	[sflag:s13] =	ssyncadd.s32 $0xFFFFF000  }
0x111: {  	[tilespmem:s14], [sflag:$0x2] =	stream.linear.gather [spmem:s3], $0x1000, $0x38;
	[tilespmem:$0x8780] =	vst v63  }
0x112: {  	_ =	swait.ge [sflag:s13], $0x1000  }
0x113: {  	[sflag:s13] =	ssyncset.done $0x0  }
0x114: {  	[sflag:s13] =	ssyncadd.s32 $0xFFFFF000  }
0x115: {  	[tilespmem:s15], [sflag:$0x2] =	stream.linear.gather [spmem:s7], $0x1000, $0x38;
	[tilespmem:$0x8780] =	vst v63  }
0x116: {  	_ =	swait.ge [sflag:s13], $0x1000  }
0x117: {  	[sflag:s13] =	ssyncset.done $0x0  }
0x118: {  	[sflag:s13] =	ssyncadd.s32 $0xFFFFF000  }
0x119: {  	[tilespmem:s16], [sflag:$0x2] =	stream.linear.gather [spmem:s2], $0x1000, $0x38;
	[tilespmem:$0x8780] =	vst v63  }
0x11a: {  	_ =	swait.ge [sflag:s13], $0x1000  }
0x11b: {  	[sflag:s13] =	ssyncset.done $0x0  }
0x11c: {  	[sflag:s13] =	ssyncadd.s32 $0xFFFFF000  }
0x11d: {  	[tilespmem:s17], [sflag:$0x2] =	stream.linear.gather [spmem:s0], $0x1000, $0x38;
	[tilespmem:$0x8780] =	vst v63  }
0x11e: {  	_ =	swait.ge [sflag:s13], $0x1000  }
0x11f: {  	[sflag:s13] =	ssyncset.done $0x0  }
0x120: {  	[sflag:s13] =	ssyncadd.s32 $0xFFFFF000  }
0x121: {  	[tilespmem:s18], [sflag:$0x2] =	stream.linear.gather [spmem:s9], $0x1000, $0x38;
	[tilespmem:$0x8780] =	vst v63  }
0x122: {  	_ =	swait.ge [sflag:s13], $0x1000  }
0x123: {  	[sflag:s13] =	ssyncset.done $0x0  }
0x124: {  	[sflag:s13] =	ssyncadd.s32 $0xFFFFF000  }
0x125: {  	[tilespmem:s19], [sflag:$0x2] =	stream.linear.gather [spmem:s8], $0x1000, $0x38;
	[tilespmem:$0x8780] =	vst v63  }
0x126: {  	_ =	swait.ge [sflag:s13], $0x1000  }
0x127: {  	[sflag:s13] =	ssyncset.done $0x0  }
0x128: {  	s28 =	rddreg [dreg:$0x11];
	[sflag:s13] =	ssyncadd.s32 $0xFFFFF000  }
0x129: {  	[spmem:s21], [sflag:s22] =	dma.local [hbm:s28], $0x60  }
0x12a: {  	s30 =	smov.u32 s2;
	s2 =	rddreg [dreg:$0x12]  }
0x12b: {  	[spmem:s23], [sflag:s22] =	dma.local [hbm:s2], $0x60  }
0x12c: {  	s23 =	simm.s32 $0x0;
	s2 =	rddreg [dreg:$0x1d]  }
0x12d: {  	[spmem:s24], [sflag:s22] =	dma.local [hbm:s2], $0x20  }
0x12e: {  	v3 =	vsub.f32 v3, v4;
	v27 =	vld [tilespmem:s23+$0x80]  }
0x12f: {  	v4 =	vsub.f32 v7, v11  }
0x130: {  	v7 =	vmul.f32 v8, v3;
	v11 =	vld [tilespmem:s23+$0x380]  }
0x131: {  	v1 =	vsub.f32 v1, v2;
	v2 =	vmul.f32 v10, v3;
	v3 =	vmul.f32 v9, v4  }
0x132: {  	v9 =	vsub.f32 v20, v21  }
0x133: {  	v8 =	vmul.f32 v12, v4;
	v6 =	vsub.f32 v5, v6;
	v3 =	vadd.f32 v3, v7;
	s21 =	simm.s32 $0x10  }
0x134: {  	v7 =	vmul.f32 v13, v1;
	v10 =	vmul.f32 v14, v1;
	v12 =	vsub.f32 v17, v19;
	v4 =	vld [tilespmem:s21+$0x80]  }
0x135: {  	v2 =	vadd.f32 v8, v2;
	v1 =	vmul.f32 v22, v9;
	v14 =	vmul.f32 v23, v6;
	v5 =	vld [tilespmem:s21+$0x380]  }
0x136: {  	v3 =	vadd.f32 v7, v3;
	v8 =	vmul.f32 v24, v9;
	v6 =	vmul.f32 v25, v6;
	v13 =	vld.idx.msk [tilespmem:v27+s19+$0x0], $0xffff  }
0x137: {  	v10 =	vadd.f32 v10, v2;
	v9 =	vadd.f32 v14, v1;
	v1 =	vld.idx.msk [tilespmem:v27+s15+$0x0], $0xffff  }
0x138: {  	v7 =	vmul.f32 v16, v12;
	v6 =	vadd.f32 v6, v8;
	v8 =	vmul.f32 v18, v12;
	v14 =	vld.idx.msk [tilespmem:v11+s19+$0x0], $0xffff  }
0x139: {  	v10 =	vand.u32 $0x7FFFFFFF, v10;
	v2 =	vld.idx.msk [tilespmem:v11+s15+$0x0], $0xffff  }
0x13a: {  	v7 =	vadd.f32 v7, v9;
	v9 =	vand.u32 $0x7FFFFFFF, v3;
	v8 =	vadd.f32 v8, v6;
	v3 =	vld.idx.msk [tilespmem:v27+s12+$0x0], $0xffff  }
0x13b: {  	v9 =	vadd.f32 v10, v9;
	v6 =	vld.idx.msk [tilespmem:v11+s12+$0x0], $0xffff  }
0x13c: {  	v10 =	vand.u32 $0x7FFFFFFF, v7;
	v8 =	vand.u32 $0x7FFFFFFF, v8;
	v7 =	vld.idx.msk [tilespmem:v27+s14+$0x0], $0xffff  }
0x13d: {  	v9 =	vmul.f32 v9, v15;
	v10 =	vadd.f32 v8, v10;
	v11 =	vld.idx.msk [tilespmem:v11+s14+$0x0], $0xffff  }
0x13e: {  	v8 =	vld.idx.msk [tilespmem:v13+s16+$0x0], $0xffff  }
0x13f: {  	v0 =	vadd.f32 v9, v0;
	v12 =	vmul.f32 v10, v26;
	v9 =	vld.idx.msk [tilespmem:v13+s17+$0x0], $0xffff  }
0x140: {  	v10 =	vld.idx.msk [tilespmem:v14+s16+$0x0], $0xffff  }
0x141: {  	s29 =	smov.u32 s5;
	s31 =	smov.u32 s8;
	v0 =	vadd.f32 v12, v0;
	s24 =	simm.s32 $0x80;
	v12 =	vld.idx.msk [tilespmem:v14+s17+$0x0], $0xffff  }
.LBB2_6:
0x142: {  	p0 =	sne.s32 s24, $0xBC0;
	v15 =	vld.idx.msk [tilespmem:v13+s18+$0x0], $0xffff  }
0x143: {  	v16 =	vld.idx.msk [tilespmem:v14+s18+$0x0], $0xffff  }
0x144: {  	v3 =	vsub.f32 v3, v6;
	v6 =	vsub.f32 v7, v11;
	v17 =	vld [tilespmem:s23+$0x680];
	s23 =	smov.u32 s21;
	s21 =	sshra.s32 s24, $0x2  }
0x145: {  	v11 =	vld [tilespmem:s21+$0x80]  }
0x146: {  	v2 =	vsub.f32 v1, v2;
	v7 =	vmul.f32 v8, v3;
	v8 =	vmul.f32 v9, v6;
	v18 =	vld [tilespmem:s21+$0x380]  }
0x147: {  	v3 =	vmul.f32 v10, v3;
	v6 =	vmul.f32 v12, v6;
	v13 =	vld.idx.msk [tilespmem:v4+s19+$0x0], $0xffff  }
0x148: {  	v9 =	vmul.f32 v15, v2;
	v1 =	vld.idx.msk [tilespmem:v4+s15+$0x0], $0xffff  }
0x149: {  	v7 =	vadd.f32 v8, v7;
	v6 =	vadd.f32 v6, v3;
	v8 =	vmul.f32 v16, v2;
	v14 =	vld.idx.msk [tilespmem:v5+s19+$0x0], $0xffff  }
0x14a: {  	v2 =	vld.idx.msk [tilespmem:v5+s15+$0x0], $0xffff  }
0x14b: {  	v9 =	vadd.f32 v9, v7;
	v8 =	vadd.f32 v8, v6;
	v3 =	vld.idx.msk [tilespmem:v4+s12+$0x0], $0xffff  }
0x14c: {  	v6 =	vld.idx.msk [tilespmem:v5+s12+$0x0], $0xffff  }
0x14d: {  	v9 =	vand.u32 $0x7FFFFFFF, v9;
	v8 =	vand.u32 $0x7FFFFFFF, v8;
	v7 =	vld.idx.msk [tilespmem:v4+s14+$0x0], $0xffff;
	v4 =	vmov v11  }
.Ltmp2:
0x14e: {  	v10 =	vadd.f32 v8, v9;
	v11 =	vld.idx.msk [tilespmem:v5+s14+$0x0], $0xffff;
	v5 =	vmov v18;
	(pc) =	sbr.rel @p0 .LBB2_6-.Ltmp2, $4  }
0x14f: {  	v8 =	vld.idx.msk [tilespmem:v13+s16+$0x0], $0xffff  }
0x150: {  	v15 =	vmul.f32 v10, v17;
	v9 =	vld.idx.msk [tilespmem:v13+s17+$0x0], $0xffff  }
0x151: {  	v10 =	vld.idx.msk [tilespmem:v14+s16+$0x0], $0xffff  }
0x152: {  	s24 =	sadd.s32 $0x40, s24;
	v0 =	vadd.f32 v15, v0;
	v12 =	vld.idx.msk [tilespmem:v14+s17+$0x0], $0xffff  }
0x153: {  	_ =	sdelay $0x3  }
0x154: {  	v13 =	vld.idx.msk [tilespmem:v13+s18+$0x0], $0xffff  }
0x155: {  	v14 =	vld.idx.msk [tilespmem:v14+s18+$0x0], $0xffff  }
0x156: {  	v15 =	vld [tilespmem:s23+$0x680]  }
0x157: {  	v16 =	vld.idx.msk [tilespmem:v4+s19+$0x0], $0xffff  }
0x158: {  	v17 =	vld.idx.msk [tilespmem:v4+s15+$0x0], $0xffff  }
0x159: {  	v18 =	vld.idx.msk [tilespmem:v5+s19+$0x0], $0xffff  }
0x15a: {  	v19 =	vld.idx.msk [tilespmem:v5+s15+$0x0], $0xffff  }
0x15b: {  	v20 =	vld.idx.msk [tilespmem:v4+s12+$0x0], $0xffff  }
0x15c: {  	v21 =	vld.idx.msk [tilespmem:v5+s12+$0x0], $0xffff  }
0x15d: {  	v4 =	vld.idx.msk [tilespmem:v4+s14+$0x0], $0xffff  }
0x15e: {  	v5 =	vld.idx.msk [tilespmem:v5+s14+$0x0], $0xffff  }
0x15f: {  	v26 =	vld [tilespmem:s21+$0x680]  }
0x160: {  	v22 =	vld.idx.msk [tilespmem:v16+s16+$0x0], $0xffff  }
0x161: {  	v23 =	vld.idx.msk [tilespmem:v16+s17+$0x0], $0xffff  }
0x162: {  	v24 =	vld.idx.msk [tilespmem:v18+s16+$0x0], $0xffff  }
0x163: {  	v25 =	vld.idx.msk [tilespmem:v18+s17+$0x0], $0xffff  }
0x164: {  	v16 =	vld.idx.msk [tilespmem:v16+s18+$0x0], $0xffff  }
0x165: {  	v18 =	vld.idx.msk [tilespmem:v18+s18+$0x0], $0xffff;
	_ =	swait.ge [sflag:s6], $0x60  }
0x166: {  	[sflag:s6] =	ssyncset.done $0x0  }
0x167: {  	[sflag:s6] =	ssyncadd.s32 $0xFFFFFFA0  }
0x168: {  	_ =	swait.ge [sflag:s6], $0x60  }
0x169: {  	[sflag:s6] =	ssyncset.done $0x0  }
0x16a: {  	[sflag:s6] =	ssyncadd.s32 $0xFFFFFFA0  }
0x16b: {  	_ =	swait.ge [sflag:s6], $0x20  }
0x16c: {  	[sflag:s6] =	ssyncset.done $0x0  }
0x16d: {  	[sflag:s6] =	ssyncadd.s32 $0xFFFFFFE0  }
0x16e: {  	[bflag:$0x0] =	sbarrier.arrive $0xFFFF  }
0x16f: {  	s2 =	rddreg [dreg:$0x4]  }
0x170: {  	[tilespmem:s12], [sflag:$0x2] =	stream.linear.gather [spmem:s2], $0x1000, $0x38;
	[tilespmem:$0x8780] =	vst v63  }
0x171: {  	_ =	swait.ge [sflag:s13], $0x1000  }
0x172: {  	[sflag:s13] =	ssyncset.done $0x0  }
0x173: {  	[sflag:s13] =	ssyncadd.s32 $0xFFFFF000  }
0x174: {  	[tilespmem:s14], [sflag:$0x2] =	stream.linear.gather [spmem:s1], $0x1000, $0x38;
	[tilespmem:$0x8780] =	vst v63  }
0x175: {  	_ =	swait.ge [sflag:s13], $0x1000  }
0x176: {  	[sflag:s13] =	ssyncset.done $0x0  }
0x177: {  	[sflag:s13] =	ssyncadd.s32 $0xFFFFF000  }
0x178: {  	[tilespmem:s15], [sflag:$0x2] =	stream.linear.gather [spmem:s10], $0x1000, $0x38;
	[tilespmem:$0x8780] =	vst v63  }
0x179: {  	_ =	swait.ge [sflag:s13], $0x1000  }
0x17a: {  	[sflag:s13] =	ssyncset.done $0x0  }
0x17b: {  	[sflag:s13] =	ssyncadd.s32 $0xFFFFF000  }
0x17c: {  	s26 =	rddreg [dreg:$0x5]  }
0x17d: {  	[tilespmem:s16], [sflag:$0x2] =	stream.linear.gather [spmem:s26], $0x1000, $0x38;
	[tilespmem:$0x8780] =	vst v63  }
0x17e: {  	_ =	swait.ge [sflag:s13], $0x1000  }
0x17f: {  	[sflag:s13] =	ssyncset.done $0x0  }
0x180: {  	[sflag:s13] =	ssyncadd.s32 $0xFFFFF000  }
0x181: {  	[tilespmem:s17], [sflag:$0x2] =	stream.linear.gather [spmem:s11], $0x1000, $0x38;
	[tilespmem:$0x8780] =	vst v63  }
0x182: {  	_ =	swait.ge [sflag:s13], $0x1000  }
0x183: {  	[sflag:s13] =	ssyncset.done $0x0  }
0x184: {  	[sflag:s13] =	ssyncadd.s32 $0xFFFFF000  }
0x185: {  	[tilespmem:s18], [sflag:$0x2] =	stream.linear.gather [spmem:s4], $0x1000, $0x38;
	[tilespmem:$0x8780] =	vst v63  }
0x186: {  	_ =	swait.ge [sflag:s13], $0x1000  }
0x187: {  	[sflag:s13] =	ssyncset.done $0x0  }
0x188: {  	[sflag:s13] =	ssyncadd.s32 $0xFFFFF000  }
0x189: {  	s28 =	rddreg [dreg:$0x6]  }
0x18a: {  	[tilespmem:s19], [sflag:$0x2] =	stream.linear.gather [spmem:s28], $0x1000, $0x38;
	[tilespmem:$0x8780] =	vst v63  }
0x18b: {  	_ =	swait.ge [sflag:s13], $0x1000  }
0x18c: {  	[sflag:s13] =	ssyncset.done $0x0  }
0x18d: {  	s21 =	simm.s32 $0x0;
	[sflag:s13] =	ssyncadd.s32 $0xFFFFF000  }
0x18e: {  	v3 =	vsub.f32 v3, v6;
	v6 =	vsub.f32 v7, v11;
	v27 =	vld [tilespmem:s21+$0x80];
	_ =	sdelay $0x1  }
0x18f: {  	v1 =	vsub.f32 v1, v2;
	v7 =	vmul.f32 v8, v3;
	v2 =	vmul.f32 v9, v6;
	v11 =	vld [tilespmem:s21+$0x380];
	_ =	sdelay $0x1  }
0x190: {  	v3 =	vmul.f32 v10, v3;
	v7 =	vadd.f32 v2, v7  }
0x191: {  	s23 =	simm.s32 $0x10;
	v6 =	vmul.f32 v12, v6;
	v8 =	vsub.f32 v20, v21;
	v4 =	vsub.f32 v4, v5  }
0x192: {  	v9 =	vmul.f32 v13, v1;
	v10 =	vmul.f32 v14, v1;
	v12 =	vsub.f32 v17, v19;
	v1 =	vld [tilespmem:s23+$0x80]  }
0x193: {  	v6 =	vadd.f32 v6, v3;
	v13 =	vmul.f32 v22, v8;
	v14 =	vmul.f32 v23, v4;
	v2 =	vld [tilespmem:s23+$0x380]  }
0x194: {  	v8 =	vmul.f32 v24, v8;
	v4 =	vmul.f32 v25, v4;
	v5 =	vld.idx.msk [tilespmem:v27+s19+$0x0], $0xffff  }
0x195: {  	v7 =	vadd.f32 v9, v7;
	v10 =	vadd.f32 v10, v6;
	v9 =	vmul.f32 v16, v12;
	v3 =	vld.idx.msk [tilespmem:v27+s15+$0x0], $0xffff  }
0x196: {  	v12 =	vmul.f32 v18, v12;
	v13 =	vadd.f32 v14, v13;
	v8 =	vadd.f32 v4, v8;
	v6 =	vld.idx.msk [tilespmem:v11+s19+$0x0], $0xffff  }
0x197: {  	v10 =	vand.u32 $0x7FFFFFFF, v10;
	v4 =	vld.idx.msk [tilespmem:v11+s15+$0x0], $0xffff  }
0x198: {  	v9 =	vadd.f32 v9, v13;
	v13 =	vand.u32 $0x7FFFFFFF, v7;
	v12 =	vadd.f32 v12, v8;
	v7 =	vld.idx.msk [tilespmem:v27+s12+$0x0], $0xffff  }
0x199: {  	v10 =	vadd.f32 v10, v13;
	v8 =	vld.idx.msk [tilespmem:v11+s12+$0x0], $0xffff  }
0x19a: {  	v13 =	vand.u32 $0x7FFFFFFF, v9;
	v12 =	vand.u32 $0x7FFFFFFF, v12;
	v9 =	vld.idx.msk [tilespmem:v27+s14+$0x0], $0xffff  }
0x19b: {  	v15 =	vmul.f32 v10, v15;
	v12 =	vadd.f32 v12, v13;
	v14 =	vld.idx.msk [tilespmem:v11+s14+$0x0], $0xffff  }
0x19c: {  	v10 =	vld.idx.msk [tilespmem:v5+s16+$0x0], $0xffff  }
0x19d: {  	v0 =	vadd.f32 v15, v0;
	v13 =	vmul.f32 v12, v26;
	v12 =	vld.idx.msk [tilespmem:v5+s17+$0x0], $0xffff  }
0x19e: {  	v11 =	vld.idx.msk [tilespmem:v6+s16+$0x0], $0xffff  }
0x19f: {  	s24 =	simm.s32 $0x80;
	v0 =	vadd.f32 v13, v0;
	v13 =	vld.idx.msk [tilespmem:v6+s17+$0x0], $0xffff  }
.LBB2_8:
0x1a0: {  	p0 =	sne.s32 s24, $0xBC0;
	v15 =	vld.idx.msk [tilespmem:v5+s18+$0x0], $0xffff  }
0x1a1: {  	v16 =	vld.idx.msk [tilespmem:v6+s18+$0x0], $0xffff  }
0x1a2: {  	v6 =	vsub.f32 v7, v8;
	v7 =	vsub.f32 v9, v14;
	v17 =	vld [tilespmem:s21+$0x680];
	s21 =	smov.u32 s23;
	s23 =	sshra.s32 s24, $0x2  }
0x1a3: {  	v14 =	vld [tilespmem:s23+$0x80]  }
0x1a4: {  	v4 =	vsub.f32 v3, v4;
	v8 =	vmul.f32 v10, v6;
	v9 =	vmul.f32 v12, v7;
	v18 =	vld [tilespmem:s23+$0x380]  }
0x1a5: {  	v10 =	vmul.f32 v11, v6;
	v7 =	vmul.f32 v13, v7;
	v5 =	vld.idx.msk [tilespmem:v1+s19+$0x0], $0xffff  }
0x1a6: {  	v11 =	vmul.f32 v15, v4;
	v3 =	vld.idx.msk [tilespmem:v1+s15+$0x0], $0xffff  }
0x1a7: {  	v8 =	vadd.f32 v9, v8;
	v9 =	vadd.f32 v7, v10;
	v10 =	vmul.f32 v16, v4;
	v6 =	vld.idx.msk [tilespmem:v2+s19+$0x0], $0xffff  }
0x1a8: {  	v4 =	vld.idx.msk [tilespmem:v2+s15+$0x0], $0xffff  }
0x1a9: {  	v11 =	vadd.f32 v11, v8;
	v10 =	vadd.f32 v10, v9;
	v7 =	vld.idx.msk [tilespmem:v1+s12+$0x0], $0xffff  }
0x1aa: {  	v8 =	vld.idx.msk [tilespmem:v2+s12+$0x0], $0xffff  }
0x1ab: {  	v11 =	vand.u32 $0x7FFFFFFF, v11;
	v10 =	vand.u32 $0x7FFFFFFF, v10;
	v9 =	vld.idx.msk [tilespmem:v1+s14+$0x0], $0xffff;
	v1 =	vmov v14  }
.Ltmp3:
0x1ac: {  	v11 =	vadd.f32 v10, v11;
	v14 =	vld.idx.msk [tilespmem:v2+s14+$0x0], $0xffff;
	v2 =	vmov v18;
	(pc) =	sbr.rel @p0 .LBB2_8-.Ltmp3, $4  }
0x1ad: {  	v10 =	vld.idx.msk [tilespmem:v5+s16+$0x0], $0xffff  }
0x1ae: {  	v15 =	vmul.f32 v11, v17;
	v12 =	vld.idx.msk [tilespmem:v5+s17+$0x0], $0xffff  }
0x1af: {  	v11 =	vld.idx.msk [tilespmem:v6+s16+$0x0], $0xffff  }
0x1b0: {  	s24 =	sadd.s32 $0x40, s24;
	v0 =	vadd.f32 v15, v0;
	v13 =	vld.idx.msk [tilespmem:v6+s17+$0x0], $0xffff  }
0x1b1: {  	_ =	sdelay $0x3  }
0x1b2: {  	v5 =	vld.idx.msk [tilespmem:v5+s18+$0x0], $0xffff  }
0x1b3: {  	v6 =	vld.idx.msk [tilespmem:v6+s18+$0x0], $0xffff  }
0x1b4: {  	v15 =	vld.idx.msk [tilespmem:v1+s19+$0x0], $0xffff  }
0x1b5: {  	v16 =	vld.idx.msk [tilespmem:v1+s15+$0x0], $0xffff  }
0x1b6: {  	v17 =	vld.idx.msk [tilespmem:v2+s19+$0x0], $0xffff  }
0x1b7: {  	v18 =	vld.idx.msk [tilespmem:v2+s15+$0x0], $0xffff  }
0x1b8: {  	v19 =	vld.idx.msk [tilespmem:v1+s12+$0x0], $0xffff  }
0x1b9: {  	v20 =	vld.idx.msk [tilespmem:v2+s12+$0x0], $0xffff  }
0x1ba: {  	v46 =	vld.idx.msk [tilespmem:v1+s14+$0x0], $0xffff  }
0x1bb: {  	v47 =	vld.idx.msk [tilespmem:v2+s14+$0x0], $0xffff  }
0x1bc: {  	v7 =	vsub.f32 v7, v8;
	v48 =	vsub.f32 v9, v14;
	v49 =	vld.idx.msk [tilespmem:v15+s16+$0x0], $0xffff  }
0x1bd: {  	v50 =	vld.idx.msk [tilespmem:v15+s17+$0x0], $0xffff  }
0x1be: {  	v10 =	vmul.f32 v10, v7;
	v12 =	vmul.f32 v12, v48;
	v21 =	vld.idx.msk [tilespmem:v17+s16+$0x0], $0xffff  }
0x1bf: {  	v51 =	vld.idx.msk [tilespmem:v17+s17+$0x0], $0xffff  }
0x1c0: {  	v3 =	vsub.f32 v3, v4;
	v7 =	vmul.f32 v11, v7;
	v10 =	vadd.f32 v12, v10;
	v52 =	vld.idx.msk [tilespmem:v15+s18+$0x0], $0xffff  }
0x1c1: {  	v8 =	vmul.f32 v13, v48;
	v53 =	vsub.f32 v19, v20;
	v1 =	vsub.f32 v46, v47;
	v54 =	vld.idx.msk [tilespmem:v17+s18+$0x0], $0xffff  }
0x1c2: {  	v5 =	vmul.f32 v5, v3;
	v3 =	vmul.f32 v6, v3;
	v55 =	vsub.f32 v16, v18  }
0x1c3: {  	v7 =	vadd.f32 v8, v7;
	v56 =	vmul.f32 v49, v53;
	v57 =	vmul.f32 v50, v1  }
0x1c4: {  	v12 =	vmul.f32 v21, v53;
	v1 =	vmul.f32 v51, v1  }
0x1c5: {  	v58 =	vadd.f32 v5, v10;
	v3 =	vadd.f32 v3, v7;
	v59 =	vmul.f32 v52, v55  }
0x1c6: {  	v60 =	vld [tilespmem:s21+$0x680];
	v2 =	vmul.f32 v54, v55;
	v8 =	vadd.f32 v57, v56;
	v1 =	vadd.f32 v1, v12  }
0x1c7: {  	v4 =	vand.u32 $0x7FFFFFFF, v58  }
0x1c8: {  	v61 =	vld [tilespmem:s23+$0x680];
	v3 =	vand.u32 $0x7FFFFFFF, v3;
	v5 =	vadd.f32 v59, v8;
	v1 =	vadd.f32 v2, v1  }
0x1c9: {  	v62 =	vadd.f32 v3, v4  }
0x1ca: {  	v63 =	vand.u32 $0x7FFFFFFF, v5;
	v1 =	vand.u32 $0x7FFFFFFF, v1  }
0x1cb: {  	v2 =	vmul.f32 v62, v60;
	v1 =	vadd.f32 v1, v63;
	_ =	sdelay $0x1  }
0x1cc: {  	v0 =	vadd.f32 v2, v0;
	v1 =	vmul.f32 v1, v61;
	_ =	sdelay $0x1  }
0x1cd: {  	v0 =	vadd.f32 v1, v0;
	_ =	sdelay $0x1  }
0x1ce: {  	s21 =	simm.s32 $0x0;
	s2 =	rddreg [dreg:$0x14];
	[tilespmem:$0x0] =	vst v0  }
0x1cf: {  	[hbm4b:s2+s21] =	stream.linear.scatter [tilespmem:s21], [sflag:$0x2], $0x10, $0x38;
	[tilespmem:$0x8780] =	vst v63  }
0x1d0: {  	_ =	swait.ge [sflag:s13], $0x10  }
0x1d1: {  	s20 =	sadd.s32 $0x1, s20;
	s28 =	rddreg [dreg:$0x1e]  }
0x1d2: {  	p0 =	sne.s32 s20, s28  }
.Ltmp4:
0x1d3: {  	_ = 	snop;
	(pc) =	sbr.rel @p0 .LBB2_1-.Ltmp4, $3  }
0x1d4: {  	_ =	sdelay $0x1  }
0x1d5: {  	[sflag:s13] =	ssyncset.done $0x0  }
0x1d6: {  	[sflag:s13] =	ssyncadd.s32 $0xFFFFFFF0  }
0x1d7: {  	_ =	sfence.sel $0x180000  }
0x1d8: {  	[bflag:$0x0] =	sbarrier.arrive $0xFFFF  }
0x1d9: {  	_ =	strace $0x9000004A  }
0x1da: {  	s0 =	stileid.u32;
	[bflag:$0x2] =	sbarrier.arrive $0xFFFF  }
0x1db: {  	p0 =	sne.s32 s0, $0x0;
	s0 =	rddreg [dreg:$0x7]  }
0x1dc: {  	s0 =	sadd.s32 @!p0 $0x100000, s0  }
0x1dd: {  	[sflag:s0] =	ssyncadd.tile.s32 @!p0 $0x1;
	_ =	shalt  }
.Lfunc_end2:
_tile_overlayer_lowered:
.L_overlay_start_2:
0x1de: {  	(tag) =	ssettag $0x2  }
0x1df: {  	s0 =	rddreg [dreg:$0x0];
	s2 =	stileid.u32  }
0x1e0: {  	s1 =	rddreg [dreg:$0x1];
	p0 =	sne.s32 s2, $0x0  }
0x1e1: {  	s3 =	rddreg [dreg:$0x2];
	[bflag:$0x3] =	sbarrier.arrive $0xFFFF;
	s2 =	simm.s32 @!p0 $0x1C02  }
0x1e2: {  	[timem:s3], [sflag:s2] =	dma.local @!p0 [hbm:s0], s1  }
0x1e3: {  	s0 =	simm.s32 @!p0 $0x2  }
0x1e4: {  	_ =	swait.ge @!p0 [sflag:s0], s1  }
0x1e5: {  	s1 =	ssub.s32 @!p0 $0x0, s1;
	[sflag:s0] =	ssyncset.done @!p0 $0x0  }
0x1e6: {  	[sflag:s0] =	ssyncadd.s32 @!p0 s1  }
0x1e7: {  	[bflag:$0x3] =	sbarrier.arrive $0xFFFF  }
0x1e8: {  	_ =	shalt  }

</sc_bundles>
